<compile_context>
chip_gen: v7x
topology: tpu7x:2x2x1
jax: 0.10.2.dev20260603
libtpu: 0.0.44.dev20260713+nightly
codegen_flags: <defaults>
</compile_context>

<pallas_src>
import functools

import jax
import jax.numpy as jnp
from jax import lax
from jax.experimental import pallas as pl
from jax.experimental.pallas import tpu as pltpu
from jax.experimental.pallas import tpu_sc as plsc

NUM_NODES = 100000
WINDOW = 6
DIM = 128
BATCH = 16384

NUM_CORES = 2
NUM_SUBCORES = 16
NUM_WORKERS = NUM_CORES * NUM_SUBCORES
B_PER_W = BATCH // NUM_WORKERS
CHUNK = 32
NCHUNK = B_PER_W // CHUNK
NBUF = 3


def _sc_gather_body(bank_hbm, idx_hbm, out_hbm, idx_v, *rest):
    bufs = rest[:NBUF]
    gsems = rest[NBUF:2 * NBUF]
    ssems = rest[2 * NBUF:3 * NBUF]

    wid = lax.axis_index("s") * NUM_CORES + lax.axis_index("c")
    base = wid * B_PER_W
    pltpu.sync_copy(idx_hbm.at[pl.ds(base, B_PER_W)], idx_v)

    gathers = [None] * NBUF
    scatters = [None] * NBUF

    def start_gather(c):
        b = c % NBUF
        if scatters[b] is not None:
            scatters[b].wait()
        gathers[b] = pltpu.async_copy(
            bank_hbm.at[idx_v.at[pl.ds(c * CHUNK, CHUNK)]], bufs[b], gsems[b])

    def finish_chunk(c):
        b = c % NBUF
        gathers[b].wait()
        scatters[b] = pltpu.async_copy(
            bufs[b], out_hbm.at[pl.ds(base + c * CHUNK, CHUNK)], ssems[b])

    depth = NBUF - 1
    for c in range(NCHUNK):
        start_gather(c)
        if c >= depth:
            finish_chunk(c - depth)
    for c in range(NCHUNK - depth, NCHUNK):
        finish_chunk(c)
    for b in range(NBUF):
        if scatters[b] is not None:
            scatters[b].wait()


def _sc_gather(bank, idx):
    mesh = plsc.VectorSubcoreMesh(core_axis_name="c", subcore_axis_name="s")
    k = functools.partial(
        pl.kernel,
        out_type=jax.ShapeDtypeStruct((BATCH, WINDOW, DIM), jnp.float32),
        mesh=mesh,
        compiler_params=pltpu.CompilerParams(use_tc_tiling_on_sc=True),
        scratch_types=(
            [pltpu.VMEM((B_PER_W,), jnp.int32)]
            + [pltpu.VMEM((CHUNK, WINDOW, DIM), jnp.float32)
               for _ in range(NBUF)]
            + [pltpu.SemaphoreType.DMA for _ in range(2 * NBUF)]
        ),
    )(_sc_gather_body)
    return k(bank, idx)


ROWS_BLK = 1024


def _consistency_body(evo_ref, out_ref):
    x = evo_ref[...]
    n2 = jnp.sum(x * x, axis=-1)
    n = jnp.maximum(jnp.sqrt(n2), 1e-6)
    dot = jnp.sum(x[:, :-1, :] * x[:, 1:, :], axis=-1)
    sim = dot / (n[:, :-1] * n[:, 1:])
    mean = jnp.mean(sim, axis=-1, keepdims=True)
    var = jnp.sum((sim - mean) ** 2, axis=-1) / (WINDOW - 2)
    std = jnp.sqrt(var)
    out_ref[...] = jnp.clip(1.0 / (1.0 + std), 0.0, 1.0)[:, None]


def _consistency(evo):
    return pl.pallas_call(
        _consistency_body,
        grid=(BATCH // ROWS_BLK,),
        in_specs=[pl.BlockSpec((ROWS_BLK, WINDOW, DIM), lambda i: (i, 0, 0))],
        out_specs=pl.BlockSpec((ROWS_BLK, 1), lambda i: (i, 0)),
        out_shape=jax.ShapeDtypeStruct((BATCH, 1), jnp.float32),
    )(evo)


def kernel(bank, idx):
    evo = _sc_gather(bank, idx)
    cons = _consistency(evo).reshape(BATCH)
    return evo, cons

# --- scband reference (transcript-rebuilt; emitter-appended) ---
"""Pipeline reference for scband-evolution-bank-76836964926208 (READ-ONLY COPY).

The authoritative reference and input builder live on the scoring server;
editing this copy changes nothing except your own understanding.
"""

import jax, jax.numpy as jnp
import numpy as np

NUM_NODES = 100000
WINDOW = 6
DIM = 128
BATCH = 16384


def setup_inputs(seed: int = 0) -> dict:
    key = jax.random.key(seed)
    k1, k2 = jax.random.split(key)
    # bank buffer: in the torch module it is a registered buffer (num_nodes, window, dim).
    # Initialized randomly here so temporal_consistency is non-degenerate.
    bank = jax.random.normal(k1, (NUM_NODES, WINDOW, DIM), dtype=jnp.float32)
    idx = jax.random.randint(k2, (BATCH,), 0, NUM_NODES, dtype=jnp.int32)
    return {"bank": bank, "idx": idx}


def reference(bank, idx):
    """Faithful port of EvolutionBank.read + EvolutionBank.temporal_consistency.

    read(idx): gather (B, W, D) windows from the bank (the memory-bound op).
    temporal_consistency(idx): 1 / (1 + std of step-to-step cosine sims), clamped to [0,1].
    Returns (evo, consistency).
    """
    # read: gather rows of the memory bank
    evo = jnp.take(bank, idx, axis=0)  # (B, W, D)

    # F.normalize(evo, dim=-1, eps=1e-6): x / max(||x||_2, eps)
    nrm = jnp.linalg.norm(evo, axis=-1, keepdims=True)
    evo_norm = evo / jnp.maximum(nrm, 1e-6)

    # cosine similarity between consecutive window steps: (B, W-1)
    sim = jnp.sum(evo_norm[:, :-1, :] * evo_norm[:, 1:, :], axis=-1)

    # torch .std(dim=-1) uses Bessel correction (ddof=1)
    std = jnp.std(sim, axis=-1, ddof=1)
    consistency = 1.0 / (1.0 + std)
    consistency = jnp.clip(consistency, 0.0, 1.0)
    return evo, consistency

if __name__ == "__main__":
    import jax
    _d = setup_inputs()
    print(jax.jit(kernel)(*tuple(_d.values())))

</pallas_src>

<mosaic_0001>
#map = affine_map<(d0, d1) -> (0, 0, 0)>
#map1 = affine_map<(d0, d1) -> (0)>
module attributes {stable_mosaic.version = 14 : i64} {
  func.func @_sc_gather_body(%arg0: i32, %arg1: i32, %arg2: memref<100000x6x128xf32, #tpu.memory_space<hbm>>, %arg3: memref<16384xi32, #tpu.memory_space<hbm>>, %arg4: memref<16384x6x128xf32, #tpu.memory_space<hbm>>, %arg5: memref<512xi32, #tpu.memory_space<vmem>>, %arg6: memref<32x6x128xf32, #tpu.memory_space<vmem>>, %arg7: memref<32x6x128xf32, #tpu.memory_space<vmem>>, %arg8: memref<32x6x128xf32, #tpu.memory_space<vmem>>, %arg9: memref<!tpu.dma_semaphore, #tpu.memory_space<semaphore_mem>>, %arg10: memref<!tpu.dma_semaphore, #tpu.memory_space<semaphore_mem>>, %arg11: memref<!tpu.dma_semaphore, #tpu.memory_space<semaphore_mem>>, %arg12: memref<!tpu.dma_semaphore, #tpu.memory_space<semaphore_mem>>, %arg13: memref<!tpu.dma_semaphore, #tpu.memory_space<semaphore_mem>>, %arg14: memref<!tpu.dma_semaphore, #tpu.memory_space<semaphore_mem>>) attributes {dimension_semantics = [#tpu.dimension_semantics<core_parallel>, #tpu.dimension_semantics<subcore_parallel>], iteration_bounds = array<i64: 2, 16>, scalar_prefetch = 0 : i64, scratch_operands = 10 : i64, tpu.core_type = #tpu.core_type<sc_vector_subcore>, window_params = [{transform_indices = #map}, {transform_indices = #map1}, {transform_indices = #map}]} {
    %mul3A = arith.constant 2 : i32
    %mul3A_0 = arith.muli %arg1, %mul3A : i32
    %add3A = arith.addi %mul3A_0, %arg0 : i32
    %mul3A_1 = arith.constant 512 : i32
    %mul3A_2 = arith.muli %add3A, %mul3A_1 : i32
    "tpu.region"() ({
      %run_scoped3A = tpu.sem_alloc : memref<!tpu.dma_semaphore, #tpu.memory_space<semaphore_mem>>
      %dma_start3A_417 = tpu.memref_slice %arg3[%mul3A_2] : memref<16384xi32, #tpu.memory_space<hbm>> -> memref<512xi32, #tpu.memory_space<hbm>>
      %dma_start3A_418 = tpu.memref_slice %arg3[%mul3A_2] : memref<16384xi32, #tpu.memory_space<hbm>> -> memref<512xi32, #tpu.memory_space<hbm>>
      tpu.enqueue_dma source(%dma_start3A_418 : memref<512xi32, #tpu.memory_space<hbm>>) target(%arg5 : memref<512xi32, #tpu.memory_space<vmem>>) target_semaphore(%run_scoped3A : memref<!tpu.dma_semaphore, #tpu.memory_space<semaphore_mem>>)
      %dma_wait3A_419 = tpu.memref_slice %arg3[%mul3A_2] : memref<16384xi32, #tpu.memory_space<hbm>> -> memref<512xi32, #tpu.memory_space<hbm>>
      %dma_wait3A_420 = tpu.memref_slice %arg3[%mul3A_2] : memref<16384xi32, #tpu.memory_space<hbm>> -> memref<512xi32, #tpu.memory_space<hbm>>
      tpu.wait_dma2 semaphore(%run_scoped3A : memref<!tpu.dma_semaphore, #tpu.memory_space<semaphore_mem>>) src(%dma_wait3A_420 : memref<512xi32, #tpu.memory_space<hbm>>) dst(%arg5 : memref<512xi32, #tpu.memory_space<vmem>>)
      tpu.yield
    }) : () -> ()
    %dma_start3A = arith.constant 0 : i32
    %dma_start3A_3 = tpu.memref_slice %arg5[%dma_start3A] : memref<512xi32, #tpu.memory_space<vmem>> -> memref<32xi32, #tpu.memory_space<vmem>>
    %dma_start3A_4 = arith.constant 0 : i32
    %dma_start3A_5 = arith.constant 0 : i32
    %dma_start3A_6 = arith.constant 0 : i32
    %dma_start3A_7 = tpu.memref_slice %arg2[%dma_start3A_4, %dma_start3A_5, %dma_start3A_6] : memref<100000x6x128xf32, #tpu.memory_space<hbm>> -> memref<100000x6x128xf32, #tpu.memory_space<hbm>>
    tpu.enqueue_indirect_dma source(%dma_start3A_7 : memref<100000x6x128xf32, #tpu.memory_space<hbm>>) target(%arg6 : memref<32x6x128xf32, #tpu.memory_space<vmem>>) offsets(%dma_start3A_3 : memref<32xi32, #tpu.memory_space<vmem>>) semaphore(%arg9 : memref<!tpu.dma_semaphore, #tpu.memory_space<semaphore_mem>>)
    %dma_start3A_8 = arith.constant 32 : i32
    %dma_start3A_9 = tpu.memref_slice %arg5[%dma_start3A_8] : memref<512xi32, #tpu.memory_space<vmem>> -> memref<32xi32, #tpu.memory_space<vmem>>
    %dma_start3A_10 = arith.constant 0 : i32
    %dma_start3A_11 = arith.constant 0 : i32
    %dma_start3A_12 = arith.constant 0 : i32
    %dma_start3A_13 = tpu.memref_slice %arg2[%dma_start3A_10, %dma_start3A_11, %dma_start3A_12] : memref<100000x6x128xf32, #tpu.memory_space<hbm>> -> memref<100000x6x128xf32, #tpu.memory_space<hbm>>
    tpu.enqueue_indirect_dma source(%dma_start3A_13 : memref<100000x6x128xf32, #tpu.memory_space<hbm>>) target(%arg7 : memref<32x6x128xf32, #tpu.memory_space<vmem>>) offsets(%dma_start3A_9 : memref<32xi32, #tpu.memory_space<vmem>>) semaphore(%arg10 : memref<!tpu.dma_semaphore, #tpu.memory_space<semaphore_mem>>)
    %dma_start3A_14 = arith.constant 64 : i32
    %dma_start3A_15 = tpu.memref_slice %arg5[%dma_start3A_14] : memref<512xi32, #tpu.memory_space<vmem>> -> memref<32xi32, #tpu.memory_space<vmem>>
    %dma_start3A_16 = arith.constant 0 : i32
    %dma_start3A_17 = arith.constant 0 : i32
    %dma_start3A_18 = arith.constant 0 : i32
    %dma_start3A_19 = tpu.memref_slice %arg2[%dma_start3A_16, %dma_start3A_17, %dma_start3A_18] : memref<100000x6x128xf32, #tpu.memory_space<hbm>> -> memref<100000x6x128xf32, #tpu.memory_space<hbm>>
    tpu.enqueue_indirect_dma source(%dma_start3A_19 : memref<100000x6x128xf32, #tpu.memory_space<hbm>>) target(%arg8 : memref<32x6x128xf32, #tpu.memory_space<vmem>>) offsets(%dma_start3A_15 : memref<32xi32, #tpu.memory_space<vmem>>) semaphore(%arg11 : memref<!tpu.dma_semaphore, #tpu.memory_space<semaphore_mem>>)
    %dma_wait3A = arith.constant 0 : i32
    %dma_wait3A_20 = tpu.memref_slice %arg5[%dma_wait3A] : memref<512xi32, #tpu.memory_space<vmem>> -> memref<32xi32, #tpu.memory_space<vmem>>
    %dma_wait3A_21 = arith.constant 0 : i32
    %dma_wait3A_22 = arith.constant 0 : i32
    %dma_wait3A_23 = arith.constant 0 : i32
    %dma_wait3A_24 = tpu.memref_slice %arg2[%dma_wait3A_21, %dma_wait3A_22, %dma_wait3A_23] : memref<100000x6x128xf32, #tpu.memory_space<hbm>> -> memref<100000x6x128xf32, #tpu.memory_space<hbm>>
    tpu.wait_indirect_dma semaphore(%arg9 : memref<!tpu.dma_semaphore, #tpu.memory_space<semaphore_mem>>) src(%dma_wait3A_24 : memref<100000x6x128xf32, #tpu.memory_space<hbm>>) dst(%arg6 : memref<32x6x128xf32, #tpu.memory_space<vmem>>)
    %add3A_25 = arith.constant 0 : i32
    %add3A_26 = arith.addi %mul3A_2, %add3A_25 : i32
    %dma_start3A_27 = arith.constant 0 : i32
    %dma_start3A_28 = arith.constant 0 : i32
    %dma_start3A_29 = tpu.memref_slice %arg4[%add3A_26, %dma_start3A_27, %dma_start3A_28] : memref<16384x6x128xf32, #tpu.memory_space<hbm>> -> memref<32x6x128xf32, #tpu.memory_space<hbm>>
    %dma_start3A_30 = arith.constant 0 : i32
    %dma_start3A_31 = arith.constant 0 : i32
    %dma_start3A_32 = tpu.memref_slice %arg4[%add3A_26, %dma_start3A_30, %dma_start3A_31] : memref<16384x6x128xf32, #tpu.memory_space<hbm>> -> memref<32x6x128xf32, #tpu.memory_space<hbm>>
    tpu.enqueue_dma source(%arg6 : memref<32x6x128xf32, #tpu.memory_space<vmem>>) target(%dma_start3A_32 : memref<32x6x128xf32, #tpu.memory_space<hbm>>) target_semaphore(%arg12 : memref<!tpu.dma_semaphore, #tpu.memory_space<semaphore_mem>>)
    %dma_wait3A_33 = arith.constant 0 : i32
    %dma_wait3A_34 = arith.constant 0 : i32
    %dma_wait3A_35 = tpu.memref_slice %arg4[%add3A_26, %dma_wait3A_33, %dma_wait3A_34] : memref<16384x6x128xf32, #tpu.memory_space<hbm>> -> memref<32x6x128xf32, #tpu.memory_space<hbm>>
    %dma_wait3A_36 = arith.constant 0 : i32
    %dma_wait3A_37 = arith.constant 0 : i32
    %dma_wait3A_38 = tpu.memref_slice %arg4[%add3A_26, %dma_wait3A_36, %dma_wait3A_37] : memref<16384x6x128xf32, #tpu.memory_space<hbm>> -> memref<32x6x128xf32, #tpu.memory_space<hbm>>
    tpu.wait_dma2 semaphore(%arg12 : memref<!tpu.dma_semaphore, #tpu.memory_space<semaphore_mem>>) src(%arg6 : memref<32x6x128xf32, #tpu.memory_space<vmem>>) dst(%dma_wait3A_38 : memref<32x6x128xf32, #tpu.memory_space<hbm>>)
    %dma_start3A_39 = arith.constant 96 : i32
    %dma_start3A_40 = tpu.memref_slice %arg5[%dma_start3A_39] : memref<512xi32, #tpu.memory_space<vmem>> -> memref<32xi32, #tpu.memory_space<vmem>>
    %dma_start3A_41 = arith.constant 0 : i32
    %dma_start3A_42 = arith.constant 0 : i32
    %dma_start3A_43 = arith.constant 0 : i32
    %dma_start3A_44 = tpu.memref_slice %arg2[%dma_start3A_41, %dma_start3A_42, %dma_start3A_43] : memref<100000x6x128xf32, #tpu.memory_space<hbm>> -> memref<100000x6x128xf32, #tpu.memory_space<hbm>>
    tpu.enqueue_indirect_dma source(%dma_start3A_44 : memref<100000x6x128xf32, #tpu.memory_space<hbm>>) target(%arg6 : memref<32x6x128xf32, #tpu.memory_space<vmem>>) offsets(%dma_start3A_40 : memref<32xi32, #tpu.memory_space<vmem>>) semaphore(%arg9 : memref<!tpu.dma_semaphore, #tpu.memory_space<semaphore_mem>>)
    %dma_wait3A_45 = arith.constant 32 : i32
    %dma_wait3A_46 = tpu.memref_slice %arg5[%dma_wait3A_45] : memref<512xi32, #tpu.memory_space<vmem>> -> memref<32xi32, #tpu.memory_space<vmem>>
    %dma_wait3A_47 = arith.constant 0 : i32
    %dma_wait3A_48 = arith.constant 0 : i32
    %dma_wait3A_49 = arith.constant 0 : i32
    %dma_wait3A_50 = tpu.memref_slice %arg2[%dma_wait3A_47, %dma_wait3A_48, %dma_wait3A_49] : memref<100000x6x128xf32, #tpu.memory_space<hbm>> -> memref<100000x6x128xf32, #tpu.memory_space<hbm>>
    tpu.wait_indirect_dma semaphore(%arg10 : memref<!tpu.dma_semaphore, #tpu.memory_space<semaphore_mem>>) src(%dma_wait3A_50 : memref<100000x6x128xf32, #tpu.memory_space<hbm>>) dst(%arg7 : memref<32x6x128xf32, #tpu.memory_space<vmem>>)
    %add3A_51 = arith.constant 32 : i32
    %add3A_52 = arith.addi %mul3A_2, %add3A_51 : i32
    %dma_start3A_53 = arith.constant 0 : i32
    %dma_start3A_54 = arith.constant 0 : i32
    %dma_start3A_55 = tpu.memref_slice %arg4[%add3A_52, %dma_start3A_53, %dma_start3A_54] : memref<16384x6x128xf32, #tpu.memory_space<hbm>> -> memref<32x6x128xf32, #tpu.memory_space<hbm>>
    %dma_start3A_56 = arith.constant 0 : i32
    %dma_start3A_57 = arith.constant 0 : i32
    %dma_start3A_58 = tpu.memref_slice %arg4[%add3A_52, %dma_start3A_56, %dma_start3A_57] : memref<16384x6x128xf32, #tpu.memory_space<hbm>> -> memref<32x6x128xf32, #tpu.memory_space<hbm>>
    tpu.enqueue_dma source(%arg7 : memref<32x6x128xf32, #tpu.memory_space<vmem>>) target(%dma_start3A_58 : memref<32x6x128xf32, #tpu.memory_space<hbm>>) target_semaphore(%arg13 : memref<!tpu.dma_semaphore, #tpu.memory_space<semaphore_mem>>)
    %dma_wait3A_59 = arith.constant 0 : i32
    %dma_wait3A_60 = arith.constant 0 : i32
    %dma_wait3A_61 = tpu.memref_slice %arg4[%add3A_52, %dma_wait3A_59, %dma_wait3A_60] : memref<16384x6x128xf32, #tpu.memory_space<hbm>> -> memref<32x6x128xf32, #tpu.memory_space<hbm>>
    %dma_wait3A_62 = arith.constant 0 : i32
    %dma_wait3A_63 = arith.constant 0 : i32
    %dma_wait3A_64 = tpu.memref_slice %arg4[%add3A_52, %dma_wait3A_62, %dma_wait3A_63] : memref<16384x6x128xf32, #tpu.memory_space<hbm>> -> memref<32x6x128xf32, #tpu.memory_space<hbm>>
    tpu.wait_dma2 semaphore(%arg13 : memref<!tpu.dma_semaphore, #tpu.memory_space<semaphore_mem>>) src(%arg7 : memref<32x6x128xf32, #tpu.memory_space<vmem>>) dst(%dma_wait3A_64 : memref<32x6x128xf32, #tpu.memory_space<hbm>>)
    %dma_start3A_65 = arith.constant 128 : i32
    %dma_start3A_66 = tpu.memref_slice %arg5[%dma_start3A_65] : memref<512xi32, #tpu.memory_space<vmem>> -> memref<32xi32, #tpu.memory_space<vmem>>
    %dma_start3A_67 = arith.constant 0 : i32
    %dma_start3A_68 = arith.constant 0 : i32
    %dma_start3A_69 = arith.constant 0 : i32
    %dma_start3A_70 = tpu.memref_slice %arg2[%dma_start3A_67, %dma_start3A_68, %dma_start3A_69] : memref<100000x6x128xf32, #tpu.memory_space<hbm>> -> memref<100000x6x128xf32, #tpu.memory_space<hbm>>
    tpu.enqueue_indirect_dma source(%dma_start3A_70 : memref<100000x6x128xf32, #tpu.memory_space<hbm>>) target(%arg7 : memref<32x6x128xf32, #tpu.memory_space<vmem>>) offsets(%dma_start3A_66 : memref<32xi32, #tpu.memory_space<vmem>>) semaphore(%arg10 : memref<!tpu.dma_semaphore, #tpu.memory_space<semaphore_mem>>)
    %dma_wait3A_71 = arith.constant 64 : i32
    %dma_wait3A_72 = tpu.memref_slice %arg5[%dma_wait3A_71] : memref<512xi32, #tpu.memory_space<vmem>> -> memref<32xi32, #tpu.memory_space<vmem>>
    %dma_wait3A_73 = arith.constant 0 : i32
    %dma_wait3A_74 = arith.constant 0 : i32
    %dma_wait3A_75 = arith.constant 0 : i32
    %dma_wait3A_76 = tpu.memref_slice %arg2[%dma_wait3A_73, %dma_wait3A_74, %dma_wait3A_75] : memref<100000x6x128xf32, #tpu.memory_space<hbm>> -> memref<100000x6x128xf32, #tpu.memory_space<hbm>>
    tpu.wait_indirect_dma semaphore(%arg11 : memref<!tpu.dma_semaphore, #tpu.memory_space<semaphore_mem>>) src(%dma_wait3A_76 : memref<100000x6x128xf32, #tpu.memory_space<hbm>>) dst(%arg8 : memref<32x6x128xf32, #tpu.memory_space<vmem>>)
    %add3A_77 = arith.constant 64 : i32
    %add3A_78 = arith.addi %mul3A_2, %add3A_77 : i32
    %dma_start3A_79 = arith.constant 0 : i32
    %dma_start3A_80 = arith.constant 0 : i32
    %dma_start3A_81 = tpu.memref_slice %arg4[%add3A_78, %dma_start3A_79, %dma_start3A_80] : memref<16384x6x128xf32, #tpu.memory_space<hbm>> -> memref<32x6x128xf32, #tpu.memory_space<hbm>>
    %dma_start3A_82 = arith.constant 0 : i32
    %dma_start3A_83 = arith.constant 0 : i32
    %dma_start3A_84 = tpu.memref_slice %arg4[%add3A_78, %dma_start3A_82, %dma_start3A_83] : memref<16384x6x128xf32, #tpu.memory_space<hbm>> -> memref<32x6x128xf32, #tpu.memory_space<hbm>>
    tpu.enqueue_dma source(%arg8 : memref<32x6x128xf32, #tpu.memory_space<vmem>>) target(%dma_start3A_84 : memref<32x6x128xf32, #tpu.memory_space<hbm>>) target_semaphore(%arg14 : memref<!tpu.dma_semaphore, #tpu.memory_space<semaphore_mem>>)
    %dma_wait3A_85 = arith.constant 0 : i32
    %dma_wait3A_86 = arith.constant 0 : i32
    %dma_wait3A_87 = tpu.memref_slice %arg4[%add3A_78, %dma_wait3A_85, %dma_wait3A_86] : memref<16384x6x128xf32, #tpu.memory_space<hbm>> -> memref<32x6x128xf32, #tpu.memory_space<hbm>>
    %dma_wait3A_88 = arith.constant 0 : i32
    %dma_wait3A_89 = arith.constant 0 : i32
    %dma_wait3A_90 = tpu.memref_slice %arg4[%add3A_78, %dma_wait3A_88, %dma_wait3A_89] : memref<16384x6x128xf32, #tpu.memory_space<hbm>> -> memref<32x6x128xf32, #tpu.memory_space<hbm>>
    tpu.wait_dma2 semaphore(%arg14 : memref<!tpu.dma_semaphore, #tpu.memory_space<semaphore_mem>>) src(%arg8 : memref<32x6x128xf32, #tpu.memory_space<vmem>>) dst(%dma_wait3A_90 : memref<32x6x128xf32, #tpu.memory_space<hbm>>)
    %dma_start3A_91 = arith.constant 160 : i32
    %dma_start3A_92 = tpu.memref_slice %arg5[%dma_start3A_91] : memref<512xi32, #tpu.memory_space<vmem>> -> memref<32xi32, #tpu.memory_space<vmem>>
    %dma_start3A_93 = arith.constant 0 : i32
    %dma_start3A_94 = arith.constant 0 : i32
    %dma_start3A_95 = arith.constant 0 : i32
    %dma_start3A_96 = tpu.memref_slice %arg2[%dma_start3A_93, %dma_start3A_94, %dma_start3A_95] : memref<100000x6x128xf32, #tpu.memory_space<hbm>> -> memref<100000x6x128xf32, #tpu.memory_space<hbm>>
    tpu.enqueue_indirect_dma source(%dma_start3A_96 : memref<100000x6x128xf32, #tpu.memory_space<hbm>>) target(%arg8 : memref<32x6x128xf32, #tpu.memory_space<vmem>>) offsets(%dma_start3A_92 : memref<32xi32, #tpu.memory_space<vmem>>) semaphore(%arg11 : memref<!tpu.dma_semaphore, #tpu.memory_space<semaphore_mem>>)
    %dma_wait3A_97 = arith.constant 96 : i32
    %dma_wait3A_98 = tpu.memref_slice %arg5[%dma_wait3A_97] : memref<512xi32, #tpu.memory_space<vmem>> -> memref<32xi32, #tpu.memory_space<vmem>>
    %dma_wait3A_99 = arith.constant 0 : i32
    %dma_wait3A_100 = arith.constant 0 : i32
    %dma_wait3A_101 = arith.constant 0 : i32
    %dma_wait3A_102 = tpu.memref_slice %arg2[%dma_wait3A_99, %dma_wait3A_100, %dma_wait3A_101] : memref<100000x6x128xf32, #tpu.memory_space<hbm>> -> memref<100000x6x128xf32, #tpu.memory_space<hbm>>
    tpu.wait_indirect_dma semaphore(%arg9 : memref<!tpu.dma_semaphore, #tpu.memory_space<semaphore_mem>>) src(%dma_wait3A_102 : memref<100000x6x128xf32, #tpu.memory_space<hbm>>) dst(%arg6 : memref<32x6x128xf32, #tpu.memory_space<vmem>>)
    %add3A_103 = arith.constant 96 : i32
    %add3A_104 = arith.addi %mul3A_2, %add3A_103 : i32
    %dma_start3A_105 = arith.constant 0 : i32
    %dma_start3A_106 = arith.constant 0 : i32
    %dma_start3A_107 = tpu.memref_slice %arg4[%add3A_104, %dma_start3A_105, %dma_start3A_106] : memref<16384x6x128xf32, #tpu.memory_space<hbm>> -> memref<32x6x128xf32, #tpu.memory_space<hbm>>
    %dma_start3A_108 = arith.constant 0 : i32
    %dma_start3A_109 = arith.constant 0 : i32
    %dma_start3A_110 = tpu.memref_slice %arg4[%add3A_104, %dma_start3A_108, %dma_start3A_109] : memref<16384x6x128xf32, #tpu.memory_space<hbm>> -> memref<32x6x128xf32, #tpu.memory_space<hbm>>
    tpu.enqueue_dma source(%arg6 : memref<32x6x128xf32, #tpu.memory_space<vmem>>) target(%dma_start3A_110 : memref<32x6x128xf32, #tpu.memory_space<hbm>>) target_semaphore(%arg12 : memref<!tpu.dma_semaphore, #tpu.memory_space<semaphore_mem>>)
    %dma_wait3A_111 = arith.constant 0 : i32
    %dma_wait3A_112 = arith.constant 0 : i32
    %dma_wait3A_113 = tpu.memref_slice %arg4[%add3A_104, %dma_wait3A_111, %dma_wait3A_112] : memref<16384x6x128xf32, #tpu.memory_space<hbm>> -> memref<32x6x128xf32, #tpu.memory_space<hbm>>
    %dma_wait3A_114 = arith.constant 0 : i32
    %dma_wait3A_115 = arith.constant 0 : i32
    %dma_wait3A_116 = tpu.memref_slice %arg4[%add3A_104, %dma_wait3A_114, %dma_wait3A_115] : memref<16384x6x128xf32, #tpu.memory_space<hbm>> -> memref<32x6x128xf32, #tpu.memory_space<hbm>>
    tpu.wait_dma2 semaphore(%arg12 : memref<!tpu.dma_semaphore, #tpu.memory_space<semaphore_mem>>) src(%arg6 : memref<32x6x128xf32, #tpu.memory_space<vmem>>) dst(%dma_wait3A_116 : memref<32x6x128xf32, #tpu.memory_space<hbm>>)
    %dma_start3A_117 = arith.constant 192 : i32
    %dma_start3A_118 = tpu.memref_slice %arg5[%dma_start3A_117] : memref<512xi32, #tpu.memory_space<vmem>> -> memref<32xi32, #tpu.memory_space<vmem>>
    %dma_start3A_119 = arith.constant 0 : i32
    %dma_start3A_120 = arith.constant 0 : i32
    %dma_start3A_121 = arith.constant 0 : i32
    %dma_start3A_122 = tpu.memref_slice %arg2[%dma_start3A_119, %dma_start3A_120, %dma_start3A_121] : memref<100000x6x128xf32, #tpu.memory_space<hbm>> -> memref<100000x6x128xf32, #tpu.memory_space<hbm>>
    tpu.enqueue_indirect_dma source(%dma_start3A_122 : memref<100000x6x128xf32, #tpu.memory_space<hbm>>) target(%arg6 : memref<32x6x128xf32, #tpu.memory_space<vmem>>) offsets(%dma_start3A_118 : memref<32xi32, #tpu.memory_space<vmem>>) semaphore(%arg9 : memref<!tpu.dma_semaphore, #tpu.memory_space<semaphore_mem>>)
    %dma_wait3A_123 = arith.constant 128 : i32
    %dma_wait3A_124 = tpu.memref_slice %arg5[%dma_wait3A_123] : memref<512xi32, #tpu.memory_space<vmem>> -> memref<32xi32, #tpu.memory_space<vmem>>
    %dma_wait3A_125 = arith.constant 0 : i32
    %dma_wait3A_126 = arith.constant 0 : i32
    %dma_wait3A_127 = arith.constant 0 : i32
    %dma_wait3A_128 = tpu.memref_slice %arg2[%dma_wait3A_125, %dma_wait3A_126, %dma_wait3A_127] : memref<100000x6x128xf32, #tpu.memory_space<hbm>> -> memref<100000x6x128xf32, #tpu.memory_space<hbm>>
    tpu.wait_indirect_dma semaphore(%arg10 : memref<!tpu.dma_semaphore, #tpu.memory_space<semaphore_mem>>) src(%dma_wait3A_128 : memref<100000x6x128xf32, #tpu.memory_space<hbm>>) dst(%arg7 : memref<32x6x128xf32, #tpu.memory_space<vmem>>)
    %add3A_129 = arith.constant 128 : i32
    %add3A_130 = arith.addi %mul3A_2, %add3A_129 : i32
    %dma_start3A_131 = arith.constant 0 : i32
    %dma_start3A_132 = arith.constant 0 : i32
    %dma_start3A_133 = tpu.memref_slice %arg4[%add3A_130, %dma_start3A_131, %dma_start3A_132] : memref<16384x6x128xf32, #tpu.memory_space<hbm>> -> memref<32x6x128xf32, #tpu.memory_space<hbm>>
    %dma_start3A_134 = arith.constant 0 : i32
    %dma_start3A_135 = arith.constant 0 : i32
    %dma_start3A_136 = tpu.memref_slice %arg4[%add3A_130, %dma_start3A_134, %dma_start3A_135] : memref<16384x6x128xf32, #tpu.memory_space<hbm>> -> memref<32x6x128xf32, #tpu.memory_space<hbm>>
    tpu.enqueue_dma source(%arg7 : memref<32x6x128xf32, #tpu.memory_space<vmem>>) target(%dma_start3A_136 : memref<32x6x128xf32, #tpu.memory_space<hbm>>) target_semaphore(%arg13 : memref<!tpu.dma_semaphore, #tpu.memory_space<semaphore_mem>>)
    %dma_wait3A_137 = arith.constant 0 : i32
    %dma_wait3A_138 = arith.constant 0 : i32
    %dma_wait3A_139 = tpu.memref_slice %arg4[%add3A_130, %dma_wait3A_137, %dma_wait3A_138] : memref<16384x6x128xf32, #tpu.memory_space<hbm>> -> memref<32x6x128xf32, #tpu.memory_space<hbm>>
    %dma_wait3A_140 = arith.constant 0 : i32
    %dma_wait3A_141 = arith.constant 0 : i32
    %dma_wait3A_142 = tpu.memref_slice %arg4[%add3A_130, %dma_wait3A_140, %dma_wait3A_141] : memref<16384x6x128xf32, #tpu.memory_space<hbm>> -> memref<32x6x128xf32, #tpu.memory_space<hbm>>
    tpu.wait_dma2 semaphore(%arg13 : memref<!tpu.dma_semaphore, #tpu.memory_space<semaphore_mem>>) src(%arg7 : memref<32x6x128xf32, #tpu.memory_space<vmem>>) dst(%dma_wait3A_142 : memref<32x6x128xf32, #tpu.memory_space<hbm>>)
    %dma_start3A_143 = arith.constant 224 : i32
    %dma_start3A_144 = tpu.memref_slice %arg5[%dma_start3A_143] : memref<512xi32, #tpu.memory_space<vmem>> -> memref<32xi32, #tpu.memory_space<vmem>>
    %dma_start3A_145 = arith.constant 0 : i32
    %dma_start3A_146 = arith.constant 0 : i32
    %dma_start3A_147 = arith.constant 0 : i32
    %dma_start3A_148 = tpu.memref_slice %arg2[%dma_start3A_145, %dma_start3A_146, %dma_start3A_147] : memref<100000x6x128xf32, #tpu.memory_space<hbm>> -> memref<100000x6x128xf32, #tpu.memory_space<hbm>>
    tpu.enqueue_indirect_dma source(%dma_start3A_148 : memref<100000x6x128xf32, #tpu.memory_space<hbm>>) target(%arg7 : memref<32x6x128xf32, #tpu.memory_space<vmem>>) offsets(%dma_start3A_144 : memref<32xi32, #tpu.memory_space<vmem>>) semaphore(%arg10 : memref<!tpu.dma_semaphore, #tpu.memory_space<semaphore_mem>>)
    %dma_wait3A_149 = arith.constant 160 : i32
    %dma_wait3A_150 = tpu.memref_slice %arg5[%dma_wait3A_149] : memref<512xi32, #tpu.memory_space<vmem>> -> memref<32xi32, #tpu.memory_space<vmem>>
    %dma_wait3A_151 = arith.constant 0 : i32
    %dma_wait3A_152 = arith.constant 0 : i32
    %dma_wait3A_153 = arith.constant 0 : i32
    %dma_wait3A_154 = tpu.memref_slice %arg2[%dma_wait3A_151, %dma_wait3A_152, %dma_wait3A_153] : memref<100000x6x128xf32, #tpu.memory_space<hbm>> -> memref<100000x6x128xf32, #tpu.memory_space<hbm>>
    tpu.wait_indirect_dma semaphore(%arg11 : memref<!tpu.dma_semaphore, #tpu.memory_space<semaphore_mem>>) src(%dma_wait3A_154 : memref<100000x6x128xf32, #tpu.memory_space<hbm>>) dst(%arg8 : memref<32x6x128xf32, #tpu.memory_space<vmem>>)
    %add3A_155 = arith.constant 160 : i32
    %add3A_156 = arith.addi %mul3A_2, %add3A_155 : i32
    %dma_start3A_157 = arith.constant 0 : i32
    %dma_start3A_158 = arith.constant 0 : i32
    %dma_start3A_159 = tpu.memref_slice %arg4[%add3A_156, %dma_start3A_157, %dma_start3A_158] : memref<16384x6x128xf32, #tpu.memory_space<hbm>> -> memref<32x6x128xf32, #tpu.memory_space<hbm>>
    %dma_start3A_160 = arith.constant 0 : i32
    %dma_start3A_161 = arith.constant 0 : i32
    %dma_start3A_162 = tpu.memref_slice %arg4[%add3A_156, %dma_start3A_160, %dma_start3A_161] : memref<16384x6x128xf32, #tpu.memory_space<hbm>> -> memref<32x6x128xf32, #tpu.memory_space<hbm>>
    tpu.enqueue_dma source(%arg8 : memref<32x6x128xf32, #tpu.memory_space<vmem>>) target(%dma_start3A_162 : memref<32x6x128xf32, #tpu.memory_space<hbm>>) target_semaphore(%arg14 : memref<!tpu.dma_semaphore, #tpu.memory_space<semaphore_mem>>)
    %dma_wait3A_163 = arith.constant 0 : i32
    %dma_wait3A_164 = arith.constant 0 : i32
    %dma_wait3A_165 = tpu.memref_slice %arg4[%add3A_156, %dma_wait3A_163, %dma_wait3A_164] : memref<16384x6x128xf32, #tpu.memory_space<hbm>> -> memref<32x6x128xf32, #tpu.memory_space<hbm>>
    %dma_wait3A_166 = arith.constant 0 : i32
    %dma_wait3A_167 = arith.constant 0 : i32
    %dma_wait3A_168 = tpu.memref_slice %arg4[%add3A_156, %dma_wait3A_166, %dma_wait3A_167] : memref<16384x6x128xf32, #tpu.memory_space<hbm>> -> memref<32x6x128xf32, #tpu.memory_space<hbm>>
    tpu.wait_dma2 semaphore(%arg14 : memref<!tpu.dma_semaphore, #tpu.memory_space<semaphore_mem>>) src(%arg8 : memref<32x6x128xf32, #tpu.memory_space<vmem>>) dst(%dma_wait3A_168 : memref<32x6x128xf32, #tpu.memory_space<hbm>>)
    %dma_start3A_169 = arith.constant 256 : i32
    %dma_start3A_170 = tpu.memref_slice %arg5[%dma_start3A_169] : memref<512xi32, #tpu.memory_space<vmem>> -> memref<32xi32, #tpu.memory_space<vmem>>
    %dma_start3A_171 = arith.constant 0 : i32
    %dma_start3A_172 = arith.constant 0 : i32
    %dma_start3A_173 = arith.constant 0 : i32
    %dma_start3A_174 = tpu.memref_slice %arg2[%dma_start3A_171, %dma_start3A_172, %dma_start3A_173] : memref<100000x6x128xf32, #tpu.memory_space<hbm>> -> memref<100000x6x128xf32, #tpu.memory_space<hbm>>
    tpu.enqueue_indirect_dma source(%dma_start3A_174 : memref<100000x6x128xf32, #tpu.memory_space<hbm>>) target(%arg8 : memref<32x6x128xf32, #tpu.memory_space<vmem>>) offsets(%dma_start3A_170 : memref<32xi32, #tpu.memory_space<vmem>>) semaphore(%arg11 : memref<!tpu.dma_semaphore, #tpu.memory_space<semaphore_mem>>)
    %dma_wait3A_175 = arith.constant 192 : i32
    %dma_wait3A_176 = tpu.memref_slice %arg5[%dma_wait3A_175] : memref<512xi32, #tpu.memory_space<vmem>> -> memref<32xi32, #tpu.memory_space<vmem>>
    %dma_wait3A_177 = arith.constant 0 : i32
    %dma_wait3A_178 = arith.constant 0 : i32
    %dma_wait3A_179 = arith.constant 0 : i32
    %dma_wait3A_180 = tpu.memref_slice %arg2[%dma_wait3A_177, %dma_wait3A_178, %dma_wait3A_179] : memref<100000x6x128xf32, #tpu.memory_space<hbm>> -> memref<100000x6x128xf32, #tpu.memory_space<hbm>>
    tpu.wait_indirect_dma semaphore(%arg9 : memref<!tpu.dma_semaphore, #tpu.memory_space<semaphore_mem>>) src(%dma_wait3A_180 : memref<100000x6x128xf32, #tpu.memory_space<hbm>>) dst(%arg6 : memref<32x6x128xf32, #tpu.memory_space<vmem>>)
    %add3A_181 = arith.constant 192 : i32
    %add3A_182 = arith.addi %mul3A_2, %add3A_181 : i32
    %dma_start3A_183 = arith.constant 0 : i32
    %dma_start3A_184 = arith.constant 0 : i32
    %dma_start3A_185 = tpu.memref_slice %arg4[%add3A_182, %dma_start3A_183, %dma_start3A_184] : memref<16384x6x128xf32, #tpu.memory_space<hbm>> -> memref<32x6x128xf32, #tpu.memory_space<hbm>>
    %dma_start3A_186 = arith.constant 0 : i32
    %dma_start3A_187 = arith.constant 0 : i32
    %dma_start3A_188 = tpu.memref_slice %arg4[%add3A_182, %dma_start3A_186, %dma_start3A_187] : memref<16384x6x128xf32, #tpu.memory_space<hbm>> -> memref<32x6x128xf32, #tpu.memory_space<hbm>>
    tpu.enqueue_dma source(%arg6 : memref<32x6x128xf32, #tpu.memory_space<vmem>>) target(%dma_start3A_188 : memref<32x6x128xf32, #tpu.memory_space<hbm>>) target_semaphore(%arg12 : memref<!tpu.dma_semaphore, #tpu.memory_space<semaphore_mem>>)
    %dma_wait3A_189 = arith.constant 0 : i32
    %dma_wait3A_190 = arith.constant 0 : i32
    %dma_wait3A_191 = tpu.memref_slice %arg4[%add3A_182, %dma_wait3A_189, %dma_wait3A_190] : memref<16384x6x128xf32, #tpu.memory_space<hbm>> -> memref<32x6x128xf32, #tpu.memory_space<hbm>>
    %dma_wait3A_192 = arith.constant 0 : i32
    %dma_wait3A_193 = arith.constant 0 : i32
    %dma_wait3A_194 = tpu.memref_slice %arg4[%add3A_182, %dma_wait3A_192, %dma_wait3A_193] : memref<16384x6x128xf32, #tpu.memory_space<hbm>> -> memref<32x6x128xf32, #tpu.memory_space<hbm>>
    tpu.wait_dma2 semaphore(%arg12 : memref<!tpu.dma_semaphore, #tpu.memory_space<semaphore_mem>>) src(%arg6 : memref<32x6x128xf32, #tpu.memory_space<vmem>>) dst(%dma_wait3A_194 : memref<32x6x128xf32, #tpu.memory_space<hbm>>)
    %dma_start3A_195 = arith.constant 288 : i32
    %dma_start3A_196 = tpu.memref_slice %arg5[%dma_start3A_195] : memref<512xi32, #tpu.memory_space<vmem>> -> memref<32xi32, #tpu.memory_space<vmem>>
    %dma_start3A_197 = arith.constant 0 : i32
    %dma_start3A_198 = arith.constant 0 : i32
    %dma_start3A_199 = arith.constant 0 : i32
    %dma_start3A_200 = tpu.memref_slice %arg2[%dma_start3A_197, %dma_start3A_198, %dma_start3A_199] : memref<100000x6x128xf32, #tpu.memory_space<hbm>> -> memref<100000x6x128xf32, #tpu.memory_space<hbm>>
    tpu.enqueue_indirect_dma source(%dma_start3A_200 : memref<100000x6x128xf32, #tpu.memory_space<hbm>>) target(%arg6 : memref<32x6x128xf32, #tpu.memory_space<vmem>>) offsets(%dma_start3A_196 : memref<32xi32, #tpu.memory_space<vmem>>) semaphore(%arg9 : memref<!tpu.dma_semaphore, #tpu.memory_space<semaphore_mem>>)
    %dma_wait3A_201 = arith.constant 224 : i32
    %dma_wait3A_202 = tpu.memref_slice %arg5[%dma_wait3A_201] : memref<512xi32, #tpu.memory_space<vmem>> -> memref<32xi32, #tpu.memory_space<vmem>>
    %dma_wait3A_203 = arith.constant 0 : i32
    %dma_wait3A_204 = arith.constant 0 : i32
    %dma_wait3A_205 = arith.constant 0 : i32
    %dma_wait3A_206 = tpu.memref_slice %arg2[%dma_wait3A_203, %dma_wait3A_204, %dma_wait3A_205] : memref<100000x6x128xf32, #tpu.memory_space<hbm>> -> memref<100000x6x128xf32, #tpu.memory_space<hbm>>
    tpu.wait_indirect_dma semaphore(%arg10 : memref<!tpu.dma_semaphore, #tpu.memory_space<semaphore_mem>>) src(%dma_wait3A_206 : memref<100000x6x128xf32, #tpu.memory_space<hbm>>) dst(%arg7 : memref<32x6x128xf32, #tpu.memory_space<vmem>>)
    %add3A_207 = arith.constant 224 : i32
    %add3A_208 = arith.addi %mul3A_2, %add3A_207 : i32
    %dma_start3A_209 = arith.constant 0 : i32
    %dma_start3A_210 = arith.constant 0 : i32
    %dma_start3A_211 = tpu.memref_slice %arg4[%add3A_208, %dma_start3A_209, %dma_start3A_210] : memref<16384x6x128xf32, #tpu.memory_space<hbm>> -> memref<32x6x128xf32, #tpu.memory_space<hbm>>
    %dma_start3A_212 = arith.constant 0 : i32
    %dma_start3A_213 = arith.constant 0 : i32
    %dma_start3A_214 = tpu.memref_slice %arg4[%add3A_208, %dma_start3A_212, %dma_start3A_213] : memref<16384x6x128xf32, #tpu.memory_space<hbm>> -> memref<32x6x128xf32, #tpu.memory_space<hbm>>
    tpu.enqueue_dma source(%arg7 : memref<32x6x128xf32, #tpu.memory_space<vmem>>) target(%dma_start3A_214 : memref<32x6x128xf32, #tpu.memory_space<hbm>>) target_semaphore(%arg13 : memref<!tpu.dma_semaphore, #tpu.memory_space<semaphore_mem>>)
    %dma_wait3A_215 = arith.constant 0 : i32
    %dma_wait3A_216 = arith.constant 0 : i32
    %dma_wait3A_217 = tpu.memref_slice %arg4[%add3A_208, %dma_wait3A_215, %dma_wait3A_216] : memref<16384x6x128xf32, #tpu.memory_space<hbm>> -> memref<32x6x128xf32, #tpu.memory_space<hbm>>
    %dma_wait3A_218 = arith.constant 0 : i32
    %dma_wait3A_219 = arith.constant 0 : i32
    %dma_wait3A_220 = tpu.memref_slice %arg4[%add3A_208, %dma_wait3A_218, %dma_wait3A_219] : memref<16384x6x128xf32, #tpu.memory_space<hbm>> -> memref<32x6x128xf32, #tpu.memory_space<hbm>>
    tpu.wait_dma2 semaphore(%arg13 : memref<!tpu.dma_semaphore, #tpu.memory_space<semaphore_mem>>) src(%arg7 : memref<32x6x128xf32, #tpu.memory_space<vmem>>) dst(%dma_wait3A_220 : memref<32x6x128xf32, #tpu.memory_space<hbm>>)
    %dma_start3A_221 = arith.constant 320 : i32
    %dma_start3A_222 = tpu.memref_slice %arg5[%dma_start3A_221] : memref<512xi32, #tpu.memory_space<vmem>> -> memref<32xi32, #tpu.memory_space<vmem>>
    %dma_start3A_223 = arith.constant 0 : i32
    %dma_start3A_224 = arith.constant 0 : i32
    %dma_start3A_225 = arith.constant 0 : i32
    %dma_start3A_226 = tpu.memref_slice %arg2[%dma_start3A_223, %dma_start3A_224, %dma_start3A_225] : memref<100000x6x128xf32, #tpu.memory_space<hbm>> -> memref<100000x6x128xf32, #tpu.memory_space<hbm>>
    tpu.enqueue_indirect_dma source(%dma_start3A_226 : memref<100000x6x128xf32, #tpu.memory_space<hbm>>) target(%arg7 : memref<32x6x128xf32, #tpu.memory_space<vmem>>) offsets(%dma_start3A_222 : memref<32xi32, #tpu.memory_space<vmem>>) semaphore(%arg10 : memref<!tpu.dma_semaphore, #tpu.memory_space<semaphore_mem>>)
    %dma_wait3A_227 = arith.constant 256 : i32
    %dma_wait3A_228 = tpu.memref_slice %arg5[%dma_wait3A_227] : memref<512xi32, #tpu.memory_space<vmem>> -> memref<32xi32, #tpu.memory_space<vmem>>
    %dma_wait3A_229 = arith.constant 0 : i32
    %dma_wait3A_230 = arith.constant 0 : i32
    %dma_wait3A_231 = arith.constant 0 : i32
    %dma_wait3A_232 = tpu.memref_slice %arg2[%dma_wait3A_229, %dma_wait3A_230, %dma_wait3A_231] : memref<100000x6x128xf32, #tpu.memory_space<hbm>> -> memref<100000x6x128xf32, #tpu.memory_space<hbm>>
    tpu.wait_indirect_dma semaphore(%arg11 : memref<!tpu.dma_semaphore, #tpu.memory_space<semaphore_mem>>) src(%dma_wait3A_232 : memref<100000x6x128xf32, #tpu.memory_space<hbm>>) dst(%arg8 : memref<32x6x128xf32, #tpu.memory_space<vmem>>)
    %add3A_233 = arith.constant 256 : i32
    %add3A_234 = arith.addi %mul3A_2, %add3A_233 : i32
    %dma_start3A_235 = arith.constant 0 : i32
    %dma_start3A_236 = arith.constant 0 : i32
    %dma_start3A_237 = tpu.memref_slice %arg4[%add3A_234, %dma_start3A_235, %dma_start3A_236] : memref<16384x6x128xf32, #tpu.memory_space<hbm>> -> memref<32x6x128xf32, #tpu.memory_space<hbm>>
    %dma_start3A_238 = arith.constant 0 : i32
    %dma_start3A_239 = arith.constant 0 : i32
    %dma_start3A_240 = tpu.memref_slice %arg4[%add3A_234, %dma_start3A_238, %dma_start3A_239] : memref<16384x6x128xf32, #tpu.memory_space<hbm>> -> memref<32x6x128xf32, #tpu.memory_space<hbm>>
    tpu.enqueue_dma source(%arg8 : memref<32x6x128xf32, #tpu.memory_space<vmem>>) target(%dma_start3A_240 : memref<32x6x128xf32, #tpu.memory_space<hbm>>) target_semaphore(%arg14 : memref<!tpu.dma_semaphore, #tpu.memory_space<semaphore_mem>>)
    %dma_wait3A_241 = arith.constant 0 : i32
    %dma_wait3A_242 = arith.constant 0 : i32
    %dma_wait3A_243 = tpu.memref_slice %arg4[%add3A_234, %dma_wait3A_241, %dma_wait3A_242] : memref<16384x6x128xf32, #tpu.memory_space<hbm>> -> memref<32x6x128xf32, #tpu.memory_space<hbm>>
    %dma_wait3A_244 = arith.constant 0 : i32
    %dma_wait3A_245 = arith.constant 0 : i32
    %dma_wait3A_246 = tpu.memref_slice %arg4[%add3A_234, %dma_wait3A_244, %dma_wait3A_245] : memref<16384x6x128xf32, #tpu.memory_space<hbm>> -> memref<32x6x128xf32, #tpu.memory_space<hbm>>
    tpu.wait_dma2 semaphore(%arg14 : memref<!tpu.dma_semaphore, #tpu.memory_space<semaphore_mem>>) src(%arg8 : memref<32x6x128xf32, #tpu.memory_space<vmem>>) dst(%dma_wait3A_246 : memref<32x6x128xf32, #tpu.memory_space<hbm>>)
    %dma_start3A_247 = arith.constant 352 : i32
    %dma_start3A_248 = tpu.memref_slice %arg5[%dma_start3A_247] : memref<512xi32, #tpu.memory_space<vmem>> -> memref<32xi32, #tpu.memory_space<vmem>>
    %dma_start3A_249 = arith.constant 0 : i32
    %dma_start3A_250 = arith.constant 0 : i32
    %dma_start3A_251 = arith.constant 0 : i32
    %dma_start3A_252 = tpu.memref_slice %arg2[%dma_start3A_249, %dma_start3A_250, %dma_start3A_251] : memref<100000x6x128xf32, #tpu.memory_space<hbm>> -> memref<100000x6x128xf32, #tpu.memory_space<hbm>>
    tpu.enqueue_indirect_dma source(%dma_start3A_252 : memref<100000x6x128xf32, #tpu.memory_space<hbm>>) target(%arg8 : memref<32x6x128xf32, #tpu.memory_space<vmem>>) offsets(%dma_start3A_248 : memref<32xi32, #tpu.memory_space<vmem>>) semaphore(%arg11 : memref<!tpu.dma_semaphore, #tpu.memory_space<semaphore_mem>>)
    %dma_wait3A_253 = arith.constant 288 : i32
    %dma_wait3A_254 = tpu.memref_slice %arg5[%dma_wait3A_253] : memref<512xi32, #tpu.memory_space<vmem>> -> memref<32xi32, #tpu.memory_space<vmem>>
    %dma_wait3A_255 = arith.constant 0 : i32
    %dma_wait3A_256 = arith.constant 0 : i32
    %dma_wait3A_257 = arith.constant 0 : i32
    %dma_wait3A_258 = tpu.memref_slice %arg2[%dma_wait3A_255, %dma_wait3A_256, %dma_wait3A_257] : memref<100000x6x128xf32, #tpu.memory_space<hbm>> -> memref<100000x6x128xf32, #tpu.memory_space<hbm>>
    tpu.wait_indirect_dma semaphore(%arg9 : memref<!tpu.dma_semaphore, #tpu.memory_space<semaphore_mem>>) src(%dma_wait3A_258 : memref<100000x6x128xf32, #tpu.memory_space<hbm>>) dst(%arg6 : memref<32x6x128xf32, #tpu.memory_space<vmem>>)
    %add3A_259 = arith.constant 288 : i32
    %add3A_260 = arith.addi %mul3A_2, %add3A_259 : i32
    %dma_start3A_261 = arith.constant 0 : i32
    %dma_start3A_262 = arith.constant 0 : i32
    %dma_start3A_263 = tpu.memref_slice %arg4[%add3A_260, %dma_start3A_261, %dma_start3A_262] : memref<16384x6x128xf32, #tpu.memory_space<hbm>> -> memref<32x6x128xf32, #tpu.memory_space<hbm>>
    %dma_start3A_264 = arith.constant 0 : i32
    %dma_start3A_265 = arith.constant 0 : i32
    %dma_start3A_266 = tpu.memref_slice %arg4[%add3A_260, %dma_start3A_264, %dma_start3A_265] : memref<16384x6x128xf32, #tpu.memory_space<hbm>> -> memref<32x6x128xf32, #tpu.memory_space<hbm>>
    tpu.enqueue_dma source(%arg6 : memref<32x6x128xf32, #tpu.memory_space<vmem>>) target(%dma_start3A_266 : memref<32x6x128xf32, #tpu.memory_space<hbm>>) target_semaphore(%arg12 : memref<!tpu.dma_semaphore, #tpu.memory_space<semaphore_mem>>)
    %dma_wait3A_267 = arith.constant 0 : i32
    %dma_wait3A_268 = arith.constant 0 : i32
    %dma_wait3A_269 = tpu.memref_slice %arg4[%add3A_260, %dma_wait3A_267, %dma_wait3A_268] : memref<16384x6x128xf32, #tpu.memory_space<hbm>> -> memref<32x6x128xf32, #tpu.memory_space<hbm>>
    %dma_wait3A_270 = arith.constant 0 : i32
    %dma_wait3A_271 = arith.constant 0 : i32
    %dma_wait3A_272 = tpu.memref_slice %arg4[%add3A_260, %dma_wait3A_270, %dma_wait3A_271] : memref<16384x6x128xf32, #tpu.memory_space<hbm>> -> memref<32x6x128xf32, #tpu.memory_space<hbm>>
    tpu.wait_dma2 semaphore(%arg12 : memref<!tpu.dma_semaphore, #tpu.memory_space<semaphore_mem>>) src(%arg6 : memref<32x6x128xf32, #tpu.memory_space<vmem>>) dst(%dma_wait3A_272 : memref<32x6x128xf32, #tpu.memory_space<hbm>>)
    %dma_start3A_273 = arith.constant 384 : i32
    %dma_start3A_274 = tpu.memref_slice %arg5[%dma_start3A_273] : memref<512xi32, #tpu.memory_space<vmem>> -> memref<32xi32, #tpu.memory_space<vmem>>
    %dma_start3A_275 = arith.constant 0 : i32
    %dma_start3A_276 = arith.constant 0 : i32
    %dma_start3A_277 = arith.constant 0 : i32
    %dma_start3A_278 = tpu.memref_slice %arg2[%dma_start3A_275, %dma_start3A_276, %dma_start3A_277] : memref<100000x6x128xf32, #tpu.memory_space<hbm>> -> memref<100000x6x128xf32, #tpu.memory_space<hbm>>
    tpu.enqueue_indirect_dma source(%dma_start3A_278 : memref<100000x6x128xf32, #tpu.memory_space<hbm>>) target(%arg6 : memref<32x6x128xf32, #tpu.memory_space<vmem>>) offsets(%dma_start3A_274 : memref<32xi32, #tpu.memory_space<vmem>>) semaphore(%arg9 : memref<!tpu.dma_semaphore, #tpu.memory_space<semaphore_mem>>)
    %dma_wait3A_279 = arith.constant 320 : i32
    %dma_wait3A_280 = tpu.memref_slice %arg5[%dma_wait3A_279] : memref<512xi32, #tpu.memory_space<vmem>> -> memref<32xi32, #tpu.memory_space<vmem>>
    %dma_wait3A_281 = arith.constant 0 : i32
    %dma_wait3A_282 = arith.constant 0 : i32
    %dma_wait3A_283 = arith.constant 0 : i32
    %dma_wait3A_284 = tpu.memref_slice %arg2[%dma_wait3A_281, %dma_wait3A_282, %dma_wait3A_283] : memref<100000x6x128xf32, #tpu.memory_space<hbm>> -> memref<100000x6x128xf32, #tpu.memory_space<hbm>>
    tpu.wait_indirect_dma semaphore(%arg10 : memref<!tpu.dma_semaphore, #tpu.memory_space<semaphore_mem>>) src(%dma_wait3A_284 : memref<100000x6x128xf32, #tpu.memory_space<hbm>>) dst(%arg7 : memref<32x6x128xf32, #tpu.memory_space<vmem>>)
    %add3A_285 = arith.constant 320 : i32
    %add3A_286 = arith.addi %mul3A_2, %add3A_285 : i32
    %dma_start3A_287 = arith.constant 0 : i32
    %dma_start3A_288 = arith.constant 0 : i32
    %dma_start3A_289 = tpu.memref_slice %arg4[%add3A_286, %dma_start3A_287, %dma_start3A_288] : memref<16384x6x128xf32, #tpu.memory_space<hbm>> -> memref<32x6x128xf32, #tpu.memory_space<hbm>>
    %dma_start3A_290 = arith.constant 0 : i32
    %dma_start3A_291 = arith.constant 0 : i32
    %dma_start3A_292 = tpu.memref_slice %arg4[%add3A_286, %dma_start3A_290, %dma_start3A_291] : memref<16384x6x128xf32, #tpu.memory_space<hbm>> -> memref<32x6x128xf32, #tpu.memory_space<hbm>>
    tpu.enqueue_dma source(%arg7 : memref<32x6x128xf32, #tpu.memory_space<vmem>>) target(%dma_start3A_292 : memref<32x6x128xf32, #tpu.memory_space<hbm>>) target_semaphore(%arg13 : memref<!tpu.dma_semaphore, #tpu.memory_space<semaphore_mem>>)
    %dma_wait3A_293 = arith.constant 0 : i32
    %dma_wait3A_294 = arith.constant 0 : i32
    %dma_wait3A_295 = tpu.memref_slice %arg4[%add3A_286, %dma_wait3A_293, %dma_wait3A_294] : memref<16384x6x128xf32, #tpu.memory_space<hbm>> -> memref<32x6x128xf32, #tpu.memory_space<hbm>>
    %dma_wait3A_296 = arith.constant 0 : i32
    %dma_wait3A_297 = arith.constant 0 : i32
    %dma_wait3A_298 = tpu.memref_slice %arg4[%add3A_286, %dma_wait3A_296, %dma_wait3A_297] : memref<16384x6x128xf32, #tpu.memory_space<hbm>> -> memref<32x6x128xf32, #tpu.memory_space<hbm>>
    tpu.wait_dma2 semaphore(%arg13 : memref<!tpu.dma_semaphore, #tpu.memory_space<semaphore_mem>>) src(%arg7 : memref<32x6x128xf32, #tpu.memory_space<vmem>>) dst(%dma_wait3A_298 : memref<32x6x128xf32, #tpu.memory_space<hbm>>)
    %dma_start3A_299 = arith.constant 416 : i32
    %dma_start3A_300 = tpu.memref_slice %arg5[%dma_start3A_299] : memref<512xi32, #tpu.memory_space<vmem>> -> memref<32xi32, #tpu.memory_space<vmem>>
    %dma_start3A_301 = arith.constant 0 : i32
    %dma_start3A_302 = arith.constant 0 : i32
    %dma_start3A_303 = arith.constant 0 : i32
    %dma_start3A_304 = tpu.memref_slice %arg2[%dma_start3A_301, %dma_start3A_302, %dma_start3A_303] : memref<100000x6x128xf32, #tpu.memory_space<hbm>> -> memref<100000x6x128xf32, #tpu.memory_space<hbm>>
    tpu.enqueue_indirect_dma source(%dma_start3A_304 : memref<100000x6x128xf32, #tpu.memory_space<hbm>>) target(%arg7 : memref<32x6x128xf32, #tpu.memory_space<vmem>>) offsets(%dma_start3A_300 : memref<32xi32, #tpu.memory_space<vmem>>) semaphore(%arg10 : memref<!tpu.dma_semaphore, #tpu.memory_space<semaphore_mem>>)
    %dma_wait3A_305 = arith.constant 352 : i32
    %dma_wait3A_306 = tpu.memref_slice %arg5[%dma_wait3A_305] : memref<512xi32, #tpu.memory_space<vmem>> -> memref<32xi32, #tpu.memory_space<vmem>>
    %dma_wait3A_307 = arith.constant 0 : i32
    %dma_wait3A_308 = arith.constant 0 : i32
    %dma_wait3A_309 = arith.constant 0 : i32
    %dma_wait3A_310 = tpu.memref_slice %arg2[%dma_wait3A_307, %dma_wait3A_308, %dma_wait3A_309] : memref<100000x6x128xf32, #tpu.memory_space<hbm>> -> memref<100000x6x128xf32, #tpu.memory_space<hbm>>
    tpu.wait_indirect_dma semaphore(%arg11 : memref<!tpu.dma_semaphore, #tpu.memory_space<semaphore_mem>>) src(%dma_wait3A_310 : memref<100000x6x128xf32, #tpu.memory_space<hbm>>) dst(%arg8 : memref<32x6x128xf32, #tpu.memory_space<vmem>>)
    %add3A_311 = arith.constant 352 : i32
    %add3A_312 = arith.addi %mul3A_2, %add3A_311 : i32
    %dma_start3A_313 = arith.constant 0 : i32
    %dma_start3A_314 = arith.constant 0 : i32
    %dma_start3A_315 = tpu.memref_slice %arg4[%add3A_312, %dma_start3A_313, %dma_start3A_314] : memref<16384x6x128xf32, #tpu.memory_space<hbm>> -> memref<32x6x128xf32, #tpu.memory_space<hbm>>
    %dma_start3A_316 = arith.constant 0 : i32
    %dma_start3A_317 = arith.constant 0 : i32
    %dma_start3A_318 = tpu.memref_slice %arg4[%add3A_312, %dma_start3A_316, %dma_start3A_317] : memref<16384x6x128xf32, #tpu.memory_space<hbm>> -> memref<32x6x128xf32, #tpu.memory_space<hbm>>
    tpu.enqueue_dma source(%arg8 : memref<32x6x128xf32, #tpu.memory_space<vmem>>) target(%dma_start3A_318 : memref<32x6x128xf32, #tpu.memory_space<hbm>>) target_semaphore(%arg14 : memref<!tpu.dma_semaphore, #tpu.memory_space<semaphore_mem>>)
    %dma_wait3A_319 = arith.constant 0 : i32
    %dma_wait3A_320 = arith.constant 0 : i32
    %dma_wait3A_321 = tpu.memref_slice %arg4[%add3A_312, %dma_wait3A_319, %dma_wait3A_320] : memref<16384x6x128xf32, #tpu.memory_space<hbm>> -> memref<32x6x128xf32, #tpu.memory_space<hbm>>
    %dma_wait3A_322 = arith.constant 0 : i32
    %dma_wait3A_323 = arith.constant 0 : i32
    %dma_wait3A_324 = tpu.memref_slice %arg4[%add3A_312, %dma_wait3A_322, %dma_wait3A_323] : memref<16384x6x128xf32, #tpu.memory_space<hbm>> -> memref<32x6x128xf32, #tpu.memory_space<hbm>>
    tpu.wait_dma2 semaphore(%arg14 : memref<!tpu.dma_semaphore, #tpu.memory_space<semaphore_mem>>) src(%arg8 : memref<32x6x128xf32, #tpu.memory_space<vmem>>) dst(%dma_wait3A_324 : memref<32x6x128xf32, #tpu.memory_space<hbm>>)
    %dma_start3A_325 = arith.constant 448 : i32
    %dma_start3A_326 = tpu.memref_slice %arg5[%dma_start3A_325] : memref<512xi32, #tpu.memory_space<vmem>> -> memref<32xi32, #tpu.memory_space<vmem>>
    %dma_start3A_327 = arith.constant 0 : i32
    %dma_start3A_328 = arith.constant 0 : i32
    %dma_start3A_329 = arith.constant 0 : i32
    %dma_start3A_330 = tpu.memref_slice %arg2[%dma_start3A_327, %dma_start3A_328, %dma_start3A_329] : memref<100000x6x128xf32, #tpu.memory_space<hbm>> -> memref<100000x6x128xf32, #tpu.memory_space<hbm>>
    tpu.enqueue_indirect_dma source(%dma_start3A_330 : memref<100000x6x128xf32, #tpu.memory_space<hbm>>) target(%arg8 : memref<32x6x128xf32, #tpu.memory_space<vmem>>) offsets(%dma_start3A_326 : memref<32xi32, #tpu.memory_space<vmem>>) semaphore(%arg11 : memref<!tpu.dma_semaphore, #tpu.memory_space<semaphore_mem>>)
    %dma_wait3A_331 = arith.constant 384 : i32
    %dma_wait3A_332 = tpu.memref_slice %arg5[%dma_wait3A_331] : memref<512xi32, #tpu.memory_space<vmem>> -> memref<32xi32, #tpu.memory_space<vmem>>
    %dma_wait3A_333 = arith.constant 0 : i32
    %dma_wait3A_334 = arith.constant 0 : i32
    %dma_wait3A_335 = arith.constant 0 : i32
    %dma_wait3A_336 = tpu.memref_slice %arg2[%dma_wait3A_333, %dma_wait3A_334, %dma_wait3A_335] : memref<100000x6x128xf32, #tpu.memory_space<hbm>> -> memref<100000x6x128xf32, #tpu.memory_space<hbm>>
    tpu.wait_indirect_dma semaphore(%arg9 : memref<!tpu.dma_semaphore, #tpu.memory_space<semaphore_mem>>) src(%dma_wait3A_336 : memref<100000x6x128xf32, #tpu.memory_space<hbm>>) dst(%arg6 : memref<32x6x128xf32, #tpu.memory_space<vmem>>)
    %add3A_337 = arith.constant 384 : i32
    %add3A_338 = arith.addi %mul3A_2, %add3A_337 : i32
    %dma_start3A_339 = arith.constant 0 : i32
    %dma_start3A_340 = arith.constant 0 : i32
    %dma_start3A_341 = tpu.memref_slice %arg4[%add3A_338, %dma_start3A_339, %dma_start3A_340] : memref<16384x6x128xf32, #tpu.memory_space<hbm>> -> memref<32x6x128xf32, #tpu.memory_space<hbm>>
    %dma_start3A_342 = arith.constant 0 : i32
    %dma_start3A_343 = arith.constant 0 : i32
    %dma_start3A_344 = tpu.memref_slice %arg4[%add3A_338, %dma_start3A_342, %dma_start3A_343] : memref<16384x6x128xf32, #tpu.memory_space<hbm>> -> memref<32x6x128xf32, #tpu.memory_space<hbm>>
    tpu.enqueue_dma source(%arg6 : memref<32x6x128xf32, #tpu.memory_space<vmem>>) target(%dma_start3A_344 : memref<32x6x128xf32, #tpu.memory_space<hbm>>) target_semaphore(%arg12 : memref<!tpu.dma_semaphore, #tpu.memory_space<semaphore_mem>>)
    %dma_wait3A_345 = arith.constant 0 : i32
    %dma_wait3A_346 = arith.constant 0 : i32
    %dma_wait3A_347 = tpu.memref_slice %arg4[%add3A_338, %dma_wait3A_345, %dma_wait3A_346] : memref<16384x6x128xf32, #tpu.memory_space<hbm>> -> memref<32x6x128xf32, #tpu.memory_space<hbm>>
    %dma_wait3A_348 = arith.constant 0 : i32
    %dma_wait3A_349 = arith.constant 0 : i32
    %dma_wait3A_350 = tpu.memref_slice %arg4[%add3A_338, %dma_wait3A_348, %dma_wait3A_349] : memref<16384x6x128xf32, #tpu.memory_space<hbm>> -> memref<32x6x128xf32, #tpu.memory_space<hbm>>
    tpu.wait_dma2 semaphore(%arg12 : memref<!tpu.dma_semaphore, #tpu.memory_space<semaphore_mem>>) src(%arg6 : memref<32x6x128xf32, #tpu.memory_space<vmem>>) dst(%dma_wait3A_350 : memref<32x6x128xf32, #tpu.memory_space<hbm>>)
    %dma_start3A_351 = arith.constant 480 : i32
    %dma_start3A_352 = tpu.memref_slice %arg5[%dma_start3A_351] : memref<512xi32, #tpu.memory_space<vmem>> -> memref<32xi32, #tpu.memory_space<vmem>>
    %dma_start3A_353 = arith.constant 0 : i32
    %dma_start3A_354 = arith.constant 0 : i32
    %dma_start3A_355 = arith.constant 0 : i32
    %dma_start3A_356 = tpu.memref_slice %arg2[%dma_start3A_353, %dma_start3A_354, %dma_start3A_355] : memref<100000x6x128xf32, #tpu.memory_space<hbm>> -> memref<100000x6x128xf32, #tpu.memory_space<hbm>>
    tpu.enqueue_indirect_dma source(%dma_start3A_356 : memref<100000x6x128xf32, #tpu.memory_space<hbm>>) target(%arg6 : memref<32x6x128xf32, #tpu.memory_space<vmem>>) offsets(%dma_start3A_352 : memref<32xi32, #tpu.memory_space<vmem>>) semaphore(%arg9 : memref<!tpu.dma_semaphore, #tpu.memory_space<semaphore_mem>>)
    %dma_wait3A_357 = arith.constant 416 : i32
    %dma_wait3A_358 = tpu.memref_slice %arg5[%dma_wait3A_357] : memref<512xi32, #tpu.memory_space<vmem>> -> memref<32xi32, #tpu.memory_space<vmem>>
    %dma_wait3A_359 = arith.constant 0 : i32
    %dma_wait3A_360 = arith.constant 0 : i32
    %dma_wait3A_361 = arith.constant 0 : i32
    %dma_wait3A_362 = tpu.memref_slice %arg2[%dma_wait3A_359, %dma_wait3A_360, %dma_wait3A_361] : memref<100000x6x128xf32, #tpu.memory_space<hbm>> -> memref<100000x6x128xf32, #tpu.memory_space<hbm>>
    tpu.wait_indirect_dma semaphore(%arg10 : memref<!tpu.dma_semaphore, #tpu.memory_space<semaphore_mem>>) src(%dma_wait3A_362 : memref<100000x6x128xf32, #tpu.memory_space<hbm>>) dst(%arg7 : memref<32x6x128xf32, #tpu.memory_space<vmem>>)
    %add3A_363 = arith.constant 416 : i32
    %add3A_364 = arith.addi %mul3A_2, %add3A_363 : i32
    %dma_start3A_365 = arith.constant 0 : i32
    %dma_start3A_366 = arith.constant 0 : i32
    %dma_start3A_367 = tpu.memref_slice %arg4[%add3A_364, %dma_start3A_365, %dma_start3A_366] : memref<16384x6x128xf32, #tpu.memory_space<hbm>> -> memref<32x6x128xf32, #tpu.memory_space<hbm>>
    %dma_start3A_368 = arith.constant 0 : i32
    %dma_start3A_369 = arith.constant 0 : i32
    %dma_start3A_370 = tpu.memref_slice %arg4[%add3A_364, %dma_start3A_368, %dma_start3A_369] : memref<16384x6x128xf32, #tpu.memory_space<hbm>> -> memref<32x6x128xf32, #tpu.memory_space<hbm>>
    tpu.enqueue_dma source(%arg7 : memref<32x6x128xf32, #tpu.memory_space<vmem>>) target(%dma_start3A_370 : memref<32x6x128xf32, #tpu.memory_space<hbm>>) target_semaphore(%arg13 : memref<!tpu.dma_semaphore, #tpu.memory_space<semaphore_mem>>)
    %dma_wait3A_371 = arith.constant 448 : i32
    %dma_wait3A_372 = tpu.memref_slice %arg5[%dma_wait3A_371] : memref<512xi32, #tpu.memory_space<vmem>> -> memref<32xi32, #tpu.memory_space<vmem>>
    %dma_wait3A_373 = arith.constant 0 : i32
    %dma_wait3A_374 = arith.constant 0 : i32
    %dma_wait3A_375 = arith.constant 0 : i32
    %dma_wait3A_376 = tpu.memref_slice %arg2[%dma_wait3A_373, %dma_wait3A_374, %dma_wait3A_375] : memref<100000x6x128xf32, #tpu.memory_space<hbm>> -> memref<100000x6x128xf32, #tpu.memory_space<hbm>>
    tpu.wait_indirect_dma semaphore(%arg11 : memref<!tpu.dma_semaphore, #tpu.memory_space<semaphore_mem>>) src(%dma_wait3A_376 : memref<100000x6x128xf32, #tpu.memory_space<hbm>>) dst(%arg8 : memref<32x6x128xf32, #tpu.memory_space<vmem>>)
    %add3A_377 = arith.constant 448 : i32
    %add3A_378 = arith.addi %mul3A_2, %add3A_377 : i32
    %dma_start3A_379 = arith.constant 0 : i32
    %dma_start3A_380 = arith.constant 0 : i32
    %dma_start3A_381 = tpu.memref_slice %arg4[%add3A_378, %dma_start3A_379, %dma_start3A_380] : memref<16384x6x128xf32, #tpu.memory_space<hbm>> -> memref<32x6x128xf32, #tpu.memory_space<hbm>>
    %dma_start3A_382 = arith.constant 0 : i32
    %dma_start3A_383 = arith.constant 0 : i32
    %dma_start3A_384 = tpu.memref_slice %arg4[%add3A_378, %dma_start3A_382, %dma_start3A_383] : memref<16384x6x128xf32, #tpu.memory_space<hbm>> -> memref<32x6x128xf32, #tpu.memory_space<hbm>>
    tpu.enqueue_dma source(%arg8 : memref<32x6x128xf32, #tpu.memory_space<vmem>>) target(%dma_start3A_384 : memref<32x6x128xf32, #tpu.memory_space<hbm>>) target_semaphore(%arg14 : memref<!tpu.dma_semaphore, #tpu.memory_space<semaphore_mem>>)
    %dma_wait3A_385 = arith.constant 480 : i32
    %dma_wait3A_386 = tpu.memref_slice %arg5[%dma_wait3A_385] : memref<512xi32, #tpu.memory_space<vmem>> -> memref<32xi32, #tpu.memory_space<vmem>>
    %dma_wait3A_387 = arith.constant 0 : i32
    %dma_wait3A_388 = arith.constant 0 : i32
    %dma_wait3A_389 = arith.constant 0 : i32
    %dma_wait3A_390 = tpu.memref_slice %arg2[%dma_wait3A_387, %dma_wait3A_388, %dma_wait3A_389] : memref<100000x6x128xf32, #tpu.memory_space<hbm>> -> memref<100000x6x128xf32, #tpu.memory_space<hbm>>
    tpu.wait_indirect_dma semaphore(%arg9 : memref<!tpu.dma_semaphore, #tpu.memory_space<semaphore_mem>>) src(%dma_wait3A_390 : memref<100000x6x128xf32, #tpu.memory_space<hbm>>) dst(%arg6 : memref<32x6x128xf32, #tpu.memory_space<vmem>>)
    %add3A_391 = arith.constant 480 : i32
    %add3A_392 = arith.addi %mul3A_2, %add3A_391 : i32
    %dma_start3A_393 = arith.constant 0 : i32
    %dma_start3A_394 = arith.constant 0 : i32
    %dma_start3A_395 = tpu.memref_slice %arg4[%add3A_392, %dma_start3A_393, %dma_start3A_394] : memref<16384x6x128xf32, #tpu.memory_space<hbm>> -> memref<32x6x128xf32, #tpu.memory_space<hbm>>
    %dma_start3A_396 = arith.constant 0 : i32
    %dma_start3A_397 = arith.constant 0 : i32
    %dma_start3A_398 = tpu.memref_slice %arg4[%add3A_392, %dma_start3A_396, %dma_start3A_397] : memref<16384x6x128xf32, #tpu.memory_space<hbm>> -> memref<32x6x128xf32, #tpu.memory_space<hbm>>
    tpu.enqueue_dma source(%arg6 : memref<32x6x128xf32, #tpu.memory_space<vmem>>) target(%dma_start3A_398 : memref<32x6x128xf32, #tpu.memory_space<hbm>>) target_semaphore(%arg12 : memref<!tpu.dma_semaphore, #tpu.memory_space<semaphore_mem>>)
    %dma_wait3A_399 = arith.constant 0 : i32
    %dma_wait3A_400 = arith.constant 0 : i32
    %dma_wait3A_401 = tpu.memref_slice %arg4[%add3A_392, %dma_wait3A_399, %dma_wait3A_400] : memref<16384x6x128xf32, #tpu.memory_space<hbm>> -> memref<32x6x128xf32, #tpu.memory_space<hbm>>
    %dma_wait3A_402 = arith.constant 0 : i32
    %dma_wait3A_403 = arith.constant 0 : i32
    %dma_wait3A_404 = tpu.memref_slice %arg4[%add3A_392, %dma_wait3A_402, %dma_wait3A_403] : memref<16384x6x128xf32, #tpu.memory_space<hbm>> -> memref<32x6x128xf32, #tpu.memory_space<hbm>>
    tpu.wait_dma2 semaphore(%arg12 : memref<!tpu.dma_semaphore, #tpu.memory_space<semaphore_mem>>) src(%arg6 : memref<32x6x128xf32, #tpu.memory_space<vmem>>) dst(%dma_wait3A_404 : memref<32x6x128xf32, #tpu.memory_space<hbm>>)
    %dma_wait3A_405 = arith.constant 0 : i32
    %dma_wait3A_406 = arith.constant 0 : i32
    %dma_wait3A_407 = tpu.memref_slice %arg4[%add3A_364, %dma_wait3A_405, %dma_wait3A_406] : memref<16384x6x128xf32, #tpu.memory_space<hbm>> -> memref<32x6x128xf32, #tpu.memory_space<hbm>>
    %dma_wait3A_408 = arith.constant 0 : i32
    %dma_wait3A_409 = arith.constant 0 : i32
    %dma_wait3A_410 = tpu.memref_slice %arg4[%add3A_364, %dma_wait3A_408, %dma_wait3A_409] : memref<16384x6x128xf32, #tpu.memory_space<hbm>> -> memref<32x6x128xf32, #tpu.memory_space<hbm>>
    tpu.wait_dma2 semaphore(%arg13 : memref<!tpu.dma_semaphore, #tpu.memory_space<semaphore_mem>>) src(%arg7 : memref<32x6x128xf32, #tpu.memory_space<vmem>>) dst(%dma_wait3A_410 : memref<32x6x128xf32, #tpu.memory_space<hbm>>)
    %dma_wait3A_411 = arith.constant 0 : i32
    %dma_wait3A_412 = arith.constant 0 : i32
    %dma_wait3A_413 = tpu.memref_slice %arg4[%add3A_378, %dma_wait3A_411, %dma_wait3A_412] : memref<16384x6x128xf32, #tpu.memory_space<hbm>> -> memref<32x6x128xf32, #tpu.memory_space<hbm>>
    %dma_wait3A_414 = arith.constant 0 : i32
    %dma_wait3A_415 = arith.constant 0 : i32
    %dma_wait3A_416 = tpu.memref_slice %arg4[%add3A_378, %dma_wait3A_414, %dma_wait3A_415] : memref<16384x6x128xf32, #tpu.memory_space<hbm>> -> memref<32x6x128xf32, #tpu.memory_space<hbm>>
    tpu.wait_dma2 semaphore(%arg14 : memref<!tpu.dma_semaphore, #tpu.memory_space<semaphore_mem>>) src(%arg8 : memref<32x6x128xf32, #tpu.memory_space<vmem>>) dst(%dma_wait3A_416 : memref<32x6x128xf32, #tpu.memory_space<hbm>>)
    return
  }
}

module attributes {stable_mosaic.version = 14 : i64} {
  func.func @_consistency_body(%arg0: i32, %arg1: memref<1024x6x128xf32, #tpu.memory_space<vmem>>, %arg2: memref<1024x1xf32, #tpu.memory_space<vmem>>) attributes {dimension_semantics = [#tpu.dimension_semantics<arbitrary>], iteration_bounds = array<i64: 16>, scalar_prefetch = 0 : i64, scratch_operands = 0 : i64, tpu.core_type = #tpu.core_type<tc>, window_params = [{transform_indices = @transform_0, window_bounds = array<i64: 1024, 6, 128>}, {transform_indices = @transform_1, window_bounds = array<i64: 1024, 1>}]} {
    %get3A = arith.constant 0 : index
    %get3A_0 = arith.constant 0 : index
    %get3A_1 = arith.constant 0 : index
    %get3A_2 = vector.load %arg1[%get3A, %get3A_0, %get3A_1] : memref<1024x6x128xf32, #tpu.memory_space<vmem>>, vector<1024x6x128xf32>
    %mul3A = arith.mulf %get3A_2, %get3A_2 : vector<1024x6x128xf32>
    %reduce_sum3A = arith.constant dense<0.000000e+00> : vector<1024x6xf32>
    %reduce_sum3A_3 = vector.multi_reduction <add>, %mul3A, %reduce_sum3A [2] : vector<1024x6x128xf32> to vector<1024x6xf32>
    %sqrt3A = math.sqrt %reduce_sum3A_3 : vector<1024x6xf32>
    %max3A = arith.constant 9.99999997E-7 : f32
    %max3A_4 = vector.broadcast %max3A : f32 to vector<1024x6xf32>
    %max3A_5 = arith.maximumf %sqrt3A, %max3A_4 : vector<1024x6xf32>
    %slice3A = vector.extract_strided_slice %get3A_2 {offsets = [0, 0, 0], sizes = [1024, 5, 128], strides = [1, 1, 1]} : vector<1024x6x128xf32> to vector<1024x5x128xf32>
    %slice3A_6 = vector.extract_strided_slice %get3A_2 {offsets = [0, 1, 0], sizes = [1024, 5, 128], strides = [1, 1, 1]} : vector<1024x6x128xf32> to vector<1024x5x128xf32>
    %mul3A_7 = arith.mulf %slice3A, %slice3A_6 : vector<1024x5x128xf32>
    %reduce_sum3A_8 = arith.constant dense<0.000000e+00> : vector<1024x5xf32>
    %reduce_sum3A_9 = vector.multi_reduction <add>, %mul3A_7, %reduce_sum3A_8 [2] : vector<1024x5x128xf32> to vector<1024x5xf32>
    %slice3A_10 = vector.extract_strided_slice %max3A_5 {offsets = [0, 0], sizes = [1024, 5], strides = [1, 1]} : vector<1024x6xf32> to vector<1024x5xf32>
    %slice3A_11 = vector.extract_strided_slice %max3A_5 {offsets = [0, 1], sizes = [1024, 5], strides = [1, 1]} : vector<1024x6xf32> to vector<1024x5xf32>
    %mul3A_12 = arith.mulf %slice3A_10, %slice3A_11 : vector<1024x5xf32>
    %div3A = arith.divf %reduce_sum3A_9, %mul3A_12 : vector<1024x5xf32>
    %reduce_sum3A_13 = arith.constant dense<0.000000e+00> : vector<1024xf32>
    %reduce_sum3A_14 = vector.multi_reduction <add>, %div3A, %reduce_sum3A_13 [1] : vector<1024x5xf32> to vector<1024xf32>
    %broadcast_in_dim3A = vector.shape_cast %reduce_sum3A_14 : vector<1024xf32> to vector<1024x1xf32>
    %div3A_15 = arith.constant 5.000000e+00 : f32
    %div3A_16 = vector.broadcast %div3A_15 : f32 to vector<1024x1xf32>
    %div3A_17 = arith.divf %broadcast_in_dim3A, %div3A_16 : vector<1024x1xf32>
    %sub3A = vector.broadcast %div3A_17 : vector<1024x1xf32> to vector<1024x5xf32>
    %sub3A_18 = arith.subf %div3A, %sub3A : vector<1024x5xf32>
    %integer_pow3A = arith.mulf %sub3A_18, %sub3A_18 : vector<1024x5xf32>
    %reduce_sum3A_19 = arith.constant dense<0.000000e+00> : vector<1024xf32>
    %reduce_sum3A_20 = vector.multi_reduction <add>, %integer_pow3A, %reduce_sum3A_19 [1] : vector<1024x5xf32> to vector<1024xf32>
    %div3A_21 = arith.constant 4.000000e+00 : f32
    %div3A_22 = vector.broadcast %div3A_21 : f32 to vector<1024xf32>
    %div3A_23 = arith.divf %reduce_sum3A_20, %div3A_22 : vector<1024xf32>
    %sqrt3A_24 = math.sqrt %div3A_23 : vector<1024xf32>
    %add3A = arith.constant 1.000000e+00 : f32
    %add3A_25 = vector.broadcast %add3A : f32 to vector<1024xf32>
    %add3A_26 = arith.addf %add3A_25, %sqrt3A_24 : vector<1024xf32>
    %div3A_27 = arith.constant 1.000000e+00 : f32
    %div3A_28 = vector.broadcast %div3A_27 : f32 to vector<1024xf32>
    %div3A_29 = arith.divf %div3A_28, %add3A_26 : vector<1024xf32>
    %jit3A = arith.constant 0.000000e+00 : f32
    %jit3A_30 = arith.constant 1.000000e+00 : f32
    %max3A_31 = vector.broadcast %jit3A : f32 to vector<1024xf32>
    %max3A_32 = arith.maximumf %max3A_31, %div3A_29 : vector<1024xf32>
    %min3A = vector.broadcast %jit3A_30 : f32 to vector<1024xf32>
    %min3A_33 = arith.minimumf %min3A, %max3A_32 : vector<1024xf32>
    %broadcast_in_dim3A_34 = vector.shape_cast %min3A_33 : vector<1024xf32> to vector<1024x1xf32>
    %swap3A = arith.constant 0 : index
    %swap3A_35 = arith.constant 0 : index
    %swap3A_36 = vector.load %arg2[%swap3A, %swap3A_35] : memref<1024x1xf32, #tpu.memory_space<vmem>>, vector<1024x1xf32>
    tpu.vector_store %arg2[%swap3A, %swap3A_35], %broadcast_in_dim3A_34 {strides = array<i32>} : memref<1024x1xf32, #tpu.memory_space<vmem>>, vector<1024x1xf32>,
    return
  }
  func.func @transform_0(%arg0: i32) -> (i32, i32, i32) {
    %c0_i32 = arith.constant 0 : i32
    %c0_i32_0 = arith.constant 0 : i32
    %c0_i32_1 = arith.constant 0 : i32
    return %arg0, %c0_i32, %c0_i32_0 : i32, i32, i32
  }
  func.func @transform_1(%arg0: i32) -> (i32, i32) {
    %c0_i32 = arith.constant 0 : i32
    %c0_i32_0 = arith.constant 0 : i32
    return %arg0, %c0_i32 : i32, i32
  }
}

</mosaic_0001>

<sc_bundles>
// kernel: kernel.4.cloned.1.call-start
scs
__scs_entry_jumppad:
0x0: {  	(pc) =	sbr.rel $0x88, $3  }
0x1: {  	(tag) =	ssettag $0x0;
	lr =	simm.s32 $0x1  }
0x2: {  	[smem:$0x3F9F] =	sst lr;
	_ =	strace $0xD0000000  }
0x3: {  	_ = 	snop  }
0x4: {  	_ = 	snop  }
0x5: {  	_ = 	snop  }
0x6: {  	_ = 	snop  }
0x7: {  	_ = 	snop  }
__scs_overlays_trampoline_lowered:
0x8: {  	[smem:$0x3FAE] =	sst s0  }
0x9: {  	[smem:$0x3FAF] =	sst s1  }
0xa: {  	[smem:$0x3FB0] =	sst s2  }
0xb: {  	[smem:$0x3FB1] =	sst s3  }
0xc: {  	[smem:$0x3FB2] =	sst s4  }
0xd: {  	[smem:$0x3FB3] =	sst s5  }
0xe: {  	[smem:$0x3FB4] =	sst s6  }
0xf: {  	[smem:$0x3FB5] =	sst s7  }
0x10: {  	[smem:$0x3FB6] =	sst s8  }
0x11: {  	[smem:$0x3FB7] =	sst s9;
	s0 =	simm.s32 @!p0 $0x0  }
0x12: {  	s1 =	sld [smem:$0x3F9D];
	s0 =	simm.s32 @p0 $0x1  }
0x13: {  	[smem:$0x3FB8] =	sst s0;
	s0 =	simm.s32 @!p1 $0x0  }
0x14: {  	s2 =	sld [smem:$0x3F9C];
	s0 =	simm.s32 @p1 $0x1  }
0x15: {  	[smem:$0x3FB9] =	sst s0;
	s0 =	simm.s32 @!p2 $0x0  }
0x16: {  	s3 =	sld [smem:$0x3FDB];
	s0 =	simm.s32 @p2 $0x1  }
0x17: {  	s4 =	simm.s32 $0x1BF5;
	[smem:$0x3FBB] =	sst s0  }
0x18: {  	s0 =	sld [smem:$0x3F9E];
	_ =	swait.ge [sflag:s4], $0x0  }
0x19: {  	s7 =	sld [smem:$0x3F9F]  }
0x1a: {  	s8 =	sadd.s32 $0xFFFFE003, lr  }
0x1b: {  	s9 =	sadd.s32 $0xFFFFFEF7, lr;
	s5 =	simm.s32 $0xFFFFFFFF;
	p2 =	slt.u32 s8, $0xFFFFF086  }
0x1c: {  	p1 =	slt.u32 s9, $0xF7A;
	s5 =	simm.s32 @!p2 $0x0  }
0x1d: {  	s5 =	simm.s32 @p1 $0x1;
	p0 =	seq.s32 s7, s2  }
0x1e: {  	s7 =	smul.u32 @!p0 $0xF7A, s2;
	p2 =	seq.s32 @!p0 s5, $0x0  }
0x1f: {  	s9 =	smul.u32 $0xF7A, s1;
	s8 =	simm.s32 @!p0 $0x1BF5;
	p2 =	por !p2, p0  }
0x20: {  	[sflag:s8] =	ssyncset.s32 @!p0 $0xFFFFF086;
	s6 =	sadd.s32 @!p0 s3, s7;
	s7 =	simm.s32 @!p0 $0x108  }
0x21: {  	s3 =	sadd.s32 s3, s9;
	s6 =	sadd.s32 @!p0 $0x88, s6;
	s7 =	simm.s32 @p2 $0x1082  }
0x22: {  	[simem:s7], [sflag:s8] =	dma.local @!p0 [hbm:s6], $0xF7A  }
0x23: {  	s9 =	sor.u32 $0xD0000000, s2;
	s6 =	simm.s32 $0x108;
	_ =	swait.ge @!p0 [sflag:s8], $0x0  }
0x24: {  	s3 =	sadd.s32 $0x88, s3;
	s6 =	simm.s32 @!p1 $0x1082;
	[sflag:s4] =	ssyncset.s32 $0xFFFFF086  }
0x25: {  	[simem:s6], [sflag:s4] =	dma.local [hbm:s3], $0xF7A  }
0x26: {  	[smem:$0x3F9F] =	sst s1;
	(tag) =	ssettag s2;
	_ =	strace s9  }
0x27: {  	s1 =	sld [smem:$0x3FAF]  }
0x28: {  	s2 =	sld [smem:$0x3FB0]  }
0x29: {  	s4 =	sld [smem:$0x3FB2]  }
0x2a: {  	p0 =	seq.s32 s5, $0x0;
	s5 =	sld [smem:$0x3FB3]  }
0x2b: {  	s6 =	sld [smem:$0x3FB4]  }
0x2c: {  	s7 =	sld [smem:$0x3FB5]  }
0x2d: {  	s3 =	simm.s32 $0x108;
	s8 =	sld [smem:$0x3FB6]  }
0x2e: {  	s3 =	simm.s32 @!p0 $0x1082;
	s9 =	sld [smem:$0x3FB7]  }
0x2f: {  	lr =	sadd.s32 s0, s3;
	s0 =	sld [smem:$0x3FAE]  }
0x30: {  	s3 =	sld [smem:$0x3FB1]  }
0x31: {  	[smem:$0x3FBA] =	sst s10  }
0x32: {  	s10 =	sld [smem:$0x3FB8];
	_ =	sdelay $0x3  }
0x33: {  	p0 =	seq.s32 s10, $0x1;
	s10 =	sld [smem:$0x3FBA];
	_ =	sdelay $0x3  }
0x34: {  	[smem:$0x3FBA] =	sst s10  }
0x35: {  	s10 =	sld [smem:$0x3FB9];
	_ =	sdelay $0x3  }
0x36: {  	p1 =	seq.s32 s10, $0x1;
	s10 =	sld [smem:$0x3FBA];
	_ =	sdelay $0x3  }
0x37: {  	[smem:$0x3FBA] =	sst s10  }
0x38: {  	s10 =	sld [smem:$0x3FBB]  }
0x39: {  	_ = 	snop;
	(pc) =	sbr.ind lr, $3  }
0x3a: {  	_ = 	snop  }
0x3b: {  	_ = 	snop  }
0x3c: {  	p2 =	seq.s32 s10, $0x1;
	s10 =	sld [smem:$0x3FBA]  }
0x3d: {  	_ =	shalt  }
0x3e: {  	_ =	shalt  }
0x3f: {  	_ =	shalt  }
0x40: {  	_ =	shalt  }
0x41: {  	_ =	shalt  }
0x42: {  	_ =	shalt  }
0x43: {  	_ =	shalt  }
0x44: {  	_ =	shalt  }
0x45: {  	_ =	shalt  }
0x46: {  	_ =	shalt  }
0x47: {  	_ =	shalt  }
0x48: {  	_ =	shalt  }
0x49: {  	_ =	shalt  }
0x4a: {  	_ =	shalt  }
0x4b: {  	_ =	shalt  }
0x4c: {  	_ =	shalt  }
0x4d: {  	_ =	shalt  }
0x4e: {  	_ =	shalt  }
0x4f: {  	_ =	shalt  }
0x50: {  	_ =	shalt  }
0x51: {  	_ =	shalt  }
0x52: {  	_ =	shalt  }
0x53: {  	_ =	shalt  }
0x54: {  	_ =	shalt  }
0x55: {  	_ =	shalt  }
0x56: {  	_ =	shalt  }
0x57: {  	_ =	shalt  }
0x58: {  	_ =	shalt  }
0x59: {  	_ =	shalt  }
0x5a: {  	_ =	shalt  }
0x5b: {  	_ =	shalt  }
0x5c: {  	_ =	shalt  }
0x5d: {  	_ =	shalt  }
0x5e: {  	_ =	shalt  }
0x5f: {  	_ =	shalt  }
0x60: {  	_ =	shalt  }
0x61: {  	_ =	shalt  }
0x62: {  	_ =	shalt  }
0x63: {  	_ =	shalt  }
0x64: {  	_ =	shalt  }
0x65: {  	_ =	shalt  }
0x66: {  	_ =	shalt  }
0x67: {  	_ =	shalt  }
0x68: {  	_ =	shalt  }
0x69: {  	_ =	shalt  }
0x6a: {  	_ =	shalt  }
0x6b: {  	_ =	shalt  }
0x6c: {  	_ =	shalt  }
0x6d: {  	_ =	shalt  }
0x6e: {  	_ =	shalt  }
0x6f: {  	_ =	shalt  }
0x70: {  	_ =	shalt  }
0x71: {  	_ =	shalt  }
0x72: {  	_ =	shalt  }
0x73: {  	_ =	shalt  }
0x74: {  	_ =	shalt  }
0x75: {  	_ =	shalt  }
0x76: {  	_ =	shalt  }
0x77: {  	_ =	shalt  }
0x78: {  	_ =	shalt  }
0x79: {  	_ =	shalt  }
0x7a: {  	_ =	shalt  }
0x7b: {  	_ =	shalt  }
0x7c: {  	_ =	shalt  }
0x7d: {  	_ =	shalt  }
0x7e: {  	_ =	shalt  }
0x7f: {  	_ =	shalt  }
0x80: {  	_ =	shalt  }
0x81: {  	_ =	shalt  }
0x82: {  	_ =	shalt  }
0x83: {  	_ =	shalt  }
0x84: {  	_ =	shalt  }
0x85: {  	_ =	shalt  }
0x86: {  	_ =	shalt  }
0x87: {  	_ =	shalt  }
.Lfunc_end0:
.L_simem_size_0:
called_computation_lowered:
.L_overlay_start_0:
0x88: {  	s2 =	sld [smem:$0x3FD9]  }
0x89: {  	s3 =	sld [smem:$0x3FFE];
	_ =	sdelay $0x1  }
0x8a: {  	s1 =	srdreg.scid  }
0x8b: {  	s0 =	sand.u32 $0x1, s1  }
0x8c: {  	s17 =	sshll.u32 s0, $0xA;
	s2 =	sadd.s32 s3, s2  }
0x8d: {  	s2 =	sadd.s32 s2, s17  }
0x8e: {  	[smem:$0x3FC6] =	sst s2  }
0x8f: {  	_ = 	snop  }
0x90: {  	s2 =	sld [smem:$0x3FC8];
	(tm) =	ssettm $0x1  }
0x91: {  	s18 =	sld [smem:$0x3FFB];
	_ =	sdelay $0x3  }
0x92: {  	_ =	strace s18  }
0x93: {  	s3 =	sld [smem:$0x3FFC];
	_ =	sdelay $0x3  }
0x94: {  	_ =	strace s3  }
0x95: {  	s3 =	sld [smem:$0x3FFD];
	_ =	sdelay $0x3  }
0x96: {  	_ =	strace s3  }
0x97: {  	_ =	strace $0x8FFFFFFF  }
0x98: {  	s19 =	sld [smem:$0x3FDB];
	_ =	sdelay $0x1  }
0x99: {  	s4 =	simm.s32 $_scs_section_size  }
0x9a: {  	s5 =	simm.s32 $_size__tile_overlayer_lowered;
	s6 =	simm.s32 $_tile_overlayer_lowered  }
0x9b: {  	s22 =	simm.s32 $0x1BFF;
	s21 =	sshll.u32 s6, $0x1;
	s3 =	sadd.s32 s4, s19  }
0x9c: {  	s7 =	simm.s32 $0x0;
	s20 =	sshll.u32 s5, $0x1;
	s5 =	sadd.s32 s21, s3  }
0x9d: {  	[timem:s7], [sflag:s22] =	dma.local [hbm:s5], s20  }
0x9e: {  	_ =	swait.ge [sflag:s22], s20  }
0x9f: {  	s4 =	ssub.s32 $0x0, s20;
	[sflag:s22] =	ssyncset.done $0x0  }
0xa0: {  	[sflag:s22] =	ssyncadd.s32 s4;
	_ =	sdelay $0x1  }
0xa1: {  	s23 =	simm.s32 $0x1B8B  }
0xa2: {  	_ =	swait.ge [sflag:s23], $0x1  }
0xa3: {  	[sflag:s23] =	ssyncset.done $0x0  }
0xa4: {  	s25 =	simm.s32 $0x1B8E;
	s24 =	sld [smem:$0x3FFE];
	[sflag:s23] =	ssyncadd.s32 $0xFFFFFFFF  }
0xa5: {  	s26 =	simm.s32 $execute0_lowered;
	[smem:$0x3FD2] =	sst s25  }
0xa6: {  	s5 =	sshll.u32 s26, $0x1;
	_ =	strace $0x80000046;
	[dreg:$0x1] =	wrdreg $0xFFFFFFFF  }
0xa7: {  	s28 =	simm.s32 $_size_execute0_lowered;
	s3 =	sadd.s32 s3, s5;
	[dreg:$0x0] =	wrdreg $0x0  }
0xa8: {  	s5 =	sshll.u32 s28, $0x1;
	[dreg:$0x2] =	wrdreg s3  }
0xa9: {  	[dreg:$0x3] =	wrdreg s5  }
0xaa: {  	[dreg:$0x4] =	wrdreg $0xC0  }
0xab: {  	_ =	task [dreg:s7], $0x5FFFF  }
0xac: {  	[dreg:$0x1] =	wrdreg $0xFFFFFFFF  }
0xad: {  	[dreg:$0x0] =	wrdreg $0x60  }
0xae: {  	[dreg:$0x2] =	wrdreg s24  }
0xaf: {  	[dreg:$0x3] =	wrdreg s2  }
0xb0: {  	[dreg:$0x4] =	wrdreg $0x9  }
0xb1: {  	_ =	task.clear_ibuf [dreg:s7], $0x5FFFF;
	_ =	strace $0x90000046  }
0xb2: {  	s29 =	simm.s32 $0x9;
	_ =	strace $0x80000048  }
0xb3: {  	_ =	swait.ge [sflag:s29], $0x1  }
0xb4: {  	[sflag:s29] =	ssyncadd.s32 $0xFFFFFFFF  }
0xb5: {  	_ =	strace $0x90000048  }
0xb6: {  	_ =	sfence  }
0xb7: {  	s30 =	sld [smem:$0x0];
	_ =	sdelay $0x2  }
0xb8: {  	s31 =	sshll.u32 s1, $0xD;
	s1 =	sshrl.u32 s1, $0x2  }
0xb9: {  	s3 =	sand.u32 $0x4000, s31;
	s1 =	sadd.s32 s1, s30  }
0xba: {  	s0 =	sor.u32 s3, s0;
	s1 =	sshll.u32 s1, $0x11  }
0xbb: {  	s0 =	sor.u32 s1, s0  }
0xbc: {  	s0 =	sadd.s32 $0x8F2B, s0  }
0xbd: {  	[sflag:s0] =	ssyncadd.remote.s32 $0x1  }
0xbe: {  	_ =	sfence.sel $0xFFFF  }
0xbf: {  	[dreg:$0x0] =	wrdreg $0xFFFFFFFF;
	(pc) =	sbr.abs _section_cstart, $3  }
0xc0: {  	[dreg:$0x1] =	wrdreg $0xFFFFFFFF  }
0xc1: {  	_ =	task.clear_ibuf [dreg:s7], $0x2FFFF;
	_ =	strace $0x9FFFFFFF  }
0xc2: {  	(tm) =	ssettm $0x7FFFFFFF  }
0xc3: {  	_ =	shalt  }
tec
execute0_lowered:
.L_overlay_start_1:
0x0: {  	(tag) =	ssettag $0x1  }
0x1: {  	s2 =	rddreg [dreg:$0x0]  }
0x2: {  	s0 =	rddreg [dreg:$0x1]  }
0x3: {  	s1 =	srdreg.scid;
	s4 =	stileid.u32  }
0x4: {  	s3 =	simm.s32 $0x0;
	s28 =	simm.s32 $0x7E00;
	s29 =	simm.s32 $0x1  }
0x5: {  	s30 =	simm.s32 $0x4;
	s31 =	simm.s32 $0x200;
	s21 =	simm.s32 $0x6  }
0x6: {  	s22 =	simm.s32 $0x0;
	s1 =	sand.u32 $0x1, s1;
	s4 =	sshll.u32 s4, $0xA  }
0x7: {  	[smem:$0x7FF] =	sst s3;
	s5 =	sshll.u32 s1, $0x9;
	s1 =	ssub.s32 $0x2, s1  }
0x8: {  	_ =	strace $0x80000047;
	s4 =	sor.u32 s5, s4;
	s25 =	sshrl.u32 s1, $0x1  }
0x9: {  	s5 =	sshll.u32 s4, $0x7;
	s4 =	sshrl.u32 s4, $0x3;
	s1 =	ssub.s32 s1, s25  }
0xa: {  	s20 =	sadd.s32 s5, s2;
	s0 =	sadd.s32 s0, s4;
	s26 =	smax.u32 s1, $0x1  }
0xb: {  	s1 =	simm.s32 $0x5;
	s4 =	simm.s32 $0x3;
	[dreg:$0x3] =	wrdreg s0  }
0xc: {  	s5 =	sadd.s32 $0xC35000, s20;
	s6 =	sadd.s32 $0xC36000, s20;
	s7 =	sadd.s32 $0xC37000, s20  }
0xd: {  	s8 =	sadd.s32 $0xC38000, s20;
	s9 =	sadd.s32 $0xC39000, s20;
	s10 =	sadd.s32 $0xC3A000, s20  }
0xe: {  	s11 =	sadd.s32 $0xC3B000, s20;
	s12 =	sadd.s32 $0xC3C000, s20;
	s13 =	sadd.s32 $0xC3D000, s20  }
0xf: {  	s14 =	sadd.s32 $0xC3E000, s20;
	s15 =	sadd.s32 $0xC3F000, s20;
	s16 =	sadd.s32 $0xC40000, s20  }
0x10: {  	s17 =	sadd.s32 $0xC41000, s20;
	s18 =	sadd.s32 $0xC42000, s20;
	s19 =	sadd.s32 $0xC43000, s20  }
0x11: {  	s20 =	sadd.s32 $0xC44000, s20;
	[dreg:$0x4] =	wrdreg s26;
	s0 =	simm.s32 $0x2  }
.LBB2_1:
0x12: {  	s23 =	rddreg [dreg:$0x3];
	s25 =	simm.s32 $0x7  }
0x13: {  	[tilespmem:s3], [sflag:$0x7] =	stream.linear.gather [hbm4b:s23+s3], $0x200, $0x38;
	[tilespmem:$0x18200] =	vst v63  }
0x14: {  	_ =	swait.ge [sflag:s25], $0x200  }
0x15: {  	[sflag:s25] =	ssyncset.done $0x0  }
0x16: {  	[sflag:s25] =	ssyncadd.s32 $0xFFFFFE00  }
0x17: {  	v0 =	vld [tilespmem:$0x0];
	_ =	sdelay $0x4  }
0x18: {  	v0 =	vshll.u32 v0, $0x7  }
0x19: {  	(v2sf) =	vpush v0, $0x0;
	_ =	sdelay $0x1  }
0x1a: {  	(v2sf) =	vpush v0, $0x1;
	_ =	sdelay $0x2  }
0x1b: {  	(v2sf) =	vpush v0, $0x2;
	_ =	sdelay $0x6  }
0x1c: {  	(v2sf) =	vpush v0, $0x3;
	_ =	sdelay $0x2  }
0x1d: {  	s26 =	spop (v2sf);
	(v2sf) =	vpush v0, $0x4;
	_ =	sdelay $0x1  }
0x1e: {  	s24 =	spop (v2sf);
	(v2sf) =	vpush v0, $0x5;
	_ =	sdelay $0x2  }
0x1f: {  	s23 =	sand.u32 $0x1FFFFF80, s26;
	s25 =	spop (v2sf);
	(v2sf) =	vpush v0, $0x6  }
0x20: {  	s23 =	sadd.s32 s2, s23  }
0x21: {  	[tilespmem:s31], [sflag:$0x1] =	stream.linear.gather [hbm4b:s23+s3], $0x300, $0x38;
	[tilespmem:$0x18200] =	vst v63  }
0x22: {  	s23 =	sand.u32 $0x1FFFFF80, s24;
	(v2sf) =	vpush v0, $0x7  }
0x23: {  	s24 =	simm.s32 $0x600;
	s23 =	sadd.s32 s2, s23  }
0x24: {  	[tilespmem:s24], [sflag:$0x1] =	stream.linear.gather [hbm4b:s23+s3], $0x300, $0x38;
	[tilespmem:$0x18200] =	vst v63  }
0x25: {  	s23 =	sand.u32 $0x1FFFFF80, s25  }
0x26: {  	s26 =	simm.s32 $0xA00;
	s25 =	spop (v2sf);
	s23 =	sadd.s32 s2, s23  }
0x27: {  	[tilespmem:s26], [sflag:$0x1] =	stream.linear.gather [hbm4b:s23+s3], $0x300, $0x38;
	[tilespmem:$0x18200] =	vst v63  }
0x28: {  	s23 =	sand.u32 $0x1FFFFF80, s25  }
0x29: {  	s26 =	simm.s32 $0xE00;
	s23 =	sadd.s32 s2, s23;
	s25 =	spop (v2sf);
	(v2sf) =	vpush v0, $0x8  }
0x2a: {  	[tilespmem:s26], [sflag:$0x1] =	stream.linear.gather [hbm4b:s23+s3], $0x300, $0x38;
	[tilespmem:$0x18200] =	vst v63  }
0x2b: {  	s23 =	sand.u32 $0x1FFFFF80, s25;
	s25 =	spop (v2sf);
	(v2sf) =	vpush v0, $0x9  }
0x2c: {  	s26 =	simm.s32 $0x1200;
	s23 =	sadd.s32 s2, s23  }
0x2d: {  	[tilespmem:s26], [sflag:$0x1] =	stream.linear.gather [hbm4b:s23+s3], $0x300, $0x38;
	[tilespmem:$0x18200] =	vst v63  }
0x2e: {  	s23 =	sand.u32 $0x1FFFFF80, s25;
	s25 =	spop (v2sf);
	(v2sf) =	vpush v0, $0xA  }
0x2f: {  	s26 =	simm.s32 $0x1600;
	s23 =	sadd.s32 s2, s23  }
0x30: {  	[tilespmem:s26], [sflag:$0x1] =	stream.linear.gather [hbm4b:s23+s3], $0x300, $0x38;
	[tilespmem:$0x18200] =	vst v63  }
0x31: {  	s23 =	sand.u32 $0x1FFFFF80, s25;
	s25 =	spop (v2sf);
	(v2sf) =	vpush v0, $0xB;
	_ =	sdelay $0x3  }
0x32: {  	s26 =	simm.s32 $0x1A00;
	s23 =	sadd.s32 s2, s23  }
0x33: {  	[tilespmem:s26], [sflag:$0x1] =	stream.linear.gather [hbm4b:s23+s3], $0x300, $0x38;
	[tilespmem:$0x18200] =	vst v63  }
0x34: {  	s23 =	sand.u32 $0x1FFFFF80, s25  }
0x35: {  	s26 =	simm.s32 $0x1E00;
	s23 =	sadd.s32 s2, s23;
	s25 =	spop (v2sf);
	(v2sf) =	vpush v0, $0xC  }
0x36: {  	[tilespmem:s26], [sflag:$0x1] =	stream.linear.gather [hbm4b:s23+s3], $0x300, $0x38;
	[tilespmem:$0x18200] =	vst v63  }
0x37: {  	s23 =	sand.u32 $0x1FFFFF80, s25;
	s25 =	spop (v2sf);
	(v2sf) =	vpush v0, $0xD  }
0x38: {  	s26 =	simm.s32 $0x2200;
	s23 =	sadd.s32 s2, s23  }
0x39: {  	[tilespmem:s26], [sflag:$0x1] =	stream.linear.gather [hbm4b:s23+s3], $0x300, $0x38;
	[tilespmem:$0x18200] =	vst v63  }
0x3a: {  	s23 =	sand.u32 $0x1FFFFF80, s25;
	s25 =	spop (v2sf);
	(v2sf) =	vpush v0, $0xE  }
0x3b: {  	s26 =	simm.s32 $0x2600;
	s23 =	sadd.s32 s2, s23  }
0x3c: {  	[tilespmem:s26], [sflag:$0x1] =	stream.linear.gather [hbm4b:s23+s3], $0x300, $0x38;
	[tilespmem:$0x18200] =	vst v63  }
0x3d: {  	s23 =	sand.u32 $0x1FFFFF80, s25;
	s25 =	spop (v2sf);
	(v2sf) =	vpush v0, $0xF;
	_ =	sdelay $0x1  }
0x3e: {  	s26 =	simm.s32 $0x2A00;
	s23 =	sadd.s32 s2, s23  }
0x3f: {  	[tilespmem:s26], [sflag:$0x1] =	stream.linear.gather [hbm4b:s23+s3], $0x300, $0x38;
	[tilespmem:$0x18200] =	vst v63  }
0x40: {  	s23 =	sand.u32 $0x1FFFFF80, s25  }
0x41: {  	s26 =	simm.s32 $0x2E00;
	s23 =	sadd.s32 s2, s23  }
0x42: {  	[tilespmem:s26], [sflag:$0x1] =	stream.linear.gather [hbm4b:s23+s3], $0x300, $0x38;
	[tilespmem:$0x18200] =	vst v63  }
0x43: {  	s25 =	spop (v2sf)  }
0x44: {  	s23 =	sand.u32 $0x1FFFFF80, s25  }
0x45: {  	s26 =	simm.s32 $0x3200;
	s25 =	spop (v2sf);
	s23 =	sadd.s32 s2, s23  }
0x46: {  	[tilespmem:s26], [sflag:$0x1] =	stream.linear.gather [hbm4b:s23+s3], $0x300, $0x38;
	[tilespmem:$0x18200] =	vst v63  }
0x47: {  	s23 =	sand.u32 $0x1FFFFF80, s25  }
0x48: {  	s26 =	simm.s32 $0x3600;
	s25 =	spop (v2sf);
	s23 =	sadd.s32 s2, s23  }
0x49: {  	[tilespmem:s26], [sflag:$0x1] =	stream.linear.gather [hbm4b:s23+s3], $0x300, $0x38;
	[tilespmem:$0x18200] =	vst v63  }
0x4a: {  	s23 =	sand.u32 $0x1FFFFF80, s25  }
0x4b: {  	s26 =	simm.s32 $0x3A00;
	s25 =	spop (v2sf);
	s23 =	sadd.s32 s2, s23  }
0x4c: {  	[tilespmem:s26], [sflag:$0x1] =	stream.linear.gather [hbm4b:s23+s3], $0x300, $0x38;
	[tilespmem:$0x18200] =	vst v63  }
0x4d: {  	s23 =	sand.u32 $0x1FFFFF80, s25  }
0x4e: {  	s26 =	simm.s32 $0x3E00;
	s23 =	sadd.s32 s2, s23  }
0x4f: {  	[tilespmem:s26], [sflag:$0x1] =	stream.linear.gather [hbm4b:s23+s3], $0x300, $0x38;
	[tilespmem:$0x18200] =	vst v63  }
0x50: {  	v59 =	vld [tilespmem:$0x10];
	_ =	sdelay $0x4  }
0x51: {  	v0 =	vshll.u32 v59, $0x7  }
0x52: {  	(v2sf) =	vpush v0, $0x0;
	_ =	sdelay $0x1  }
0x53: {  	(v2sf) =	vpush v0, $0x1;
	_ =	sdelay $0x2  }
0x54: {  	(v2sf) =	vpush v0, $0x2;
	_ =	sdelay $0x1  }
0x55: {  	(v2sf) =	vpush v0, $0x3;
	_ =	sdelay $0x2  }
0x56: {  	(v2sf) =	vpush v0, $0x4;
	_ =	sdelay $0x4  }
0x57: {  	s25 =	spop (v2sf);
	(v2sf) =	vpush v0, $0x5  }
0x58: {  	s23 =	sand.u32 $0x1FFFFF80, s25  }
0x59: {  	s26 =	simm.s32 $0x4200;
	s25 =	spop (v2sf);
	(v2sf) =	vpush v0, $0x6;
	s23 =	sadd.s32 s2, s23  }
0x5a: {  	[tilespmem:s26], [sflag:$0x1] =	stream.linear.gather [hbm4b:s23+s3], $0x300, $0x38;
	[tilespmem:$0x18200] =	vst v63  }
0x5b: {  	s23 =	sand.u32 $0x1FFFFF80, s25  }
0x5c: {  	s26 =	simm.s32 $0x4600;
	s25 =	spop (v2sf);
	s23 =	sadd.s32 s2, s23  }
0x5d: {  	[tilespmem:s26], [sflag:$0x1] =	stream.linear.gather [hbm4b:s23+s3], $0x300, $0x38;
	[tilespmem:$0x18200] =	vst v63  }
0x5e: {  	s23 =	sand.u32 $0x1FFFFF80, s25;
	s25 =	spop (v2sf);
	(v2sf) =	vpush v0, $0x7  }
0x5f: {  	s26 =	simm.s32 $0x4A00;
	s23 =	sadd.s32 s2, s23  }
0x60: {  	[tilespmem:s26], [sflag:$0x1] =	stream.linear.gather [hbm4b:s23+s3], $0x300, $0x38;
	[tilespmem:$0x18200] =	vst v63  }
0x61: {  	s23 =	sand.u32 $0x1FFFFF80, s25;
	s25 =	spop (v2sf);
	(v2sf) =	vpush v0, $0x8;
	_ =	sdelay $0x1  }
0x62: {  	s26 =	simm.s32 $0x4E00;
	s23 =	sadd.s32 s2, s23  }
0x63: {  	[tilespmem:s26], [sflag:$0x1] =	stream.linear.gather [hbm4b:s23+s3], $0x300, $0x38;
	[tilespmem:$0x18200] =	vst v63  }
0x64: {  	s23 =	sand.u32 $0x1FFFFF80, s25  }
0x65: {  	s26 =	simm.s32 $0x5200;
	s23 =	sadd.s32 s2, s23;
	s25 =	spop (v2sf);
	(v2sf) =	vpush v0, $0x9  }
0x66: {  	[tilespmem:s26], [sflag:$0x1] =	stream.linear.gather [hbm4b:s23+s3], $0x300, $0x38;
	[tilespmem:$0x18200] =	vst v63  }
0x67: {  	s23 =	sand.u32 $0x1FFFFF80, s25;
	s25 =	spop (v2sf);
	(v2sf) =	vpush v0, $0xA;
	_ =	sdelay $0x2  }
0x68: {  	s26 =	simm.s32 $0x5600;
	s23 =	sadd.s32 s2, s23  }
0x69: {  	[tilespmem:s26], [sflag:$0x1] =	stream.linear.gather [hbm4b:s23+s3], $0x300, $0x38;
	[tilespmem:$0x18200] =	vst v63  }
0x6a: {  	s23 =	sand.u32 $0x1FFFFF80, s25;
	s25 =	spop (v2sf);
	(v2sf) =	vpush v0, $0xB  }
0x6b: {  	s26 =	simm.s32 $0x5A00;
	s23 =	sadd.s32 s2, s23  }
0x6c: {  	[tilespmem:s26], [sflag:$0x1] =	stream.linear.gather [hbm4b:s23+s3], $0x300, $0x38;
	[tilespmem:$0x18200] =	vst v63  }
0x6d: {  	s23 =	sand.u32 $0x1FFFFF80, s25;
	s25 =	spop (v2sf);
	(v2sf) =	vpush v0, $0xC;
	_ =	sdelay $0x1  }
0x6e: {  	s26 =	simm.s32 $0x5E00;
	s23 =	sadd.s32 s2, s23  }
0x6f: {  	[tilespmem:s26], [sflag:$0x1] =	stream.linear.gather [hbm4b:s23+s3], $0x300, $0x38;
	[tilespmem:$0x18200] =	vst v63  }
0x70: {  	s23 =	sand.u32 $0x1FFFFF80, s25  }
0x71: {  	s26 =	simm.s32 $0x6200;
	s23 =	sadd.s32 s2, s23;
	s25 =	spop (v2sf);
	(v2sf) =	vpush v0, $0xD  }
0x72: {  	[tilespmem:s26], [sflag:$0x1] =	stream.linear.gather [hbm4b:s23+s3], $0x300, $0x38;
	[tilespmem:$0x18200] =	vst v63  }
0x73: {  	s23 =	sand.u32 $0x1FFFFF80, s25;
	s25 =	spop (v2sf);
	(v2sf) =	vpush v0, $0xE;
	_ =	sdelay $0x1  }
0x74: {  	s26 =	simm.s32 $0x6600;
	s23 =	sadd.s32 s2, s23  }
0x75: {  	[tilespmem:s26], [sflag:$0x1] =	stream.linear.gather [hbm4b:s23+s3], $0x300, $0x38;
	[tilespmem:$0x18200] =	vst v63  }
0x76: {  	s23 =	sand.u32 $0x1FFFFF80, s25  }
0x77: {  	s26 =	simm.s32 $0x6A00;
	s23 =	sadd.s32 s2, s23;
	s25 =	spop (v2sf);
	(v2sf) =	vpush v0, $0xF  }
0x78: {  	[tilespmem:s26], [sflag:$0x1] =	stream.linear.gather [hbm4b:s23+s3], $0x300, $0x38;
	[tilespmem:$0x18200] =	vst v63  }
0x79: {  	s23 =	sand.u32 $0x1FFFFF80, s25  }
0x7a: {  	s26 =	simm.s32 $0x6E00;
	s23 =	sadd.s32 s2, s23;
	s25 =	spop (v2sf)  }
0x7b: {  	[tilespmem:s26], [sflag:$0x1] =	stream.linear.gather [hbm4b:s23+s3], $0x300, $0x38;
	[tilespmem:$0x18200] =	vst v63  }
0x7c: {  	s23 =	sand.u32 $0x1FFFFF80, s25  }
0x7d: {  	s26 =	simm.s32 $0x7200;
	s23 =	sadd.s32 s2, s23  }
0x7e: {  	[tilespmem:s26], [sflag:$0x1] =	stream.linear.gather [hbm4b:s23+s3], $0x300, $0x38;
	[tilespmem:$0x18200] =	vst v63  }
0x7f: {  	s25 =	spop (v2sf)  }
0x80: {  	s23 =	sand.u32 $0x1FFFFF80, s25  }
0x81: {  	s26 =	simm.s32 $0x7600;
	s25 =	spop (v2sf);
	s23 =	sadd.s32 s2, s23  }
0x82: {  	[tilespmem:s26], [sflag:$0x1] =	stream.linear.gather [hbm4b:s23+s3], $0x300, $0x38;
	[tilespmem:$0x18200] =	vst v63  }
0x83: {  	s23 =	sand.u32 $0x1FFFFF80, s25  }
0x84: {  	s26 =	simm.s32 $0x7A00;
	s23 =	sadd.s32 s2, s23  }
0x85: {  	[tilespmem:s26], [sflag:$0x1] =	stream.linear.gather [hbm4b:s23+s3], $0x300, $0x38;
	[tilespmem:$0x18200] =	vst v63  }
0x86: {  	s24 =	spop (v2sf)  }
0x87: {  	s23 =	sand.u32 $0x1FFFFF80, s24  }
0x88: {  	s23 =	sadd.s32 s2, s23  }
0x89: {  	[tilespmem:s28], [sflag:$0x1] =	stream.linear.gather [hbm4b:s23+s3], $0x300, $0x38;
	[tilespmem:$0x18200] =	vst v63  }
0x8a: {  	v60 =	vld [tilespmem:$0x20];
	_ =	sdelay $0x4  }
0x8b: {  	v0 =	vshll.u32 v60, $0x7  }
0x8c: {  	(v2sf) =	vpush v0, $0x0;
	_ =	sdelay $0x1  }
0x8d: {  	(v2sf) =	vpush v0, $0x1;
	_ =	sdelay $0x2  }
0x8e: {  	(v2sf) =	vpush v0, $0x2;
	_ =	sdelay $0x1  }
0x8f: {  	(v2sf) =	vpush v0, $0x3;
	_ =	sdelay $0x2  }
0x90: {  	(v2sf) =	vpush v0, $0x4;
	_ =	sdelay $0x4  }
0x91: {  	s25 =	spop (v2sf);
	(v2sf) =	vpush v0, $0x5  }
0x92: {  	s23 =	sand.u32 $0x1FFFFF80, s25  }
0x93: {  	s26 =	simm.s32 $0x8200;
	s25 =	spop (v2sf);
	(v2sf) =	vpush v0, $0x6;
	s23 =	sadd.s32 s2, s23  }
0x94: {  	[tilespmem:s26], [sflag:$0x2] =	stream.linear.gather [hbm4b:s23+s3], $0x300, $0x38;
	[tilespmem:$0x18200] =	vst v63  }
0x95: {  	s23 =	sand.u32 $0x1FFFFF80, s25  }
0x96: {  	s26 =	simm.s32 $0x8600;
	s25 =	spop (v2sf);
	s23 =	sadd.s32 s2, s23  }
0x97: {  	[tilespmem:s26], [sflag:$0x2] =	stream.linear.gather [hbm4b:s23+s3], $0x300, $0x38;
	[tilespmem:$0x18200] =	vst v63  }
0x98: {  	s23 =	sand.u32 $0x1FFFFF80, s25;
	s25 =	spop (v2sf);
	(v2sf) =	vpush v0, $0x7  }
0x99: {  	s26 =	simm.s32 $0x8A00;
	s23 =	sadd.s32 s2, s23  }
0x9a: {  	[tilespmem:s26], [sflag:$0x2] =	stream.linear.gather [hbm4b:s23+s3], $0x300, $0x38;
	[tilespmem:$0x18200] =	vst v63  }
0x9b: {  	s23 =	sand.u32 $0x1FFFFF80, s25;
	s25 =	spop (v2sf);
	(v2sf) =	vpush v0, $0x8;
	_ =	sdelay $0x1  }
0x9c: {  	s26 =	simm.s32 $0x8E00;
	s23 =	sadd.s32 s2, s23  }
0x9d: {  	[tilespmem:s26], [sflag:$0x2] =	stream.linear.gather [hbm4b:s23+s3], $0x300, $0x38;
	[tilespmem:$0x18200] =	vst v63  }
0x9e: {  	s23 =	sand.u32 $0x1FFFFF80, s25  }
0x9f: {  	s26 =	simm.s32 $0x9200;
	s23 =	sadd.s32 s2, s23;
	s25 =	spop (v2sf);
	(v2sf) =	vpush v0, $0x9  }
0xa0: {  	[tilespmem:s26], [sflag:$0x2] =	stream.linear.gather [hbm4b:s23+s3], $0x300, $0x38;
	[tilespmem:$0x18200] =	vst v63  }
0xa1: {  	s23 =	sand.u32 $0x1FFFFF80, s25;
	s25 =	spop (v2sf);
	(v2sf) =	vpush v0, $0xA;
	_ =	sdelay $0x2  }
0xa2: {  	s26 =	simm.s32 $0x9600;
	s23 =	sadd.s32 s2, s23  }
0xa3: {  	[tilespmem:s26], [sflag:$0x2] =	stream.linear.gather [hbm4b:s23+s3], $0x300, $0x38;
	[tilespmem:$0x18200] =	vst v63  }
0xa4: {  	s23 =	sand.u32 $0x1FFFFF80, s25;
	s25 =	spop (v2sf);
	(v2sf) =	vpush v0, $0xB  }
0xa5: {  	s26 =	simm.s32 $0x9A00;
	s23 =	sadd.s32 s2, s23  }
0xa6: {  	[tilespmem:s26], [sflag:$0x2] =	stream.linear.gather [hbm4b:s23+s3], $0x300, $0x38;
	[tilespmem:$0x18200] =	vst v63  }
0xa7: {  	s23 =	sand.u32 $0x1FFFFF80, s25;
	s25 =	spop (v2sf);
	(v2sf) =	vpush v0, $0xC;
	_ =	sdelay $0x1  }
0xa8: {  	s26 =	simm.s32 $0x9E00;
	s23 =	sadd.s32 s2, s23  }
0xa9: {  	[tilespmem:s26], [sflag:$0x2] =	stream.linear.gather [hbm4b:s23+s3], $0x300, $0x38;
	[tilespmem:$0x18200] =	vst v63  }
0xaa: {  	s23 =	sand.u32 $0x1FFFFF80, s25  }
0xab: {  	s26 =	simm.s32 $0xA200;
	s23 =	sadd.s32 s2, s23;
	s25 =	spop (v2sf);
	(v2sf) =	vpush v0, $0xD  }
0xac: {  	[tilespmem:s26], [sflag:$0x2] =	stream.linear.gather [hbm4b:s23+s3], $0x300, $0x38;
	[tilespmem:$0x18200] =	vst v63  }
0xad: {  	s23 =	sand.u32 $0x1FFFFF80, s25;
	s25 =	spop (v2sf);
	(v2sf) =	vpush v0, $0xE;
	_ =	sdelay $0x1  }
0xae: {  	s26 =	simm.s32 $0xA600;
	s23 =	sadd.s32 s2, s23  }
0xaf: {  	[tilespmem:s26], [sflag:$0x2] =	stream.linear.gather [hbm4b:s23+s3], $0x300, $0x38;
	[tilespmem:$0x18200] =	vst v63  }
0xb0: {  	s23 =	sand.u32 $0x1FFFFF80, s25  }
0xb1: {  	s26 =	simm.s32 $0xAA00;
	s23 =	sadd.s32 s2, s23;
	s25 =	spop (v2sf);
	(v2sf) =	vpush v0, $0xF  }
0xb2: {  	[tilespmem:s26], [sflag:$0x2] =	stream.linear.gather [hbm4b:s23+s3], $0x300, $0x38;
	[tilespmem:$0x18200] =	vst v63  }
0xb3: {  	s23 =	sand.u32 $0x1FFFFF80, s25  }
0xb4: {  	s26 =	simm.s32 $0xAE00;
	s23 =	sadd.s32 s2, s23;
	s25 =	spop (v2sf)  }
0xb5: {  	[tilespmem:s26], [sflag:$0x2] =	stream.linear.gather [hbm4b:s23+s3], $0x300, $0x38;
	[tilespmem:$0x18200] =	vst v63  }
0xb6: {  	s23 =	sand.u32 $0x1FFFFF80, s25  }
0xb7: {  	s26 =	simm.s32 $0xB200;
	s23 =	sadd.s32 s2, s23  }
0xb8: {  	[tilespmem:s26], [sflag:$0x2] =	stream.linear.gather [hbm4b:s23+s3], $0x300, $0x38;
	[tilespmem:$0x18200] =	vst v63  }
0xb9: {  	s25 =	spop (v2sf)  }
0xba: {  	s23 =	sand.u32 $0x1FFFFF80, s25  }
0xbb: {  	s26 =	simm.s32 $0xB600;
	s25 =	spop (v2sf);
	s23 =	sadd.s32 s2, s23  }
0xbc: {  	[tilespmem:s26], [sflag:$0x2] =	stream.linear.gather [hbm4b:s23+s3], $0x300, $0x38;
	[tilespmem:$0x18200] =	vst v63  }
0xbd: {  	s23 =	sand.u32 $0x1FFFFF80, s25  }
0xbe: {  	s26 =	simm.s32 $0xBA00;
	s23 =	sadd.s32 s2, s23  }
0xbf: {  	[tilespmem:s26], [sflag:$0x2] =	stream.linear.gather [hbm4b:s23+s3], $0x300, $0x38;
	[tilespmem:$0x18200] =	vst v63  }
0xc0: {  	s25 =	spop (v2sf)  }
0xc1: {  	s23 =	sand.u32 $0x1FFFFF80, s25  }
0xc2: {  	s26 =	simm.s32 $0xBE00;
	s23 =	sadd.s32 s2, s23  }
0xc3: {  	[tilespmem:s26], [sflag:$0x2] =	stream.linear.gather [hbm4b:s23+s3], $0x300, $0x38;
	[tilespmem:$0x18200] =	vst v63  }
0xc4: {  	v61 =	vld [tilespmem:$0x30];
	_ =	sdelay $0x4  }
0xc5: {  	v0 =	vshll.u32 v61, $0x7  }
0xc6: {  	(v2sf) =	vpush v0, $0x0;
	_ =	sdelay $0x1  }
0xc7: {  	(v2sf) =	vpush v0, $0x1;
	_ =	sdelay $0x2  }
0xc8: {  	(v2sf) =	vpush v0, $0x2;
	_ =	sdelay $0x1  }
0xc9: {  	(v2sf) =	vpush v0, $0x3;
	_ =	sdelay $0x2  }
0xca: {  	(v2sf) =	vpush v0, $0x4;
	_ =	sdelay $0x4  }
0xcb: {  	s25 =	spop (v2sf);
	(v2sf) =	vpush v0, $0x5  }
0xcc: {  	s23 =	sand.u32 $0x1FFFFF80, s25  }
0xcd: {  	s26 =	simm.s32 $0xC200;
	s25 =	spop (v2sf);
	(v2sf) =	vpush v0, $0x6;
	s23 =	sadd.s32 s2, s23  }
0xce: {  	[tilespmem:s26], [sflag:$0x2] =	stream.linear.gather [hbm4b:s23+s3], $0x300, $0x38;
	[tilespmem:$0x18200] =	vst v63  }
0xcf: {  	s23 =	sand.u32 $0x1FFFFF80, s25  }
0xd0: {  	s26 =	simm.s32 $0xC600;
	s25 =	spop (v2sf);
	s23 =	sadd.s32 s2, s23  }
0xd1: {  	[tilespmem:s26], [sflag:$0x2] =	stream.linear.gather [hbm4b:s23+s3], $0x300, $0x38;
	[tilespmem:$0x18200] =	vst v63  }
0xd2: {  	s23 =	sand.u32 $0x1FFFFF80, s25;
	s25 =	spop (v2sf);
	(v2sf) =	vpush v0, $0x7  }
0xd3: {  	s26 =	simm.s32 $0xCA00;
	s23 =	sadd.s32 s2, s23  }
0xd4: {  	[tilespmem:s26], [sflag:$0x2] =	stream.linear.gather [hbm4b:s23+s3], $0x300, $0x38;
	[tilespmem:$0x18200] =	vst v63  }
0xd5: {  	s23 =	sand.u32 $0x1FFFFF80, s25;
	s25 =	spop (v2sf);
	(v2sf) =	vpush v0, $0x8;
	_ =	sdelay $0x1  }
0xd6: {  	s26 =	simm.s32 $0xCE00;
	s23 =	sadd.s32 s2, s23  }
0xd7: {  	[tilespmem:s26], [sflag:$0x2] =	stream.linear.gather [hbm4b:s23+s3], $0x300, $0x38;
	[tilespmem:$0x18200] =	vst v63  }
0xd8: {  	s23 =	sand.u32 $0x1FFFFF80, s25  }
0xd9: {  	s26 =	simm.s32 $0xD200;
	s23 =	sadd.s32 s2, s23;
	s25 =	spop (v2sf);
	(v2sf) =	vpush v0, $0x9  }
0xda: {  	[tilespmem:s26], [sflag:$0x2] =	stream.linear.gather [hbm4b:s23+s3], $0x300, $0x38;
	[tilespmem:$0x18200] =	vst v63  }
0xdb: {  	s23 =	sand.u32 $0x1FFFFF80, s25;
	s25 =	spop (v2sf);
	(v2sf) =	vpush v0, $0xA;
	_ =	sdelay $0x2  }
0xdc: {  	s26 =	simm.s32 $0xD600;
	s23 =	sadd.s32 s2, s23  }
0xdd: {  	[tilespmem:s26], [sflag:$0x2] =	stream.linear.gather [hbm4b:s23+s3], $0x300, $0x38;
	[tilespmem:$0x18200] =	vst v63  }
0xde: {  	s23 =	sand.u32 $0x1FFFFF80, s25;
	s25 =	spop (v2sf);
	(v2sf) =	vpush v0, $0xB  }
0xdf: {  	s26 =	simm.s32 $0xDA00;
	s23 =	sadd.s32 s2, s23  }
0xe0: {  	[tilespmem:s26], [sflag:$0x2] =	stream.linear.gather [hbm4b:s23+s3], $0x300, $0x38;
	[tilespmem:$0x18200] =	vst v63  }
0xe1: {  	s23 =	sand.u32 $0x1FFFFF80, s25;
	s25 =	spop (v2sf);
	(v2sf) =	vpush v0, $0xC;
	_ =	sdelay $0x1  }
0xe2: {  	s26 =	simm.s32 $0xDE00;
	s23 =	sadd.s32 s2, s23  }
0xe3: {  	[tilespmem:s26], [sflag:$0x2] =	stream.linear.gather [hbm4b:s23+s3], $0x300, $0x38;
	[tilespmem:$0x18200] =	vst v63  }
0xe4: {  	s23 =	sand.u32 $0x1FFFFF80, s25  }
0xe5: {  	s26 =	simm.s32 $0xE200;
	s23 =	sadd.s32 s2, s23;
	s25 =	spop (v2sf);
	(v2sf) =	vpush v0, $0xD  }
0xe6: {  	[tilespmem:s26], [sflag:$0x2] =	stream.linear.gather [hbm4b:s23+s3], $0x300, $0x38;
	[tilespmem:$0x18200] =	vst v63  }
0xe7: {  	s23 =	sand.u32 $0x1FFFFF80, s25;
	s25 =	spop (v2sf);
	(v2sf) =	vpush v0, $0xE;
	_ =	sdelay $0x1  }
0xe8: {  	s26 =	simm.s32 $0xE600;
	s23 =	sadd.s32 s2, s23  }
0xe9: {  	[tilespmem:s26], [sflag:$0x2] =	stream.linear.gather [hbm4b:s23+s3], $0x300, $0x38;
	[tilespmem:$0x18200] =	vst v63  }
0xea: {  	s23 =	sand.u32 $0x1FFFFF80, s25  }
0xeb: {  	s26 =	simm.s32 $0xEA00;
	s23 =	sadd.s32 s2, s23;
	s25 =	spop (v2sf);
	(v2sf) =	vpush v0, $0xF  }
0xec: {  	[tilespmem:s26], [sflag:$0x2] =	stream.linear.gather [hbm4b:s23+s3], $0x300, $0x38;
	[tilespmem:$0x18200] =	vst v63  }
0xed: {  	s23 =	sand.u32 $0x1FFFFF80, s25  }
0xee: {  	s26 =	simm.s32 $0xEE00;
	s23 =	sadd.s32 s2, s23;
	s25 =	spop (v2sf)  }
0xef: {  	[tilespmem:s26], [sflag:$0x2] =	stream.linear.gather [hbm4b:s23+s3], $0x300, $0x38;
	[tilespmem:$0x18200] =	vst v63  }
0xf0: {  	s23 =	sand.u32 $0x1FFFFF80, s25  }
0xf1: {  	s26 =	simm.s32 $0xF200;
	s23 =	sadd.s32 s2, s23  }
0xf2: {  	[tilespmem:s26], [sflag:$0x2] =	stream.linear.gather [hbm4b:s23+s3], $0x300, $0x38;
	[tilespmem:$0x18200] =	vst v63  }
0xf3: {  	s25 =	spop (v2sf)  }
0xf4: {  	s23 =	sand.u32 $0x1FFFFF80, s25  }
0xf5: {  	s26 =	simm.s32 $0xF600;
	s25 =	spop (v2sf);
	s23 =	sadd.s32 s2, s23  }
0xf6: {  	[tilespmem:s26], [sflag:$0x2] =	stream.linear.gather [hbm4b:s23+s3], $0x300, $0x38;
	[tilespmem:$0x18200] =	vst v63  }
0xf7: {  	s23 =	sand.u32 $0x1FFFFF80, s25  }
0xf8: {  	s26 =	simm.s32 $0xFA00;
	s23 =	sadd.s32 s2, s23  }
0xf9: {  	[tilespmem:s26], [sflag:$0x2] =	stream.linear.gather [hbm4b:s23+s3], $0x300, $0x38;
	[tilespmem:$0x18200] =	vst v63  }
0xfa: {  	s25 =	spop (v2sf)  }
0xfb: {  	s23 =	sand.u32 $0x1FFFFF80, s25  }
0xfc: {  	s26 =	simm.s32 $0xFE00;
	s23 =	sadd.s32 s2, s23  }
0xfd: {  	[tilespmem:s26], [sflag:$0x2] =	stream.linear.gather [hbm4b:s23+s3], $0x300, $0x38;
	[tilespmem:$0x18200] =	vst v63  }
0xfe: {  	v62 =	vld [tilespmem:$0x40];
	_ =	sdelay $0x4  }
0xff: {  	v0 =	vshll.u32 v62, $0x7  }
0x100: {  	(v2sf) =	vpush v0, $0x0;
	_ =	sdelay $0x1  }
0x101: {  	(v2sf) =	vpush v0, $0x1;
	_ =	sdelay $0x2  }
0x102: {  	(v2sf) =	vpush v0, $0x2;
	_ =	sdelay $0x1  }
0x103: {  	(v2sf) =	vpush v0, $0x3;
	_ =	sdelay $0x2  }
0x104: {  	(v2sf) =	vpush v0, $0x4;
	_ =	sdelay $0x4  }
0x105: {  	s25 =	spop (v2sf);
	(v2sf) =	vpush v0, $0x5  }
0x106: {  	s23 =	sand.u32 $0x1FFFFF80, s25  }
0x107: {  	s26 =	simm.s32 $0x10200;
	s25 =	spop (v2sf);
	(v2sf) =	vpush v0, $0x6;
	s23 =	sadd.s32 s2, s23  }
0x108: {  	[tilespmem:s26], [sflag:$0x3] =	stream.linear.gather [hbm4b:s23+s3], $0x300, $0x38;
	[tilespmem:$0x18200] =	vst v63  }
0x109: {  	s23 =	sand.u32 $0x1FFFFF80, s25  }
0x10a: {  	s26 =	simm.s32 $0x10600;
	s25 =	spop (v2sf);
	s23 =	sadd.s32 s2, s23  }
0x10b: {  	[tilespmem:s26], [sflag:$0x3] =	stream.linear.gather [hbm4b:s23+s3], $0x300, $0x38;
	[tilespmem:$0x18200] =	vst v63  }
0x10c: {  	s23 =	sand.u32 $0x1FFFFF80, s25;
	s25 =	spop (v2sf);
	(v2sf) =	vpush v0, $0x7  }
0x10d: {  	s26 =	simm.s32 $0x10A00;
	s23 =	sadd.s32 s2, s23  }
0x10e: {  	[tilespmem:s26], [sflag:$0x3] =	stream.linear.gather [hbm4b:s23+s3], $0x300, $0x38;
	[tilespmem:$0x18200] =	vst v63  }
0x10f: {  	s23 =	sand.u32 $0x1FFFFF80, s25;
	s25 =	spop (v2sf);
	(v2sf) =	vpush v0, $0x8;
	_ =	sdelay $0x1  }
0x110: {  	s26 =	simm.s32 $0x10E00;
	s23 =	sadd.s32 s2, s23  }
0x111: {  	[tilespmem:s26], [sflag:$0x3] =	stream.linear.gather [hbm4b:s23+s3], $0x300, $0x38;
	[tilespmem:$0x18200] =	vst v63  }
0x112: {  	s23 =	sand.u32 $0x1FFFFF80, s25  }
0x113: {  	s26 =	simm.s32 $0x11200;
	s23 =	sadd.s32 s2, s23;
	s25 =	spop (v2sf);
	(v2sf) =	vpush v0, $0x9  }
0x114: {  	[tilespmem:s26], [sflag:$0x3] =	stream.linear.gather [hbm4b:s23+s3], $0x300, $0x38;
	[tilespmem:$0x18200] =	vst v63  }
0x115: {  	s23 =	sand.u32 $0x1FFFFF80, s25;
	s25 =	spop (v2sf);
	(v2sf) =	vpush v0, $0xA;
	_ =	sdelay $0x2  }
0x116: {  	s26 =	simm.s32 $0x11600;
	s23 =	sadd.s32 s2, s23  }
0x117: {  	[tilespmem:s26], [sflag:$0x3] =	stream.linear.gather [hbm4b:s23+s3], $0x300, $0x38;
	[tilespmem:$0x18200] =	vst v63  }
0x118: {  	s23 =	sand.u32 $0x1FFFFF80, s25;
	s25 =	spop (v2sf);
	(v2sf) =	vpush v0, $0xB  }
0x119: {  	s26 =	simm.s32 $0x11A00;
	s23 =	sadd.s32 s2, s23  }
0x11a: {  	[tilespmem:s26], [sflag:$0x3] =	stream.linear.gather [hbm4b:s23+s3], $0x300, $0x38;
	[tilespmem:$0x18200] =	vst v63  }
0x11b: {  	s23 =	sand.u32 $0x1FFFFF80, s25;
	s25 =	spop (v2sf);
	(v2sf) =	vpush v0, $0xC;
	_ =	sdelay $0x1  }
0x11c: {  	s26 =	simm.s32 $0x11E00;
	s23 =	sadd.s32 s2, s23  }
0x11d: {  	[tilespmem:s26], [sflag:$0x3] =	stream.linear.gather [hbm4b:s23+s3], $0x300, $0x38;
	[tilespmem:$0x18200] =	vst v63  }
0x11e: {  	s23 =	sand.u32 $0x1FFFFF80, s25  }
0x11f: {  	s26 =	simm.s32 $0x12200;
	s23 =	sadd.s32 s2, s23;
	s25 =	spop (v2sf);
	(v2sf) =	vpush v0, $0xD  }
0x120: {  	[tilespmem:s26], [sflag:$0x3] =	stream.linear.gather [hbm4b:s23+s3], $0x300, $0x38;
	[tilespmem:$0x18200] =	vst v63  }
0x121: {  	s23 =	sand.u32 $0x1FFFFF80, s25;
	s25 =	spop (v2sf);
	(v2sf) =	vpush v0, $0xE;
	_ =	sdelay $0x1  }
0x122: {  	s26 =	simm.s32 $0x12600;
	s23 =	sadd.s32 s2, s23  }
0x123: {  	[tilespmem:s26], [sflag:$0x3] =	stream.linear.gather [hbm4b:s23+s3], $0x300, $0x38;
	[tilespmem:$0x18200] =	vst v63  }
0x124: {  	s23 =	sand.u32 $0x1FFFFF80, s25  }
0x125: {  	s26 =	simm.s32 $0x12A00;
	s23 =	sadd.s32 s2, s23;
	s25 =	spop (v2sf);
	(v2sf) =	vpush v0, $0xF  }
0x126: {  	[tilespmem:s26], [sflag:$0x3] =	stream.linear.gather [hbm4b:s23+s3], $0x300, $0x38;
	[tilespmem:$0x18200] =	vst v63  }
0x127: {  	s23 =	sand.u32 $0x1FFFFF80, s25  }
0x128: {  	s26 =	simm.s32 $0x12E00;
	s23 =	sadd.s32 s2, s23;
	s25 =	spop (v2sf)  }
0x129: {  	[tilespmem:s26], [sflag:$0x3] =	stream.linear.gather [hbm4b:s23+s3], $0x300, $0x38;
	[tilespmem:$0x18200] =	vst v63  }
0x12a: {  	s23 =	sand.u32 $0x1FFFFF80, s25  }
0x12b: {  	s26 =	simm.s32 $0x13200;
	s23 =	sadd.s32 s2, s23  }
0x12c: {  	[tilespmem:s26], [sflag:$0x3] =	stream.linear.gather [hbm4b:s23+s3], $0x300, $0x38;
	[tilespmem:$0x18200] =	vst v63  }
0x12d: {  	s25 =	spop (v2sf)  }
0x12e: {  	s23 =	sand.u32 $0x1FFFFF80, s25  }
0x12f: {  	s26 =	simm.s32 $0x13600;
	s25 =	spop (v2sf);
	s23 =	sadd.s32 s2, s23  }
0x130: {  	[tilespmem:s26], [sflag:$0x3] =	stream.linear.gather [hbm4b:s23+s3], $0x300, $0x38;
	[tilespmem:$0x18200] =	vst v63  }
0x131: {  	s23 =	sand.u32 $0x1FFFFF80, s25  }
0x132: {  	s26 =	simm.s32 $0x13A00;
	s23 =	sadd.s32 s2, s23  }
0x133: {  	[tilespmem:s26], [sflag:$0x3] =	stream.linear.gather [hbm4b:s23+s3], $0x300, $0x38;
	[tilespmem:$0x18200] =	vst v63  }
0x134: {  	s25 =	spop (v2sf)  }
0x135: {  	s23 =	sand.u32 $0x1FFFFF80, s25  }
0x136: {  	s26 =	simm.s32 $0x13E00;
	s23 =	sadd.s32 s2, s23  }
0x137: {  	[tilespmem:s26], [sflag:$0x3] =	stream.linear.gather [hbm4b:s23+s3], $0x300, $0x38;
	[tilespmem:$0x18200] =	vst v63  }
0x138: {  	v63 =	vld [tilespmem:$0x50];
	_ =	sdelay $0x4  }
0x139: {  	v0 =	vshll.u32 v63, $0x7  }
0x13a: {  	(v2sf) =	vpush v0, $0x0;
	_ =	sdelay $0x1  }
0x13b: {  	(v2sf) =	vpush v0, $0x1;
	_ =	sdelay $0x2  }
0x13c: {  	(v2sf) =	vpush v0, $0x2;
	_ =	sdelay $0x1  }
0x13d: {  	(v2sf) =	vpush v0, $0x3;
	_ =	sdelay $0x2  }
0x13e: {  	(v2sf) =	vpush v0, $0x4;
	_ =	sdelay $0x4  }
0x13f: {  	s25 =	spop (v2sf);
	(v2sf) =	vpush v0, $0x5  }
0x140: {  	s23 =	sand.u32 $0x1FFFFF80, s25  }
0x141: {  	s26 =	simm.s32 $0x14200;
	s25 =	spop (v2sf);
	s23 =	sadd.s32 s2, s23  }
0x142: {  	[tilespmem:s26], [sflag:$0x3] =	stream.linear.gather [hbm4b:s23+s3], $0x300, $0x38;
	[tilespmem:$0x18200] =	vst v63  }
0x143: {  	s23 =	sand.u32 $0x1FFFFF80, s25  }
0x144: {  	s26 =	simm.s32 $0x14600;
	s25 =	spop (v2sf);
	(v2sf) =	vpush v0, $0x6;
	s23 =	sadd.s32 s2, s23  }
0x145: {  	[tilespmem:s26], [sflag:$0x3] =	stream.linear.gather [hbm4b:s23+s3], $0x300, $0x38;
	[tilespmem:$0x18200] =	vst v63  }
0x146: {  	s23 =	sand.u32 $0x1FFFFF80, s25;
	s25 =	spop (v2sf);
	(v2sf) =	vpush v0, $0x7  }
0x147: {  	s26 =	simm.s32 $0x14A00;
	s23 =	sadd.s32 s2, s23  }
0x148: {  	[tilespmem:s26], [sflag:$0x3] =	stream.linear.gather [hbm4b:s23+s3], $0x300, $0x38;
	[tilespmem:$0x18200] =	vst v63  }
0x149: {  	s23 =	sand.u32 $0x1FFFFF80, s25;
	s25 =	spop (v2sf);
	(v2sf) =	vpush v0, $0x8;
	_ =	sdelay $0x1  }
0x14a: {  	s26 =	simm.s32 $0x14E00;
	s23 =	sadd.s32 s2, s23  }
0x14b: {  	[tilespmem:s26], [sflag:$0x3] =	stream.linear.gather [hbm4b:s23+s3], $0x300, $0x38;
	[tilespmem:$0x18200] =	vst v63  }
0x14c: {  	s23 =	sand.u32 $0x1FFFFF80, s25  }
0x14d: {  	s26 =	simm.s32 $0x15200;
	s23 =	sadd.s32 s2, s23;
	s25 =	spop (v2sf);
	(v2sf) =	vpush v0, $0x9  }
0x14e: {  	[tilespmem:s26], [sflag:$0x3] =	stream.linear.gather [hbm4b:s23+s3], $0x300, $0x38;
	[tilespmem:$0x18200] =	vst v63  }
0x14f: {  	s23 =	sand.u32 $0x1FFFFF80, s25;
	(v2sf) =	vpush v0, $0xA  }
0x150: {  	s26 =	simm.s32 $0x15600;
	s23 =	sadd.s32 s2, s23  }
0x151: {  	[tilespmem:s26], [sflag:$0x3] =	stream.linear.gather [hbm4b:s23+s3], $0x300, $0x38;
	[tilespmem:$0x18200] =	vst v63  }
0x152: {  	s25 =	spop (v2sf);
	(v2sf) =	vpush v0, $0xB  }
0x153: {  	s23 =	sand.u32 $0x1FFFFF80, s25  }
0x154: {  	s26 =	simm.s32 $0x15A00;
	s23 =	sadd.s32 s2, s23;
	s25 =	spop (v2sf)  }
0x155: {  	(v2sf) =	vpush v0, $0xC;
	[tilespmem:s26], [sflag:$0x3] =	stream.linear.gather [hbm4b:s23+s3], $0x300, $0x38;
	[tilespmem:$0x18200] =	vst v63  }
0x156: {  	s23 =	sand.u32 $0x1FFFFF80, s25  }
0x157: {  	s26 =	simm.s32 $0x15E00;
	s23 =	sadd.s32 s2, s23;
	s25 =	spop (v2sf);
	(v2sf) =	vpush v0, $0xD  }
0x158: {  	[tilespmem:s26], [sflag:$0x3] =	stream.linear.gather [hbm4b:s23+s3], $0x300, $0x38;
	[tilespmem:$0x18200] =	vst v63  }
0x159: {  	s23 =	sand.u32 $0x1FFFFF80, s25  }
0x15a: {  	s26 =	simm.s32 $0x16200;
	s23 =	sadd.s32 s2, s23  }
0x15b: {  	[tilespmem:s26], [sflag:$0x3] =	stream.linear.gather [hbm4b:s23+s3], $0x300, $0x38;
	[tilespmem:$0x18200] =	vst v63  }
0x15c: {  	s25 =	spop (v2sf);
	(v2sf) =	vpush v0, $0xE  }
0x15d: {  	s23 =	sand.u32 $0x1FFFFF80, s25  }
0x15e: {  	s26 =	simm.s32 $0x16600;
	s25 =	spop (v2sf);
	(v2sf) =	vpush v0, $0xF;
	s23 =	sadd.s32 s2, s23  }
0x15f: {  	[tilespmem:s26], [sflag:$0x3] =	stream.linear.gather [hbm4b:s23+s3], $0x300, $0x38;
	[tilespmem:$0x18200] =	vst v63  }
0x160: {  	s23 =	sand.u32 $0x1FFFFF80, s25  }
0x161: {  	s26 =	spop (v2sf);
	s25 =	simm.s32 $0x16A00;
	s23 =	sadd.s32 s2, s23  }
0x162: {  	[tilespmem:s25], [sflag:$0x3] =	stream.linear.gather [hbm4b:s23+s3], $0x300, $0x38;
	[tilespmem:$0x18200] =	vst v63  }
0x163: {  	s25 =	sand.u32 $0x1FFFFF80, s26  }
0x164: {  	s24 =	spop (v2sf);
	s26 =	simm.s32 $0x16E00;
	s23 =	sadd.s32 s2, s25  }
0x165: {  	[tilespmem:s26], [sflag:$0x3] =	stream.linear.gather [hbm4b:s23+s3], $0x300, $0x38;
	[tilespmem:$0x18200] =	vst v63  }
0x166: {  	s25 =	sand.u32 $0x1FFFFF80, s24;
	s24 =	spop (v2sf)  }
0x167: {  	s23 =	sadd.s32 s2, s25;
	s26 =	simm.s32 $0x17200;
	s25 =	sand.u32 $0x1FFFFF80, s24  }
0x168: {  	[tilespmem:s26], [sflag:$0x3] =	stream.linear.gather [hbm4b:s23+s3], $0x300, $0x38;
	[tilespmem:$0x18200] =	vst v63  }
0x169: {  	s23 =	sadd.s32 s2, s25;
	s26 =	simm.s32 $0x17600  }
0x16a: {  	[tilespmem:s26], [sflag:$0x3] =	stream.linear.gather [hbm4b:s23+s3], $0x300, $0x38;
	[tilespmem:$0x18200] =	vst v63  }
0x16b: {  	s24 =	spop (v2sf)  }
0x16c: {  	s25 =	sand.u32 $0x1FFFFF80, s24  }
0x16d: {  	s26 =	simm.s32 $0x17A00;
	s23 =	sadd.s32 s2, s25;
	s25 =	spop (v2sf)  }
0x16e: {  	[tilespmem:s26], [sflag:$0x3] =	stream.linear.gather [hbm4b:s23+s3], $0x300, $0x38;
	[tilespmem:$0x18200] =	vst v63  }
0x16f: {  	s23 =	sand.u32 $0x1FFFFF80, s25  }
0x170: {  	s26 =	simm.s32 $0x17E00;
	s23 =	sadd.s32 s2, s23  }
0x171: {  	[tilespmem:s26], [sflag:$0x3] =	stream.linear.gather [hbm4b:s23+s3], $0x300, $0x38;
	[tilespmem:$0x18200] =	vst v63  }
0x172: {  	_ =	swait.ge [sflag:s29], $0x6000  }
0x173: {  	s24 =	simm.s32 $0x600;
	s25 =	simm.s32 $0x200;
	[sflag:s29] =	ssyncset.done $0x0  }
0x174: {  	s23 =	simm.s32 $0x80;
	s26 =	sadd.s32 $0x0, s5;
	[sflag:s29] =	ssyncadd.s32 $0xFFFFA000  }
.LBB2_2:
0x175: {  	[hbm4b:s26+s3] =	stream.linear.scatter [tilespmem:s25], [sflag:$0x4], $0x300, $0x38;
	[tilespmem:$0x18200] =	vst v63  }
0x176: {  	s26 =	smov.u32 s23;
	s25 =	smov.u32 s24;
	p0 =	sne.s32 s23, $0xF80  }
.Ltmp0:
0x177: {  	s23 =	sadd.s32 $0x80, s23;
	(pc) =	sbr.rel @p0 .LBB2_2-.Ltmp0, $2  }
0x178: {  	_ =	sdelay $0x2  }
0x179: {  	s24 =	sadd.s32 $0x400, s24;
	s26 =	sadd.s32 s26, s5  }
0x17a: {  	[hbm4b:s26+s3] =	stream.linear.scatter [tilespmem:s25], [sflag:$0x4], $0x300, $0x38;
	[tilespmem:$0x18200] =	vst v63  }
0x17b: {  	_ =	swait.ge [sflag:s30], $0x6000  }
0x17c: {  	[sflag:s30] =	ssyncset.done $0x0  }
0x17d: {  	[sflag:s30] =	ssyncadd.s32 $0xFFFFA000  }
0x17e: {  	v0 =	vld [tilespmem:$0x60];
	_ =	sdelay $0x4  }
0x17f: {  	v0 =	vshll.u32 v0, $0x7  }
0x180: {  	(v2sf) =	vpush v0, $0x0;
	_ =	sdelay $0x1  }
0x181: {  	(v2sf) =	vpush v0, $0x1;
	_ =	sdelay $0x2  }
0x182: {  	(v2sf) =	vpush v0, $0x2;
	_ =	sdelay $0x6  }
0x183: {  	(v2sf) =	vpush v0, $0x3;
	_ =	sdelay $0x2  }
0x184: {  	s23 =	spop (v2sf);
	(v2sf) =	vpush v0, $0x4;
	_ =	sdelay $0x1  }
0x185: {  	s23 =	sand.u32 $0x1FFFFF80, s23;
	s25 =	spop (v2sf);
	(v2sf) =	vpush v0, $0x5  }
0x186: {  	s24 =	sadd.s32 s2, s23;
	s23 =	simm.s32 $0x0  }
0x187: {  	[tilespmem:s31], [sflag:$0x1] =	stream.linear.gather [hbm4b:s24+s23], $0x300, $0x38;
	[tilespmem:$0x18200] =	vst v63  }
0x188: {  	s24 =	sand.u32 $0x1FFFFF80, s25;
	s25 =	spop (v2sf);
	(v2sf) =	vpush v0, $0x6;
	_ =	sdelay $0x2  }
0x189: {  	(v2sf) =	vpush v0, $0x7  }
0x18a: {  	s26 =	simm.s32 $0x600;
	s24 =	sadd.s32 s2, s24  }
0x18b: {  	[tilespmem:s26], [sflag:$0x1] =	stream.linear.gather [hbm4b:s24+s23], $0x300, $0x38;
	[tilespmem:$0x18200] =	vst v63  }
0x18c: {  	s24 =	sand.u32 $0x1FFFFF80, s25  }
0x18d: {  	s26 =	simm.s32 $0xA00;
	s25 =	spop (v2sf);
	s24 =	sadd.s32 s2, s24  }
0x18e: {  	[tilespmem:s26], [sflag:$0x1] =	stream.linear.gather [hbm4b:s24+s23], $0x300, $0x38;
	[tilespmem:$0x18200] =	vst v63  }
0x18f: {  	s24 =	sand.u32 $0x1FFFFF80, s25  }
0x190: {  	s26 =	simm.s32 $0xE00;
	s24 =	sadd.s32 s2, s24;
	s25 =	spop (v2sf);
	(v2sf) =	vpush v0, $0x8  }
0x191: {  	[tilespmem:s26], [sflag:$0x1] =	stream.linear.gather [hbm4b:s24+s23], $0x300, $0x38;
	[tilespmem:$0x18200] =	vst v63  }
0x192: {  	s24 =	sand.u32 $0x1FFFFF80, s25;
	s25 =	spop (v2sf);
	(v2sf) =	vpush v0, $0x9  }
0x193: {  	s26 =	simm.s32 $0x1200;
	s24 =	sadd.s32 s2, s24  }
0x194: {  	[tilespmem:s26], [sflag:$0x1] =	stream.linear.gather [hbm4b:s24+s23], $0x300, $0x38;
	[tilespmem:$0x18200] =	vst v63  }
0x195: {  	s24 =	sand.u32 $0x1FFFFF80, s25;
	s25 =	spop (v2sf);
	(v2sf) =	vpush v0, $0xA  }
0x196: {  	s26 =	simm.s32 $0x1600;
	s24 =	sadd.s32 s2, s24  }
0x197: {  	[tilespmem:s26], [sflag:$0x1] =	stream.linear.gather [hbm4b:s24+s23], $0x300, $0x38;
	[tilespmem:$0x18200] =	vst v63  }
0x198: {  	s24 =	sand.u32 $0x1FFFFF80, s25;
	s25 =	spop (v2sf);
	(v2sf) =	vpush v0, $0xB;
	_ =	sdelay $0x3  }
0x199: {  	s26 =	simm.s32 $0x1A00;
	s24 =	sadd.s32 s2, s24  }
0x19a: {  	[tilespmem:s26], [sflag:$0x1] =	stream.linear.gather [hbm4b:s24+s23], $0x300, $0x38;
	[tilespmem:$0x18200] =	vst v63  }
0x19b: {  	s24 =	sand.u32 $0x1FFFFF80, s25  }
0x19c: {  	s26 =	simm.s32 $0x1E00;
	s24 =	sadd.s32 s2, s24;
	s25 =	spop (v2sf);
	(v2sf) =	vpush v0, $0xC  }
0x19d: {  	[tilespmem:s26], [sflag:$0x1] =	stream.linear.gather [hbm4b:s24+s23], $0x300, $0x38;
	[tilespmem:$0x18200] =	vst v63  }
0x19e: {  	s24 =	sand.u32 $0x1FFFFF80, s25;
	s25 =	spop (v2sf);
	(v2sf) =	vpush v0, $0xD  }
0x19f: {  	s26 =	simm.s32 $0x2200;
	s24 =	sadd.s32 s2, s24  }
0x1a0: {  	[tilespmem:s26], [sflag:$0x1] =	stream.linear.gather [hbm4b:s24+s23], $0x300, $0x38;
	[tilespmem:$0x18200] =	vst v63  }
0x1a1: {  	s24 =	sand.u32 $0x1FFFFF80, s25;
	s25 =	spop (v2sf);
	(v2sf) =	vpush v0, $0xE  }
0x1a2: {  	s26 =	simm.s32 $0x2600;
	s24 =	sadd.s32 s2, s24  }
0x1a3: {  	[tilespmem:s26], [sflag:$0x1] =	stream.linear.gather [hbm4b:s24+s23], $0x300, $0x38;
	[tilespmem:$0x18200] =	vst v63  }
0x1a4: {  	s24 =	sand.u32 $0x1FFFFF80, s25;
	s25 =	spop (v2sf);
	(v2sf) =	vpush v0, $0xF;
	_ =	sdelay $0x1  }
0x1a5: {  	s26 =	simm.s32 $0x2A00;
	s24 =	sadd.s32 s2, s24  }
0x1a6: {  	[tilespmem:s26], [sflag:$0x1] =	stream.linear.gather [hbm4b:s24+s23], $0x300, $0x38;
	[tilespmem:$0x18200] =	vst v63  }
0x1a7: {  	s24 =	sand.u32 $0x1FFFFF80, s25  }
0x1a8: {  	s26 =	simm.s32 $0x2E00;
	s24 =	sadd.s32 s2, s24  }
0x1a9: {  	[tilespmem:s26], [sflag:$0x1] =	stream.linear.gather [hbm4b:s24+s23], $0x300, $0x38;
	[tilespmem:$0x18200] =	vst v63  }
0x1aa: {  	s25 =	spop (v2sf)  }
0x1ab: {  	s24 =	sand.u32 $0x1FFFFF80, s25  }
0x1ac: {  	s26 =	simm.s32 $0x3200;
	s25 =	spop (v2sf);
	s24 =	sadd.s32 s2, s24  }
0x1ad: {  	[tilespmem:s26], [sflag:$0x1] =	stream.linear.gather [hbm4b:s24+s23], $0x300, $0x38;
	[tilespmem:$0x18200] =	vst v63  }
0x1ae: {  	s24 =	sand.u32 $0x1FFFFF80, s25  }
0x1af: {  	s26 =	simm.s32 $0x3600;
	s25 =	spop (v2sf);
	s24 =	sadd.s32 s2, s24  }
0x1b0: {  	[tilespmem:s26], [sflag:$0x1] =	stream.linear.gather [hbm4b:s24+s23], $0x300, $0x38;
	[tilespmem:$0x18200] =	vst v63  }
0x1b1: {  	s24 =	sand.u32 $0x1FFFFF80, s25  }
0x1b2: {  	s26 =	simm.s32 $0x3A00;
	s25 =	spop (v2sf);
	s24 =	sadd.s32 s2, s24  }
0x1b3: {  	[tilespmem:s26], [sflag:$0x1] =	stream.linear.gather [hbm4b:s24+s23], $0x300, $0x38;
	[tilespmem:$0x18200] =	vst v63  }
0x1b4: {  	s24 =	sand.u32 $0x1FFFFF80, s25  }
0x1b5: {  	s26 =	simm.s32 $0x3E00;
	s24 =	sadd.s32 s2, s24  }
0x1b6: {  	[tilespmem:s26], [sflag:$0x1] =	stream.linear.gather [hbm4b:s24+s23], $0x300, $0x38;
	[tilespmem:$0x18200] =	vst v63  }
0x1b7: {  	v63 =	vld [tilespmem:$0x70];
	_ =	sdelay $0x4  }
0x1b8: {  	v0 =	vshll.u32 v63, $0x7  }
0x1b9: {  	(v2sf) =	vpush v0, $0x0;
	_ =	sdelay $0x1  }
0x1ba: {  	(v2sf) =	vpush v0, $0x1;
	_ =	sdelay $0x2  }
0x1bb: {  	(v2sf) =	vpush v0, $0x2;
	_ =	sdelay $0x1  }
0x1bc: {  	(v2sf) =	vpush v0, $0x3;
	_ =	sdelay $0x2  }
0x1bd: {  	(v2sf) =	vpush v0, $0x4;
	_ =	sdelay $0x4  }
0x1be: {  	s25 =	spop (v2sf);
	(v2sf) =	vpush v0, $0x5  }
0x1bf: {  	s24 =	sand.u32 $0x1FFFFF80, s25  }
0x1c0: {  	s26 =	simm.s32 $0x4200;
	s25 =	spop (v2sf);
	s24 =	sadd.s32 s2, s24  }
0x1c1: {  	[tilespmem:s26], [sflag:$0x1] =	stream.linear.gather [hbm4b:s24+s23], $0x300, $0x38;
	[tilespmem:$0x18200] =	vst v63  }
0x1c2: {  	s24 =	sand.u32 $0x1FFFFF80, s25  }
0x1c3: {  	s26 =	simm.s32 $0x4600;
	s25 =	spop (v2sf);
	(v2sf) =	vpush v0, $0x6;
	s24 =	sadd.s32 s2, s24  }
0x1c4: {  	[tilespmem:s26], [sflag:$0x1] =	stream.linear.gather [hbm4b:s24+s23], $0x300, $0x38;
	[tilespmem:$0x18200] =	vst v63  }
0x1c5: {  	s24 =	sand.u32 $0x1FFFFF80, s25;
	s25 =	spop (v2sf);
	(v2sf) =	vpush v0, $0x7  }
0x1c6: {  	s26 =	simm.s32 $0x4A00;
	s24 =	sadd.s32 s2, s24  }
0x1c7: {  	[tilespmem:s26], [sflag:$0x1] =	stream.linear.gather [hbm4b:s24+s23], $0x300, $0x38;
	[tilespmem:$0x18200] =	vst v63  }
0x1c8: {  	s24 =	sand.u32 $0x1FFFFF80, s25;
	s25 =	spop (v2sf);
	(v2sf) =	vpush v0, $0x8;
	_ =	sdelay $0x1  }
0x1c9: {  	s26 =	simm.s32 $0x4E00;
	s24 =	sadd.s32 s2, s24  }
0x1ca: {  	[tilespmem:s26], [sflag:$0x1] =	stream.linear.gather [hbm4b:s24+s23], $0x300, $0x38;
	[tilespmem:$0x18200] =	vst v63  }
0x1cb: {  	s24 =	sand.u32 $0x1FFFFF80, s25  }
0x1cc: {  	s26 =	simm.s32 $0x5200;
	s24 =	sadd.s32 s2, s24;
	s25 =	spop (v2sf);
	(v2sf) =	vpush v0, $0x9  }
0x1cd: {  	[tilespmem:s26], [sflag:$0x1] =	stream.linear.gather [hbm4b:s24+s23], $0x300, $0x38;
	[tilespmem:$0x18200] =	vst v63  }
0x1ce: {  	s24 =	sand.u32 $0x1FFFFF80, s25;
	(v2sf) =	vpush v0, $0xA  }
0x1cf: {  	s26 =	simm.s32 $0x5600;
	s24 =	sadd.s32 s2, s24  }
0x1d0: {  	[tilespmem:s26], [sflag:$0x1] =	stream.linear.gather [hbm4b:s24+s23], $0x300, $0x38;
	[tilespmem:$0x18200] =	vst v63  }
0x1d1: {  	s25 =	spop (v2sf);
	(v2sf) =	vpush v0, $0xB  }
0x1d2: {  	s24 =	sand.u32 $0x1FFFFF80, s25  }
0x1d3: {  	s26 =	simm.s32 $0x5A00;
	s24 =	sadd.s32 s2, s24;
	s25 =	spop (v2sf)  }
0x1d4: {  	(v2sf) =	vpush v0, $0xC;
	[tilespmem:s26], [sflag:$0x1] =	stream.linear.gather [hbm4b:s24+s23], $0x300, $0x38;
	[tilespmem:$0x18200] =	vst v63  }
0x1d5: {  	s24 =	sand.u32 $0x1FFFFF80, s25  }
0x1d6: {  	s26 =	simm.s32 $0x5E00;
	s24 =	sadd.s32 s2, s24;
	s25 =	spop (v2sf)  }
0x1d7: {  	(v2sf) =	vpush v0, $0xD;
	[tilespmem:s26], [sflag:$0x1] =	stream.linear.gather [hbm4b:s24+s23], $0x300, $0x38;
	[tilespmem:$0x18200] =	vst v63  }
0x1d8: {  	s24 =	sand.u32 $0x1FFFFF80, s25  }
0x1d9: {  	s26 =	simm.s32 $0x6200;
	s24 =	sadd.s32 s2, s24  }
0x1da: {  	[tilespmem:s26], [sflag:$0x1] =	stream.linear.gather [hbm4b:s24+s23], $0x300, $0x38;
	[tilespmem:$0x18200] =	vst v63  }
0x1db: {  	s25 =	spop (v2sf)  }
0x1dc: {  	(v2sf) =	vpush v0, $0xE;
	s24 =	sand.u32 $0x1FFFFF80, s25  }
0x1dd: {  	s26 =	simm.s32 $0x6600;
	s25 =	spop (v2sf);
	s24 =	sadd.s32 s2, s24  }
0x1de: {  	[tilespmem:s26], [sflag:$0x1] =	stream.linear.gather [hbm4b:s24+s23], $0x300, $0x38;
	[tilespmem:$0x18200] =	vst v63  }
0x1df: {  	s24 =	sand.u32 $0x1FFFFF80, s25  }
0x1e0: {  	(v2sf) =	vpush v0, $0xF;
	s25 =	spop (v2sf);
	s26 =	simm.s32 $0x6A00;
	s24 =	sadd.s32 s2, s24  }
0x1e1: {  	[tilespmem:s26], [sflag:$0x1] =	stream.linear.gather [hbm4b:s24+s23], $0x300, $0x38;
	[tilespmem:$0x18200] =	vst v63  }
0x1e2: {  	s26 =	sand.u32 $0x1FFFFF80, s25  }
0x1e3: {  	s25 =	spop (v2sf);
	s24 =	sadd.s32 s2, s26;
	s26 =	simm.s32 $0x6E00  }
0x1e4: {  	[tilespmem:s26], [sflag:$0x1] =	stream.linear.gather [hbm4b:s24+s23], $0x300, $0x38;
	[tilespmem:$0x18200] =	vst v63  }
0x1e5: {  	s26 =	sand.u32 $0x1FFFFF80, s25  }
0x1e6: {  	s25 =	spop (v2sf);
	s24 =	sadd.s32 s2, s26;
	s26 =	simm.s32 $0x7200  }
0x1e7: {  	[tilespmem:s26], [sflag:$0x1] =	stream.linear.gather [hbm4b:s24+s23], $0x300, $0x38;
	[tilespmem:$0x18200] =	vst v63  }
0x1e8: {  	s26 =	sand.u32 $0x1FFFFF80, s25  }
0x1e9: {  	s24 =	sadd.s32 s2, s26;
	s26 =	simm.s32 $0x7600  }
0x1ea: {  	[tilespmem:s26], [sflag:$0x1] =	stream.linear.gather [hbm4b:s24+s23], $0x300, $0x38;
	[tilespmem:$0x18200] =	vst v63  }
0x1eb: {  	s25 =	spop (v2sf)  }
0x1ec: {  	s25 =	sand.u32 $0x1FFFFF80, s25  }
0x1ed: {  	s26 =	simm.s32 $0x7A00;
	s24 =	sadd.s32 s2, s25  }
0x1ee: {  	[tilespmem:s26], [sflag:$0x1] =	stream.linear.gather [hbm4b:s24+s23], $0x300, $0x38;
	[tilespmem:$0x18200] =	vst v63  }
0x1ef: {  	s26 =	spop (v2sf)  }
0x1f0: {  	s24 =	sand.u32 $0x1FFFFF80, s26  }
0x1f1: {  	s24 =	sadd.s32 s2, s24  }
0x1f2: {  	[tilespmem:s28], [sflag:$0x1] =	stream.linear.gather [hbm4b:s24+s23], $0x300, $0x38;
	[tilespmem:$0x18200] =	vst v63  }
0x1f3: {  	_ =	swait.ge [sflag:s0], $0x6000  }
0x1f4: {  	s25 =	simm.s32 $0x8600;
	s26 =	sadd.s32 $0x0, s6;
	[sflag:s0] =	ssyncset.done $0x0  }
0x1f5: {  	s23 =	simm.s32 $0x8200;
	s24 =	simm.s32 $0x80;
	[sflag:s0] =	ssyncadd.s32 $0xFFFFA000  }
.LBB2_4:
0x1f6: {  	[hbm4b:s26+s3] =	stream.linear.scatter [tilespmem:s23], [sflag:$0x5], $0x300, $0x38;
	[tilespmem:$0x18200] =	vst v63  }
0x1f7: {  	s26 =	smov.u32 s24;
	s23 =	smov.u32 s25;
	p0 =	sne.s32 s24, $0xF80  }
.Ltmp1:
0x1f8: {  	s24 =	sadd.s32 $0x80, s24;
	(pc) =	sbr.rel @p0 .LBB2_4-.Ltmp1, $2  }
0x1f9: {  	_ =	sdelay $0x2  }
0x1fa: {  	s25 =	sadd.s32 $0x400, s25;
	s26 =	sadd.s32 s26, s6  }
0x1fb: {  	[hbm4b:s26+s3] =	stream.linear.scatter [tilespmem:s23], [sflag:$0x5], $0x300, $0x38;
	[tilespmem:$0x18200] =	vst v63  }
0x1fc: {  	_ =	swait.ge [sflag:s1], $0x6000  }
0x1fd: {  	[sflag:s1] =	ssyncset.done $0x0  }
0x1fe: {  	[sflag:s1] =	ssyncadd.s32 $0xFFFFA000  }
0x1ff: {  	v0 =	vld [tilespmem:$0x80];
	_ =	sdelay $0x4  }
0x200: {  	v0 =	vshll.u32 v0, $0x7  }
0x201: {  	(v2sf) =	vpush v0, $0x0;
	_ =	sdelay $0x3  }
0x202: {  	(v2sf) =	vpush v0, $0x1;
	_ =	sdelay $0x1  }
0x203: {  	(v2sf) =	vpush v0, $0x2;
	_ =	sdelay $0x6  }
0x204: {  	(v2sf) =	vpush v0, $0x3;
	_ =	sdelay $0x1  }
0x205: {  	s24 =	spop (v2sf);
	(v2sf) =	vpush v0, $0x4  }
0x206: {  	s23 =	sand.u32 $0x1FFFFF80, s24  }
0x207: {  	s25 =	simm.s32 $0x8200;
	s24 =	sadd.s32 s2, s23;
	s23 =	simm.s32 $0x0  }
0x208: {  	[tilespmem:s25], [sflag:$0x2] =	stream.linear.gather [hbm4b:s24+s23], $0x300, $0x38;
	[tilespmem:$0x18200] =	vst v63  }
0x209: {  	s25 =	spop (v2sf);
	(v2sf) =	vpush v0, $0x5;
	_ =	sdelay $0x1  }
0x20a: {  	s24 =	sand.u32 $0x1FFFFF80, s25;
	s25 =	spop (v2sf);
	(v2sf) =	vpush v0, $0x6;
	_ =	sdelay $0x2  }
0x20b: {  	(v2sf) =	vpush v0, $0x7  }
0x20c: {  	s26 =	simm.s32 $0x8600;
	s24 =	sadd.s32 s2, s24  }
0x20d: {  	[tilespmem:s26], [sflag:$0x2] =	stream.linear.gather [hbm4b:s24+s23], $0x300, $0x38;
	[tilespmem:$0x18200] =	vst v63  }
0x20e: {  	s24 =	sand.u32 $0x1FFFFF80, s25  }
0x20f: {  	s26 =	simm.s32 $0x8A00;
	s25 =	spop (v2sf);
	s24 =	sadd.s32 s2, s24  }
0x210: {  	[tilespmem:s26], [sflag:$0x2] =	stream.linear.gather [hbm4b:s24+s23], $0x300, $0x38;
	[tilespmem:$0x18200] =	vst v63  }
0x211: {  	s24 =	sand.u32 $0x1FFFFF80, s25;
	s25 =	spop (v2sf);
	(v2sf) =	vpush v0, $0x8  }
0x212: {  	s26 =	simm.s32 $0x8E00;
	s24 =	sadd.s32 s2, s24  }
0x213: {  	[tilespmem:s26], [sflag:$0x2] =	stream.linear.gather [hbm4b:s24+s23], $0x300, $0x38;
	[tilespmem:$0x18200] =	vst v63  }
0x214: {  	s24 =	sand.u32 $0x1FFFFF80, s25  }
0x215: {  	s26 =	simm.s32 $0x9200;
	s24 =	sadd.s32 s2, s24;
	s25 =	spop (v2sf);
	(v2sf) =	vpush v0, $0x9  }
0x216: {  	[tilespmem:s26], [sflag:$0x2] =	stream.linear.gather [hbm4b:s24+s23], $0x300, $0x38;
	[tilespmem:$0x18200] =	vst v63  }
0x217: {  	s24 =	sand.u32 $0x1FFFFF80, s25;
	s25 =	spop (v2sf);
	(v2sf) =	vpush v0, $0xA  }
0x218: {  	s26 =	simm.s32 $0x9600;
	s24 =	sadd.s32 s2, s24  }
0x219: {  	[tilespmem:s26], [sflag:$0x2] =	stream.linear.gather [hbm4b:s24+s23], $0x300, $0x38;
	[tilespmem:$0x18200] =	vst v63  }
0x21a: {  	s24 =	sand.u32 $0x1FFFFF80, s25;
	s25 =	spop (v2sf);
	(v2sf) =	vpush v0, $0xB;
	_ =	sdelay $0x3  }
0x21b: {  	s26 =	simm.s32 $0x9A00;
	s24 =	sadd.s32 s2, s24  }
0x21c: {  	[tilespmem:s26], [sflag:$0x2] =	stream.linear.gather [hbm4b:s24+s23], $0x300, $0x38;
	[tilespmem:$0x18200] =	vst v63  }
0x21d: {  	s24 =	sand.u32 $0x1FFFFF80, s25;
	s25 =	spop (v2sf);
	(v2sf) =	vpush v0, $0xC  }
0x21e: {  	s26 =	simm.s32 $0x9E00;
	s24 =	sadd.s32 s2, s24  }
0x21f: {  	[tilespmem:s26], [sflag:$0x2] =	stream.linear.gather [hbm4b:s24+s23], $0x300, $0x38;
	[tilespmem:$0x18200] =	vst v63  }
0x220: {  	s24 =	sand.u32 $0x1FFFFF80, s25  }
0x221: {  	s26 =	simm.s32 $0xA200;
	s24 =	sadd.s32 s2, s24;
	s25 =	spop (v2sf);
	(v2sf) =	vpush v0, $0xD  }
0x222: {  	[tilespmem:s26], [sflag:$0x2] =	stream.linear.gather [hbm4b:s24+s23], $0x300, $0x38;
	[tilespmem:$0x18200] =	vst v63  }
0x223: {  	s24 =	sand.u32 $0x1FFFFF80, s25;
	s25 =	spop (v2sf);
	(v2sf) =	vpush v0, $0xE  }
0x224: {  	s26 =	simm.s32 $0xA600;
	s24 =	sadd.s32 s2, s24  }
0x225: {  	[tilespmem:s26], [sflag:$0x2] =	stream.linear.gather [hbm4b:s24+s23], $0x300, $0x38;
	[tilespmem:$0x18200] =	vst v63  }
0x226: {  	s24 =	sand.u32 $0x1FFFFF80, s25;
	s25 =	spop (v2sf);
	(v2sf) =	vpush v0, $0xF  }
0x227: {  	s26 =	simm.s32 $0xAA00;
	s24 =	sadd.s32 s2, s24  }
0x228: {  	[tilespmem:s26], [sflag:$0x2] =	stream.linear.gather [hbm4b:s24+s23], $0x300, $0x38;
	[tilespmem:$0x18200] =	vst v63  }
0x229: {  	s24 =	sand.u32 $0x1FFFFF80, s25  }
0x22a: {  	s26 =	simm.s32 $0xAE00;
	s24 =	sadd.s32 s2, s24  }
0x22b: {  	[tilespmem:s26], [sflag:$0x2] =	stream.linear.gather [hbm4b:s24+s23], $0x300, $0x38;
	[tilespmem:$0x18200] =	vst v63  }
0x22c: {  	s25 =	spop (v2sf)  }
0x22d: {  	s24 =	sand.u32 $0x1FFFFF80, s25  }
0x22e: {  	s26 =	simm.s32 $0xB200;
	s24 =	sadd.s32 s2, s24  }
0x22f: {  	[tilespmem:s26], [sflag:$0x2] =	stream.linear.gather [hbm4b:s24+s23], $0x300, $0x38;
	[tilespmem:$0x18200] =	vst v63  }
0x230: {  	s25 =	spop (v2sf)  }
0x231: {  	s24 =	sand.u32 $0x1FFFFF80, s25  }
0x232: {  	s26 =	simm.s32 $0xB600;
	s25 =	spop (v2sf);
	s24 =	sadd.s32 s2, s24  }
0x233: {  	[tilespmem:s26], [sflag:$0x2] =	stream.linear.gather [hbm4b:s24+s23], $0x300, $0x38;
	[tilespmem:$0x18200] =	vst v63  }
0x234: {  	s24 =	sand.u32 $0x1FFFFF80, s25  }
0x235: {  	s26 =	simm.s32 $0xBA00;
	s25 =	spop (v2sf);
	s24 =	sadd.s32 s2, s24  }
0x236: {  	[tilespmem:s26], [sflag:$0x2] =	stream.linear.gather [hbm4b:s24+s23], $0x300, $0x38;
	[tilespmem:$0x18200] =	vst v63  }
0x237: {  	s24 =	sand.u32 $0x1FFFFF80, s25  }
0x238: {  	s26 =	simm.s32 $0xBE00;
	s24 =	sadd.s32 s2, s24  }
0x239: {  	[tilespmem:s26], [sflag:$0x2] =	stream.linear.gather [hbm4b:s24+s23], $0x300, $0x38;
	[tilespmem:$0x18200] =	vst v63  }
0x23a: {  	v63 =	vld [tilespmem:$0x90];
	_ =	sdelay $0x4  }
0x23b: {  	v0 =	vshll.u32 v63, $0x7  }
0x23c: {  	(v2sf) =	vpush v0, $0x0;
	_ =	sdelay $0x1  }
0x23d: {  	(v2sf) =	vpush v0, $0x1;
	_ =	sdelay $0x2  }
0x23e: {  	(v2sf) =	vpush v0, $0x2;
	_ =	sdelay $0x1  }
0x23f: {  	(v2sf) =	vpush v0, $0x3;
	_ =	sdelay $0x2  }
0x240: {  	(v2sf) =	vpush v0, $0x4;
	_ =	sdelay $0x4  }
0x241: {  	s25 =	spop (v2sf);
	(v2sf) =	vpush v0, $0x5  }
0x242: {  	s24 =	sand.u32 $0x1FFFFF80, s25  }
0x243: {  	s26 =	simm.s32 $0xC200;
	s25 =	spop (v2sf);
	s24 =	sadd.s32 s2, s24  }
0x244: {  	[tilespmem:s26], [sflag:$0x2] =	stream.linear.gather [hbm4b:s24+s23], $0x300, $0x38;
	[tilespmem:$0x18200] =	vst v63  }
0x245: {  	s24 =	sand.u32 $0x1FFFFF80, s25  }
0x246: {  	s26 =	simm.s32 $0xC600;
	s25 =	spop (v2sf);
	(v2sf) =	vpush v0, $0x6;
	s24 =	sadd.s32 s2, s24  }
0x247: {  	[tilespmem:s26], [sflag:$0x2] =	stream.linear.gather [hbm4b:s24+s23], $0x300, $0x38;
	[tilespmem:$0x18200] =	vst v63  }
0x248: {  	s24 =	sand.u32 $0x1FFFFF80, s25;
	s25 =	spop (v2sf);
	(v2sf) =	vpush v0, $0x7  }
0x249: {  	s26 =	simm.s32 $0xCA00;
	s24 =	sadd.s32 s2, s24  }
0x24a: {  	[tilespmem:s26], [sflag:$0x2] =	stream.linear.gather [hbm4b:s24+s23], $0x300, $0x38;
	[tilespmem:$0x18200] =	vst v63  }
0x24b: {  	s24 =	sand.u32 $0x1FFFFF80, s25;
	s25 =	spop (v2sf);
	(v2sf) =	vpush v0, $0x8;
	_ =	sdelay $0x1  }
0x24c: {  	s26 =	simm.s32 $0xCE00;
	s24 =	sadd.s32 s2, s24  }
0x24d: {  	[tilespmem:s26], [sflag:$0x2] =	stream.linear.gather [hbm4b:s24+s23], $0x300, $0x38;
	[tilespmem:$0x18200] =	vst v63  }
0x24e: {  	s24 =	sand.u32 $0x1FFFFF80, s25  }
0x24f: {  	s26 =	simm.s32 $0xD200;
	s24 =	sadd.s32 s2, s24;
	s25 =	spop (v2sf);
	(v2sf) =	vpush v0, $0x9  }
0x250: {  	[tilespmem:s26], [sflag:$0x2] =	stream.linear.gather [hbm4b:s24+s23], $0x300, $0x38;
	[tilespmem:$0x18200] =	vst v63  }
0x251: {  	s24 =	sand.u32 $0x1FFFFF80, s25;
	(v2sf) =	vpush v0, $0xA  }
0x252: {  	s26 =	simm.s32 $0xD600;
	s24 =	sadd.s32 s2, s24  }
0x253: {  	[tilespmem:s26], [sflag:$0x2] =	stream.linear.gather [hbm4b:s24+s23], $0x300, $0x38;
	[tilespmem:$0x18200] =	vst v63  }
0x254: {  	s25 =	spop (v2sf);
	(v2sf) =	vpush v0, $0xB  }
0x255: {  	s24 =	sand.u32 $0x1FFFFF80, s25  }
0x256: {  	s26 =	simm.s32 $0xDA00;
	s24 =	sadd.s32 s2, s24;
	s25 =	spop (v2sf)  }
0x257: {  	(v2sf) =	vpush v0, $0xC;
	[tilespmem:s26], [sflag:$0x2] =	stream.linear.gather [hbm4b:s24+s23], $0x300, $0x38;
	[tilespmem:$0x18200] =	vst v63  }
0x258: {  	s24 =	sand.u32 $0x1FFFFF80, s25  }
0x259: {  	s26 =	simm.s32 $0xDE00;
	s24 =	sadd.s32 s2, s24;
	s25 =	spop (v2sf)  }
0x25a: {  	(v2sf) =	vpush v0, $0xD;
	[tilespmem:s26], [sflag:$0x2] =	stream.linear.gather [hbm4b:s24+s23], $0x300, $0x38;
	[tilespmem:$0x18200] =	vst v63  }
0x25b: {  	s24 =	sand.u32 $0x1FFFFF80, s25  }
0x25c: {  	s26 =	simm.s32 $0xE200;
	s24 =	sadd.s32 s2, s24  }
0x25d: {  	[tilespmem:s26], [sflag:$0x2] =	stream.linear.gather [hbm4b:s24+s23], $0x300, $0x38;
	[tilespmem:$0x18200] =	vst v63  }
0x25e: {  	s25 =	spop (v2sf)  }
0x25f: {  	(v2sf) =	vpush v0, $0xE;
	s24 =	sand.u32 $0x1FFFFF80, s25  }
0x260: {  	s26 =	simm.s32 $0xE600;
	s25 =	spop (v2sf);
	s24 =	sadd.s32 s2, s24  }
0x261: {  	(v2sf) =	vpush v0, $0xF;
	[tilespmem:s26], [sflag:$0x2] =	stream.linear.gather [hbm4b:s24+s23], $0x300, $0x38;
	[tilespmem:$0x18200] =	vst v63  }
0x262: {  	s24 =	sand.u32 $0x1FFFFF80, s25  }
0x263: {  	s25 =	spop (v2sf);
	s26 =	simm.s32 $0xEA00;
	s24 =	sadd.s32 s2, s24  }
0x264: {  	[tilespmem:s26], [sflag:$0x2] =	stream.linear.gather [hbm4b:s24+s23], $0x300, $0x38;
	[tilespmem:$0x18200] =	vst v63  }
0x265: {  	s26 =	sand.u32 $0x1FFFFF80, s25  }
0x266: {  	s25 =	spop (v2sf);
	s24 =	sadd.s32 s2, s26;
	s26 =	simm.s32 $0xEE00  }
0x267: {  	[tilespmem:s26], [sflag:$0x2] =	stream.linear.gather [hbm4b:s24+s23], $0x300, $0x38;
	[tilespmem:$0x18200] =	vst v63  }
0x268: {  	s26 =	sand.u32 $0x1FFFFF80, s25  }
0x269: {  	s25 =	spop (v2sf);
	s24 =	sadd.s32 s2, s26;
	s26 =	simm.s32 $0xF200  }
0x26a: {  	[tilespmem:s26], [sflag:$0x2] =	stream.linear.gather [hbm4b:s24+s23], $0x300, $0x38;
	[tilespmem:$0x18200] =	vst v63  }
0x26b: {  	s26 =	sand.u32 $0x1FFFFF80, s25  }
0x26c: {  	s24 =	sadd.s32 s2, s26;
	s26 =	simm.s32 $0xF600  }
0x26d: {  	[tilespmem:s26], [sflag:$0x2] =	stream.linear.gather [hbm4b:s24+s23], $0x300, $0x38;
	[tilespmem:$0x18200] =	vst v63  }
0x26e: {  	s25 =	spop (v2sf)  }
0x26f: {  	s25 =	sand.u32 $0x1FFFFF80, s25  }
0x270: {  	s26 =	simm.s32 $0xFA00;
	s24 =	sadd.s32 s2, s25;
	s25 =	spop (v2sf)  }
0x271: {  	[tilespmem:s26], [sflag:$0x2] =	stream.linear.gather [hbm4b:s24+s23], $0x300, $0x38;
	[tilespmem:$0x18200] =	vst v63  }
0x272: {  	s24 =	sand.u32 $0x1FFFFF80, s25  }
0x273: {  	s26 =	simm.s32 $0xFE00;
	s24 =	sadd.s32 s2, s24  }
0x274: {  	[tilespmem:s26], [sflag:$0x2] =	stream.linear.gather [hbm4b:s24+s23], $0x300, $0x38;
	[tilespmem:$0x18200] =	vst v63  }
0x275: {  	_ =	swait.ge [sflag:s4], $0x6000  }
0x276: {  	s25 =	simm.s32 $0x10600;
	s23 =	simm.s32 $0x10200;
	[sflag:s4] =	ssyncset.done $0x0  }
0x277: {  	s24 =	simm.s32 $0x80;
	s26 =	sadd.s32 $0x0, s7;
	[sflag:s4] =	ssyncadd.s32 $0xFFFFA000  }
.LBB2_6:
0x278: {  	[hbm4b:s26+s3] =	stream.linear.scatter [tilespmem:s23], [sflag:$0x6], $0x300, $0x38;
	[tilespmem:$0x18200] =	vst v63  }
0x279: {  	s26 =	smov.u32 s24;
	s23 =	smov.u32 s25;
	p0 =	sne.s32 s24, $0xF80  }
.Ltmp2:
0x27a: {  	s24 =	sadd.s32 $0x80, s24;
	(pc) =	sbr.rel @p0 .LBB2_6-.Ltmp2, $2  }
0x27b: {  	_ =	sdelay $0x2  }
0x27c: {  	s25 =	sadd.s32 $0x400, s25;
	s26 =	sadd.s32 s26, s7  }
0x27d: {  	[hbm4b:s26+s3] =	stream.linear.scatter [tilespmem:s23], [sflag:$0x6], $0x300, $0x38;
	[tilespmem:$0x18200] =	vst v63  }
0x27e: {  	_ =	swait.ge [sflag:s21], $0x6000  }
0x27f: {  	[sflag:s21] =	ssyncset.done $0x0  }
0x280: {  	[sflag:s21] =	ssyncadd.s32 $0xFFFFA000  }
0x281: {  	v0 =	vld [tilespmem:$0xA0];
	_ =	sdelay $0x4  }
0x282: {  	v0 =	vshll.u32 v0, $0x7  }
0x283: {  	(v2sf) =	vpush v0, $0x0;
	_ =	sdelay $0x3  }
0x284: {  	(v2sf) =	vpush v0, $0x1;
	_ =	sdelay $0x1  }
0x285: {  	(v2sf) =	vpush v0, $0x2;
	_ =	sdelay $0x6  }
0x286: {  	(v2sf) =	vpush v0, $0x3;
	_ =	sdelay $0x1  }
0x287: {  	s24 =	spop (v2sf);
	(v2sf) =	vpush v0, $0x4  }
0x288: {  	s23 =	sand.u32 $0x1FFFFF80, s24  }
0x289: {  	s25 =	simm.s32 $0x10200;
	s24 =	sadd.s32 s2, s23;
	s23 =	simm.s32 $0x0  }
0x28a: {  	[tilespmem:s25], [sflag:$0x3] =	stream.linear.gather [hbm4b:s24+s23], $0x300, $0x38;
	[tilespmem:$0x18200] =	vst v63  }
0x28b: {  	s25 =	spop (v2sf);
	(v2sf) =	vpush v0, $0x5;
	_ =	sdelay $0x1  }
0x28c: {  	s24 =	sand.u32 $0x1FFFFF80, s25;
	s25 =	spop (v2sf);
	(v2sf) =	vpush v0, $0x6;
	_ =	sdelay $0x2  }
0x28d: {  	(v2sf) =	vpush v0, $0x7  }
0x28e: {  	s26 =	simm.s32 $0x10600;
	s24 =	sadd.s32 s2, s24  }
0x28f: {  	[tilespmem:s26], [sflag:$0x3] =	stream.linear.gather [hbm4b:s24+s23], $0x300, $0x38;
	[tilespmem:$0x18200] =	vst v63  }
0x290: {  	s24 =	sand.u32 $0x1FFFFF80, s25  }
0x291: {  	s26 =	simm.s32 $0x10A00;
	s25 =	spop (v2sf);
	s24 =	sadd.s32 s2, s24  }
0x292: {  	[tilespmem:s26], [sflag:$0x3] =	stream.linear.gather [hbm4b:s24+s23], $0x300, $0x38;
	[tilespmem:$0x18200] =	vst v63  }
0x293: {  	s24 =	sand.u32 $0x1FFFFF80, s25;
	s25 =	spop (v2sf);
	(v2sf) =	vpush v0, $0x8  }
0x294: {  	s26 =	simm.s32 $0x10E00;
	s24 =	sadd.s32 s2, s24  }
0x295: {  	[tilespmem:s26], [sflag:$0x3] =	stream.linear.gather [hbm4b:s24+s23], $0x300, $0x38;
	[tilespmem:$0x18200] =	vst v63  }
0x296: {  	s24 =	sand.u32 $0x1FFFFF80, s25  }
0x297: {  	s26 =	simm.s32 $0x11200;
	s24 =	sadd.s32 s2, s24;
	s25 =	spop (v2sf);
	(v2sf) =	vpush v0, $0x9  }
0x298: {  	[tilespmem:s26], [sflag:$0x3] =	stream.linear.gather [hbm4b:s24+s23], $0x300, $0x38;
	[tilespmem:$0x18200] =	vst v63  }
0x299: {  	s24 =	sand.u32 $0x1FFFFF80, s25;
	s25 =	spop (v2sf);
	(v2sf) =	vpush v0, $0xA  }
0x29a: {  	s26 =	simm.s32 $0x11600;
	s24 =	sadd.s32 s2, s24  }
0x29b: {  	[tilespmem:s26], [sflag:$0x3] =	stream.linear.gather [hbm4b:s24+s23], $0x300, $0x38;
	[tilespmem:$0x18200] =	vst v63  }
0x29c: {  	s24 =	sand.u32 $0x1FFFFF80, s25;
	s25 =	spop (v2sf);
	(v2sf) =	vpush v0, $0xB;
	_ =	sdelay $0x3  }
0x29d: {  	s26 =	simm.s32 $0x11A00;
	s24 =	sadd.s32 s2, s24  }
0x29e: {  	[tilespmem:s26], [sflag:$0x3] =	stream.linear.gather [hbm4b:s24+s23], $0x300, $0x38;
	[tilespmem:$0x18200] =	vst v63  }
0x29f: {  	s24 =	sand.u32 $0x1FFFFF80, s25;
	s25 =	spop (v2sf);
	(v2sf) =	vpush v0, $0xC  }
0x2a0: {  	s26 =	simm.s32 $0x11E00;
	s24 =	sadd.s32 s2, s24  }
0x2a1: {  	[tilespmem:s26], [sflag:$0x3] =	stream.linear.gather [hbm4b:s24+s23], $0x300, $0x38;
	[tilespmem:$0x18200] =	vst v63  }
0x2a2: {  	s24 =	sand.u32 $0x1FFFFF80, s25  }
0x2a3: {  	s26 =	simm.s32 $0x12200;
	s24 =	sadd.s32 s2, s24;
	s25 =	spop (v2sf);
	(v2sf) =	vpush v0, $0xD  }
0x2a4: {  	[tilespmem:s26], [sflag:$0x3] =	stream.linear.gather [hbm4b:s24+s23], $0x300, $0x38;
	[tilespmem:$0x18200] =	vst v63  }
0x2a5: {  	s24 =	sand.u32 $0x1FFFFF80, s25;
	s25 =	spop (v2sf);
	(v2sf) =	vpush v0, $0xE  }
0x2a6: {  	s26 =	simm.s32 $0x12600;
	s24 =	sadd.s32 s2, s24  }
0x2a7: {  	[tilespmem:s26], [sflag:$0x3] =	stream.linear.gather [hbm4b:s24+s23], $0x300, $0x38;
	[tilespmem:$0x18200] =	vst v63  }
0x2a8: {  	s24 =	sand.u32 $0x1FFFFF80, s25;
	s25 =	spop (v2sf);
	(v2sf) =	vpush v0, $0xF  }
0x2a9: {  	s26 =	simm.s32 $0x12A00;
	s24 =	sadd.s32 s2, s24  }
0x2aa: {  	[tilespmem:s26], [sflag:$0x3] =	stream.linear.gather [hbm4b:s24+s23], $0x300, $0x38;
	[tilespmem:$0x18200] =	vst v63  }
0x2ab: {  	s24 =	sand.u32 $0x1FFFFF80, s25  }
0x2ac: {  	s26 =	simm.s32 $0x12E00;
	s24 =	sadd.s32 s2, s24  }
0x2ad: {  	[tilespmem:s26], [sflag:$0x3] =	stream.linear.gather [hbm4b:s24+s23], $0x300, $0x38;
	[tilespmem:$0x18200] =	vst v63  }
0x2ae: {  	s25 =	spop (v2sf)  }
0x2af: {  	s24 =	sand.u32 $0x1FFFFF80, s25  }
0x2b0: {  	s26 =	simm.s32 $0x13200;
	s24 =	sadd.s32 s2, s24  }
0x2b1: {  	[tilespmem:s26], [sflag:$0x3] =	stream.linear.gather [hbm4b:s24+s23], $0x300, $0x38;
	[tilespmem:$0x18200] =	vst v63  }
0x2b2: {  	s25 =	spop (v2sf)  }
0x2b3: {  	s24 =	sand.u32 $0x1FFFFF80, s25  }
0x2b4: {  	s26 =	simm.s32 $0x13600;
	s25 =	spop (v2sf);
	s24 =	sadd.s32 s2, s24  }
0x2b5: {  	[tilespmem:s26], [sflag:$0x3] =	stream.linear.gather [hbm4b:s24+s23], $0x300, $0x38;
	[tilespmem:$0x18200] =	vst v63  }
0x2b6: {  	s24 =	sand.u32 $0x1FFFFF80, s25  }
0x2b7: {  	s26 =	simm.s32 $0x13A00;
	s25 =	spop (v2sf);
	s24 =	sadd.s32 s2, s24  }
0x2b8: {  	[tilespmem:s26], [sflag:$0x3] =	stream.linear.gather [hbm4b:s24+s23], $0x300, $0x38;
	[tilespmem:$0x18200] =	vst v63  }
0x2b9: {  	s24 =	sand.u32 $0x1FFFFF80, s25  }
0x2ba: {  	s26 =	simm.s32 $0x13E00;
	s24 =	sadd.s32 s2, s24  }
0x2bb: {  	[tilespmem:s26], [sflag:$0x3] =	stream.linear.gather [hbm4b:s24+s23], $0x300, $0x38;
	[tilespmem:$0x18200] =	vst v63  }
0x2bc: {  	v63 =	vld [tilespmem:$0xB0];
	_ =	sdelay $0x4  }
0x2bd: {  	v0 =	vshll.u32 v63, $0x7  }
0x2be: {  	(v2sf) =	vpush v0, $0x0;
	_ =	sdelay $0x1  }
0x2bf: {  	(v2sf) =	vpush v0, $0x1;
	_ =	sdelay $0x2  }
0x2c0: {  	(v2sf) =	vpush v0, $0x2;
	_ =	sdelay $0x1  }
0x2c1: {  	(v2sf) =	vpush v0, $0x3;
	_ =	sdelay $0x2  }
0x2c2: {  	(v2sf) =	vpush v0, $0x4;
	_ =	sdelay $0x4  }
0x2c3: {  	s25 =	spop (v2sf);
	(v2sf) =	vpush v0, $0x5  }
0x2c4: {  	s24 =	sand.u32 $0x1FFFFF80, s25  }
0x2c5: {  	s26 =	simm.s32 $0x14200;
	s25 =	spop (v2sf);
	s24 =	sadd.s32 s2, s24  }
0x2c6: {  	[tilespmem:s26], [sflag:$0x3] =	stream.linear.gather [hbm4b:s24+s23], $0x300, $0x38;
	[tilespmem:$0x18200] =	vst v63  }
0x2c7: {  	s24 =	sand.u32 $0x1FFFFF80, s25  }
0x2c8: {  	s26 =	simm.s32 $0x14600;
	s25 =	spop (v2sf);
	(v2sf) =	vpush v0, $0x6;
	s24 =	sadd.s32 s2, s24  }
0x2c9: {  	[tilespmem:s26], [sflag:$0x3] =	stream.linear.gather [hbm4b:s24+s23], $0x300, $0x38;
	[tilespmem:$0x18200] =	vst v63  }
0x2ca: {  	s24 =	sand.u32 $0x1FFFFF80, s25;
	s25 =	spop (v2sf);
	(v2sf) =	vpush v0, $0x7  }
0x2cb: {  	s26 =	simm.s32 $0x14A00;
	s24 =	sadd.s32 s2, s24  }
0x2cc: {  	[tilespmem:s26], [sflag:$0x3] =	stream.linear.gather [hbm4b:s24+s23], $0x300, $0x38;
	[tilespmem:$0x18200] =	vst v63  }
0x2cd: {  	s24 =	sand.u32 $0x1FFFFF80, s25;
	s25 =	spop (v2sf);
	(v2sf) =	vpush v0, $0x8;
	_ =	sdelay $0x1  }
0x2ce: {  	s26 =	simm.s32 $0x14E00;
	s24 =	sadd.s32 s2, s24  }
0x2cf: {  	[tilespmem:s26], [sflag:$0x3] =	stream.linear.gather [hbm4b:s24+s23], $0x300, $0x38;
	[tilespmem:$0x18200] =	vst v63  }
0x2d0: {  	s24 =	sand.u32 $0x1FFFFF80, s25  }
0x2d1: {  	s26 =	simm.s32 $0x15200;
	s24 =	sadd.s32 s2, s24;
	s25 =	spop (v2sf);
	(v2sf) =	vpush v0, $0x9  }
0x2d2: {  	[tilespmem:s26], [sflag:$0x3] =	stream.linear.gather [hbm4b:s24+s23], $0x300, $0x38;
	[tilespmem:$0x18200] =	vst v63  }
0x2d3: {  	s24 =	sand.u32 $0x1FFFFF80, s25;
	(v2sf) =	vpush v0, $0xA  }
0x2d4: {  	s26 =	simm.s32 $0x15600;
	s24 =	sadd.s32 s2, s24  }
0x2d5: {  	[tilespmem:s26], [sflag:$0x3] =	stream.linear.gather [hbm4b:s24+s23], $0x300, $0x38;
	[tilespmem:$0x18200] =	vst v63  }
0x2d6: {  	s25 =	spop (v2sf);
	(v2sf) =	vpush v0, $0xB  }
0x2d7: {  	s24 =	sand.u32 $0x1FFFFF80, s25  }
0x2d8: {  	s26 =	simm.s32 $0x15A00;
	s24 =	sadd.s32 s2, s24;
	s25 =	spop (v2sf)  }
0x2d9: {  	(v2sf) =	vpush v0, $0xC;
	[tilespmem:s26], [sflag:$0x3] =	stream.linear.gather [hbm4b:s24+s23], $0x300, $0x38;
	[tilespmem:$0x18200] =	vst v63  }
0x2da: {  	s24 =	sand.u32 $0x1FFFFF80, s25  }
0x2db: {  	s26 =	simm.s32 $0x15E00;
	s24 =	sadd.s32 s2, s24;
	s25 =	spop (v2sf)  }
0x2dc: {  	(v2sf) =	vpush v0, $0xD;
	[tilespmem:s26], [sflag:$0x3] =	stream.linear.gather [hbm4b:s24+s23], $0x300, $0x38;
	[tilespmem:$0x18200] =	vst v63  }
0x2dd: {  	s24 =	sand.u32 $0x1FFFFF80, s25  }
0x2de: {  	s26 =	simm.s32 $0x16200;
	s24 =	sadd.s32 s2, s24  }
0x2df: {  	[tilespmem:s26], [sflag:$0x3] =	stream.linear.gather [hbm4b:s24+s23], $0x300, $0x38;
	[tilespmem:$0x18200] =	vst v63  }
0x2e0: {  	s25 =	spop (v2sf)  }
0x2e1: {  	(v2sf) =	vpush v0, $0xE;
	s24 =	sand.u32 $0x1FFFFF80, s25  }
0x2e2: {  	s26 =	simm.s32 $0x16600;
	s25 =	spop (v2sf);
	s24 =	sadd.s32 s2, s24  }
0x2e3: {  	(v2sf) =	vpush v0, $0xF;
	[tilespmem:s26], [sflag:$0x3] =	stream.linear.gather [hbm4b:s24+s23], $0x300, $0x38;
	[tilespmem:$0x18200] =	vst v63  }
0x2e4: {  	s24 =	sand.u32 $0x1FFFFF80, s25  }
0x2e5: {  	s25 =	spop (v2sf);
	s26 =	simm.s32 $0x16A00;
	s24 =	sadd.s32 s2, s24  }
0x2e6: {  	[tilespmem:s26], [sflag:$0x3] =	stream.linear.gather [hbm4b:s24+s23], $0x300, $0x38;
	[tilespmem:$0x18200] =	vst v63  }
0x2e7: {  	s26 =	sand.u32 $0x1FFFFF80, s25  }
0x2e8: {  	s25 =	spop (v2sf);
	s24 =	sadd.s32 s2, s26;
	s26 =	simm.s32 $0x16E00  }
0x2e9: {  	[tilespmem:s26], [sflag:$0x3] =	stream.linear.gather [hbm4b:s24+s23], $0x300, $0x38;
	[tilespmem:$0x18200] =	vst v63  }
0x2ea: {  	s26 =	sand.u32 $0x1FFFFF80, s25  }
0x2eb: {  	s25 =	spop (v2sf);
	s24 =	sadd.s32 s2, s26;
	s26 =	simm.s32 $0x17200  }
0x2ec: {  	[tilespmem:s26], [sflag:$0x3] =	stream.linear.gather [hbm4b:s24+s23], $0x300, $0x38;
	[tilespmem:$0x18200] =	vst v63  }
0x2ed: {  	s26 =	sand.u32 $0x1FFFFF80, s25  }
0x2ee: {  	s24 =	sadd.s32 s2, s26;
	s26 =	simm.s32 $0x17600  }
0x2ef: {  	[tilespmem:s26], [sflag:$0x3] =	stream.linear.gather [hbm4b:s24+s23], $0x300, $0x38;
	[tilespmem:$0x18200] =	vst v63  }
0x2f0: {  	s25 =	spop (v2sf)  }
0x2f1: {  	s25 =	sand.u32 $0x1FFFFF80, s25  }
0x2f2: {  	s26 =	simm.s32 $0x17A00;
	s24 =	sadd.s32 s2, s25;
	s25 =	spop (v2sf)  }
0x2f3: {  	[tilespmem:s26], [sflag:$0x3] =	stream.linear.gather [hbm4b:s24+s23], $0x300, $0x38;
	[tilespmem:$0x18200] =	vst v63  }
0x2f4: {  	s24 =	sand.u32 $0x1FFFFF80, s25  }
0x2f5: {  	s26 =	simm.s32 $0x17E00;
	s24 =	sadd.s32 s2, s24  }
0x2f6: {  	[tilespmem:s26], [sflag:$0x3] =	stream.linear.gather [hbm4b:s24+s23], $0x300, $0x38;
	[tilespmem:$0x18200] =	vst v63  }
0x2f7: {  	_ =	swait.ge [sflag:s29], $0x6000  }
0x2f8: {  	s25 =	simm.s32 $0x600;
	s23 =	simm.s32 $0x200;
	[sflag:s29] =	ssyncset.done $0x0  }
0x2f9: {  	s24 =	simm.s32 $0x80;
	s26 =	sadd.s32 $0x0, s8;
	[sflag:s29] =	ssyncadd.s32 $0xFFFFA000  }
.LBB2_8:
0x2fa: {  	[hbm4b:s26+s3] =	stream.linear.scatter [tilespmem:s23], [sflag:$0x4], $0x300, $0x38;
	[tilespmem:$0x18200] =	vst v63  }
0x2fb: {  	s26 =	smov.u32 s24;
	s23 =	smov.u32 s25;
	p0 =	sne.s32 s24, $0xF80  }
.Ltmp3:
0x2fc: {  	s24 =	sadd.s32 $0x80, s24;
	(pc) =	sbr.rel @p0 .LBB2_8-.Ltmp3, $2  }
0x2fd: {  	_ =	sdelay $0x2  }
0x2fe: {  	s25 =	sadd.s32 $0x400, s25;
	s26 =	sadd.s32 s26, s8  }
0x2ff: {  	[hbm4b:s26+s3] =	stream.linear.scatter [tilespmem:s23], [sflag:$0x4], $0x300, $0x38;
	[tilespmem:$0x18200] =	vst v63  }
0x300: {  	_ =	swait.ge [sflag:s30], $0x6000  }
0x301: {  	[sflag:s30] =	ssyncset.done $0x0  }
0x302: {  	[sflag:s30] =	ssyncadd.s32 $0xFFFFA000  }
0x303: {  	v0 =	vld [tilespmem:$0xC0];
	_ =	sdelay $0x4  }
0x304: {  	v0 =	vshll.u32 v0, $0x7  }
0x305: {  	(v2sf) =	vpush v0, $0x0;
	_ =	sdelay $0x1  }
0x306: {  	(v2sf) =	vpush v0, $0x1;
	_ =	sdelay $0x4  }
0x307: {  	(v2sf) =	vpush v0, $0x2;
	_ =	sdelay $0x4  }
0x308: {  	(v2sf) =	vpush v0, $0x3;
	_ =	sdelay $0x2  }
0x309: {  	s25 =	spop (v2sf);
	(v2sf) =	vpush v0, $0x4  }
0x30a: {  	s23 =	sand.u32 $0x1FFFFF80, s25  }
0x30b: {  	s26 =	spop (v2sf);
	(v2sf) =	vpush v0, $0x5;
	s24 =	sadd.s32 s2, s23;
	s23 =	simm.s32 $0x0  }
0x30c: {  	[tilespmem:s31], [sflag:$0x1] =	stream.linear.gather [hbm4b:s24+s23], $0x300, $0x38;
	[tilespmem:$0x18200] =	vst v63  }
0x30d: {  	s24 =	sand.u32 $0x1FFFFF80, s26  }
0x30e: {  	s25 =	simm.s32 $0x600;
	s24 =	sadd.s32 s2, s24  }
0x30f: {  	[tilespmem:s25], [sflag:$0x1] =	stream.linear.gather [hbm4b:s24+s23], $0x300, $0x38;
	[tilespmem:$0x18200] =	vst v63  }
0x310: {  	s25 =	spop (v2sf);
	(v2sf) =	vpush v0, $0x6;
	_ =	sdelay $0x1  }
0x311: {  	(v2sf) =	vpush v0, $0x7;
	_ =	sdelay $0x1  }
0x312: {  	s24 =	sand.u32 $0x1FFFFF80, s25  }
0x313: {  	s26 =	simm.s32 $0xA00;
	s25 =	spop (v2sf);
	s24 =	sadd.s32 s2, s24  }
0x314: {  	[tilespmem:s26], [sflag:$0x1] =	stream.linear.gather [hbm4b:s24+s23], $0x300, $0x38;
	[tilespmem:$0x18200] =	vst v63  }
0x315: {  	s24 =	sand.u32 $0x1FFFFF80, s25  }
0x316: {  	s26 =	simm.s32 $0xE00;
	s24 =	sadd.s32 s2, s24;
	s25 =	spop (v2sf);
	(v2sf) =	vpush v0, $0x8  }
0x317: {  	[tilespmem:s26], [sflag:$0x1] =	stream.linear.gather [hbm4b:s24+s23], $0x300, $0x38;
	[tilespmem:$0x18200] =	vst v63  }
0x318: {  	s24 =	sand.u32 $0x1FFFFF80, s25;
	s25 =	spop (v2sf);
	(v2sf) =	vpush v0, $0x9;
	_ =	sdelay $0x1  }
0x319: {  	s26 =	simm.s32 $0x1200;
	s24 =	sadd.s32 s2, s24  }
0x31a: {  	[tilespmem:s26], [sflag:$0x1] =	stream.linear.gather [hbm4b:s24+s23], $0x300, $0x38;
	[tilespmem:$0x18200] =	vst v63  }
0x31b: {  	s24 =	sand.u32 $0x1FFFFF80, s25  }
0x31c: {  	s26 =	simm.s32 $0x1600;
	s24 =	sadd.s32 s2, s24;
	s25 =	spop (v2sf);
	(v2sf) =	vpush v0, $0xA  }
0x31d: {  	[tilespmem:s26], [sflag:$0x1] =	stream.linear.gather [hbm4b:s24+s23], $0x300, $0x38;
	[tilespmem:$0x18200] =	vst v63  }
0x31e: {  	s24 =	sand.u32 $0x1FFFFF80, s25;
	s25 =	spop (v2sf);
	(v2sf) =	vpush v0, $0xB;
	_ =	sdelay $0x2  }
0x31f: {  	s26 =	simm.s32 $0x1A00;
	s24 =	sadd.s32 s2, s24  }
0x320: {  	[tilespmem:s26], [sflag:$0x1] =	stream.linear.gather [hbm4b:s24+s23], $0x300, $0x38;
	[tilespmem:$0x18200] =	vst v63  }
0x321: {  	s24 =	sand.u32 $0x1FFFFF80, s25  }
0x322: {  	s26 =	simm.s32 $0x1E00;
	s24 =	sadd.s32 s2, s24;
	s25 =	spop (v2sf);
	(v2sf) =	vpush v0, $0xC  }
0x323: {  	[tilespmem:s26], [sflag:$0x1] =	stream.linear.gather [hbm4b:s24+s23], $0x300, $0x38;
	[tilespmem:$0x18200] =	vst v63  }
0x324: {  	s24 =	sand.u32 $0x1FFFFF80, s25;
	s25 =	spop (v2sf);
	(v2sf) =	vpush v0, $0xD;
	_ =	sdelay $0x1  }
0x325: {  	s26 =	simm.s32 $0x2200;
	s24 =	sadd.s32 s2, s24  }
0x326: {  	[tilespmem:s26], [sflag:$0x1] =	stream.linear.gather [hbm4b:s24+s23], $0x300, $0x38;
	[tilespmem:$0x18200] =	vst v63  }
0x327: {  	s24 =	sand.u32 $0x1FFFFF80, s25  }
0x328: {  	s26 =	simm.s32 $0x2600;
	s24 =	sadd.s32 s2, s24;
	s25 =	spop (v2sf);
	(v2sf) =	vpush v0, $0xE  }
0x329: {  	[tilespmem:s26], [sflag:$0x1] =	stream.linear.gather [hbm4b:s24+s23], $0x300, $0x38;
	[tilespmem:$0x18200] =	vst v63  }
0x32a: {  	s24 =	sand.u32 $0x1FFFFF80, s25;
	s25 =	spop (v2sf);
	(v2sf) =	vpush v0, $0xF  }
0x32b: {  	s26 =	simm.s32 $0x2A00;
	s24 =	sadd.s32 s2, s24  }
0x32c: {  	[tilespmem:s26], [sflag:$0x1] =	stream.linear.gather [hbm4b:s24+s23], $0x300, $0x38;
	[tilespmem:$0x18200] =	vst v63  }
0x32d: {  	s24 =	sand.u32 $0x1FFFFF80, s25  }
0x32e: {  	s26 =	simm.s32 $0x2E00;
	s24 =	sadd.s32 s2, s24  }
0x32f: {  	[tilespmem:s26], [sflag:$0x1] =	stream.linear.gather [hbm4b:s24+s23], $0x300, $0x38;
	[tilespmem:$0x18200] =	vst v63  }
0x330: {  	s25 =	spop (v2sf)  }
0x331: {  	s24 =	sand.u32 $0x1FFFFF80, s25  }
0x332: {  	s26 =	simm.s32 $0x3200;
	s25 =	spop (v2sf);
	s24 =	sadd.s32 s2, s24  }
0x333: {  	[tilespmem:s26], [sflag:$0x1] =	stream.linear.gather [hbm4b:s24+s23], $0x300, $0x38;
	[tilespmem:$0x18200] =	vst v63  }
0x334: {  	s24 =	sand.u32 $0x1FFFFF80, s25  }
0x335: {  	s26 =	simm.s32 $0x3600;
	s24 =	sadd.s32 s2, s24  }
0x336: {  	[tilespmem:s26], [sflag:$0x1] =	stream.linear.gather [hbm4b:s24+s23], $0x300, $0x38;
	[tilespmem:$0x18200] =	vst v63  }
0x337: {  	s25 =	spop (v2sf)  }
0x338: {  	s24 =	sand.u32 $0x1FFFFF80, s25  }
0x339: {  	s26 =	simm.s32 $0x3A00;
	s25 =	spop (v2sf);
	s24 =	sadd.s32 s2, s24  }
0x33a: {  	[tilespmem:s26], [sflag:$0x1] =	stream.linear.gather [hbm4b:s24+s23], $0x300, $0x38;
	[tilespmem:$0x18200] =	vst v63  }
0x33b: {  	s24 =	sand.u32 $0x1FFFFF80, s25  }
0x33c: {  	s26 =	simm.s32 $0x3E00;
	s24 =	sadd.s32 s2, s24  }
0x33d: {  	[tilespmem:s26], [sflag:$0x1] =	stream.linear.gather [hbm4b:s24+s23], $0x300, $0x38;
	[tilespmem:$0x18200] =	vst v63  }
0x33e: {  	v63 =	vld [tilespmem:$0xD0];
	_ =	sdelay $0x4  }
0x33f: {  	v0 =	vshll.u32 v63, $0x7  }
0x340: {  	(v2sf) =	vpush v0, $0x0;
	_ =	sdelay $0x1  }
0x341: {  	(v2sf) =	vpush v0, $0x1;
	_ =	sdelay $0x2  }
0x342: {  	(v2sf) =	vpush v0, $0x2;
	_ =	sdelay $0x1  }
0x343: {  	(v2sf) =	vpush v0, $0x3;
	_ =	sdelay $0x2  }
0x344: {  	(v2sf) =	vpush v0, $0x4;
	_ =	sdelay $0x4  }
0x345: {  	s25 =	spop (v2sf);
	(v2sf) =	vpush v0, $0x5  }
0x346: {  	s24 =	sand.u32 $0x1FFFFF80, s25  }
0x347: {  	s26 =	simm.s32 $0x4200;
	s25 =	spop (v2sf);
	s24 =	sadd.s32 s2, s24  }
0x348: {  	[tilespmem:s26], [sflag:$0x1] =	stream.linear.gather [hbm4b:s24+s23], $0x300, $0x38;
	[tilespmem:$0x18200] =	vst v63  }
0x349: {  	s24 =	sand.u32 $0x1FFFFF80, s25  }
0x34a: {  	s26 =	simm.s32 $0x4600;
	s25 =	spop (v2sf);
	(v2sf) =	vpush v0, $0x6;
	s24 =	sadd.s32 s2, s24  }
0x34b: {  	[tilespmem:s26], [sflag:$0x1] =	stream.linear.gather [hbm4b:s24+s23], $0x300, $0x38;
	[tilespmem:$0x18200] =	vst v63  }
0x34c: {  	s24 =	sand.u32 $0x1FFFFF80, s25;
	s25 =	spop (v2sf);
	(v2sf) =	vpush v0, $0x7  }
0x34d: {  	s26 =	simm.s32 $0x4A00;
	s24 =	sadd.s32 s2, s24  }
0x34e: {  	[tilespmem:s26], [sflag:$0x1] =	stream.linear.gather [hbm4b:s24+s23], $0x300, $0x38;
	[tilespmem:$0x18200] =	vst v63  }
0x34f: {  	s24 =	sand.u32 $0x1FFFFF80, s25;
	s25 =	spop (v2sf);
	(v2sf) =	vpush v0, $0x8;
	_ =	sdelay $0x1  }
0x350: {  	s26 =	simm.s32 $0x4E00;
	s24 =	sadd.s32 s2, s24  }
0x351: {  	[tilespmem:s26], [sflag:$0x1] =	stream.linear.gather [hbm4b:s24+s23], $0x300, $0x38;
	[tilespmem:$0x18200] =	vst v63  }
0x352: {  	s24 =	sand.u32 $0x1FFFFF80, s25  }
0x353: {  	s26 =	simm.s32 $0x5200;
	s24 =	sadd.s32 s2, s24;
	s25 =	spop (v2sf);
	(v2sf) =	vpush v0, $0x9  }
0x354: {  	[tilespmem:s26], [sflag:$0x1] =	stream.linear.gather [hbm4b:s24+s23], $0x300, $0x38;
	[tilespmem:$0x18200] =	vst v63  }
0x355: {  	s24 =	sand.u32 $0x1FFFFF80, s25;
	(v2sf) =	vpush v0, $0xA  }
0x356: {  	s26 =	simm.s32 $0x5600;
	s24 =	sadd.s32 s2, s24  }
0x357: {  	[tilespmem:s26], [sflag:$0x1] =	stream.linear.gather [hbm4b:s24+s23], $0x300, $0x38;
	[tilespmem:$0x18200] =	vst v63  }
0x358: {  	s25 =	spop (v2sf);
	(v2sf) =	vpush v0, $0xB  }
0x359: {  	s24 =	sand.u32 $0x1FFFFF80, s25  }
0x35a: {  	s26 =	simm.s32 $0x5A00;
	s24 =	sadd.s32 s2, s24;
	s25 =	spop (v2sf)  }
0x35b: {  	(v2sf) =	vpush v0, $0xC;
	[tilespmem:s26], [sflag:$0x1] =	stream.linear.gather [hbm4b:s24+s23], $0x300, $0x38;
	[tilespmem:$0x18200] =	vst v63  }
0x35c: {  	s24 =	sand.u32 $0x1FFFFF80, s25  }
0x35d: {  	s26 =	simm.s32 $0x5E00;
	s24 =	sadd.s32 s2, s24;
	s25 =	spop (v2sf)  }
0x35e: {  	(v2sf) =	vpush v0, $0xD;
	[tilespmem:s26], [sflag:$0x1] =	stream.linear.gather [hbm4b:s24+s23], $0x300, $0x38;
	[tilespmem:$0x18200] =	vst v63  }
0x35f: {  	s24 =	sand.u32 $0x1FFFFF80, s25  }
0x360: {  	s26 =	simm.s32 $0x6200;
	s24 =	sadd.s32 s2, s24  }
0x361: {  	[tilespmem:s26], [sflag:$0x1] =	stream.linear.gather [hbm4b:s24+s23], $0x300, $0x38;
	[tilespmem:$0x18200] =	vst v63  }
0x362: {  	s25 =	spop (v2sf)  }
0x363: {  	(v2sf) =	vpush v0, $0xE;
	s24 =	sand.u32 $0x1FFFFF80, s25  }
0x364: {  	s26 =	simm.s32 $0x6600;
	s25 =	spop (v2sf);
	s24 =	sadd.s32 s2, s24  }
0x365: {  	[tilespmem:s26], [sflag:$0x1] =	stream.linear.gather [hbm4b:s24+s23], $0x300, $0x38;
	[tilespmem:$0x18200] =	vst v63  }
0x366: {  	s24 =	sand.u32 $0x1FFFFF80, s25  }
0x367: {  	(v2sf) =	vpush v0, $0xF;
	s25 =	spop (v2sf);
	s26 =	simm.s32 $0x6A00;
	s24 =	sadd.s32 s2, s24  }
0x368: {  	[tilespmem:s26], [sflag:$0x1] =	stream.linear.gather [hbm4b:s24+s23], $0x300, $0x38;
	[tilespmem:$0x18200] =	vst v63  }
0x369: {  	s26 =	sand.u32 $0x1FFFFF80, s25  }
0x36a: {  	s25 =	spop (v2sf);
	s24 =	sadd.s32 s2, s26;
	s26 =	simm.s32 $0x6E00  }
0x36b: {  	[tilespmem:s26], [sflag:$0x1] =	stream.linear.gather [hbm4b:s24+s23], $0x300, $0x38;
	[tilespmem:$0x18200] =	vst v63  }
0x36c: {  	s26 =	sand.u32 $0x1FFFFF80, s25  }
0x36d: {  	s25 =	spop (v2sf);
	s24 =	sadd.s32 s2, s26;
	s26 =	simm.s32 $0x7200  }
0x36e: {  	[tilespmem:s26], [sflag:$0x1] =	stream.linear.gather [hbm4b:s24+s23], $0x300, $0x38;
	[tilespmem:$0x18200] =	vst v63  }
0x36f: {  	s26 =	sand.u32 $0x1FFFFF80, s25  }
0x370: {  	s24 =	sadd.s32 s2, s26;
	s26 =	simm.s32 $0x7600  }
0x371: {  	[tilespmem:s26], [sflag:$0x1] =	stream.linear.gather [hbm4b:s24+s23], $0x300, $0x38;
	[tilespmem:$0x18200] =	vst v63  }
0x372: {  	s25 =	spop (v2sf)  }
0x373: {  	s25 =	sand.u32 $0x1FFFFF80, s25  }
0x374: {  	s26 =	simm.s32 $0x7A00;
	s24 =	sadd.s32 s2, s25  }
0x375: {  	[tilespmem:s26], [sflag:$0x1] =	stream.linear.gather [hbm4b:s24+s23], $0x300, $0x38;
	[tilespmem:$0x18200] =	vst v63  }
0x376: {  	s26 =	spop (v2sf)  }
0x377: {  	s24 =	sand.u32 $0x1FFFFF80, s26  }
0x378: {  	s24 =	sadd.s32 s2, s24  }
0x379: {  	[tilespmem:s28], [sflag:$0x1] =	stream.linear.gather [hbm4b:s24+s23], $0x300, $0x38;
	[tilespmem:$0x18200] =	vst v63  }
0x37a: {  	_ =	swait.ge [sflag:s0], $0x6000  }
0x37b: {  	s25 =	simm.s32 $0x8600;
	s26 =	sadd.s32 $0x0, s9;
	[sflag:s0] =	ssyncset.done $0x0  }
0x37c: {  	s23 =	simm.s32 $0x8200;
	s24 =	simm.s32 $0x80;
	[sflag:s0] =	ssyncadd.s32 $0xFFFFA000  }
.LBB2_10:
0x37d: {  	[hbm4b:s26+s3] =	stream.linear.scatter [tilespmem:s23], [sflag:$0x5], $0x300, $0x38;
	[tilespmem:$0x18200] =	vst v63  }
0x37e: {  	s26 =	smov.u32 s24;
	s23 =	smov.u32 s25;
	p0 =	sne.s32 s24, $0xF80  }
.Ltmp4:
0x37f: {  	s24 =	sadd.s32 $0x80, s24;
	(pc) =	sbr.rel @p0 .LBB2_10-.Ltmp4, $2  }
0x380: {  	_ =	sdelay $0x2  }
0x381: {  	s25 =	sadd.s32 $0x400, s25;
	s26 =	sadd.s32 s26, s9  }
0x382: {  	[hbm4b:s26+s3] =	stream.linear.scatter [tilespmem:s23], [sflag:$0x5], $0x300, $0x38;
	[tilespmem:$0x18200] =	vst v63  }
0x383: {  	_ =	swait.ge [sflag:s1], $0x6000  }
0x384: {  	[sflag:s1] =	ssyncset.done $0x0  }
0x385: {  	[sflag:s1] =	ssyncadd.s32 $0xFFFFA000  }
0x386: {  	v0 =	vld [tilespmem:$0xE0];
	_ =	sdelay $0x4  }
0x387: {  	v0 =	vshll.u32 v0, $0x7  }
0x388: {  	(v2sf) =	vpush v0, $0x0;
	_ =	sdelay $0x3  }
0x389: {  	(v2sf) =	vpush v0, $0x1;
	_ =	sdelay $0x1  }
0x38a: {  	(v2sf) =	vpush v0, $0x2;
	_ =	sdelay $0x6  }
0x38b: {  	(v2sf) =	vpush v0, $0x3;
	_ =	sdelay $0x1  }
0x38c: {  	s24 =	spop (v2sf);
	(v2sf) =	vpush v0, $0x4  }
0x38d: {  	s23 =	sand.u32 $0x1FFFFF80, s24  }
0x38e: {  	s25 =	simm.s32 $0x8200;
	s24 =	sadd.s32 s2, s23;
	s23 =	simm.s32 $0x0  }
0x38f: {  	[tilespmem:s25], [sflag:$0x2] =	stream.linear.gather [hbm4b:s24+s23], $0x300, $0x38;
	[tilespmem:$0x18200] =	vst v63  }
0x390: {  	s25 =	spop (v2sf);
	(v2sf) =	vpush v0, $0x5;
	_ =	sdelay $0x1  }
0x391: {  	s24 =	sand.u32 $0x1FFFFF80, s25;
	s25 =	spop (v2sf);
	(v2sf) =	vpush v0, $0x6;
	_ =	sdelay $0x2  }
0x392: {  	(v2sf) =	vpush v0, $0x7  }
0x393: {  	s26 =	simm.s32 $0x8600;
	s24 =	sadd.s32 s2, s24  }
0x394: {  	[tilespmem:s26], [sflag:$0x2] =	stream.linear.gather [hbm4b:s24+s23], $0x300, $0x38;
	[tilespmem:$0x18200] =	vst v63  }
0x395: {  	s24 =	sand.u32 $0x1FFFFF80, s25  }
0x396: {  	s26 =	simm.s32 $0x8A00;
	s25 =	spop (v2sf);
	s24 =	sadd.s32 s2, s24  }
0x397: {  	[tilespmem:s26], [sflag:$0x2] =	stream.linear.gather [hbm4b:s24+s23], $0x300, $0x38;
	[tilespmem:$0x18200] =	vst v63  }
0x398: {  	s24 =	sand.u32 $0x1FFFFF80, s25;
	s25 =	spop (v2sf);
	(v2sf) =	vpush v0, $0x8  }
0x399: {  	s26 =	simm.s32 $0x8E00;
	s24 =	sadd.s32 s2, s24  }
0x39a: {  	[tilespmem:s26], [sflag:$0x2] =	stream.linear.gather [hbm4b:s24+s23], $0x300, $0x38;
	[tilespmem:$0x18200] =	vst v63  }
0x39b: {  	s24 =	sand.u32 $0x1FFFFF80, s25  }
0x39c: {  	s26 =	simm.s32 $0x9200;
	s24 =	sadd.s32 s2, s24;
	s25 =	spop (v2sf);
	(v2sf) =	vpush v0, $0x9  }
0x39d: {  	[tilespmem:s26], [sflag:$0x2] =	stream.linear.gather [hbm4b:s24+s23], $0x300, $0x38;
	[tilespmem:$0x18200] =	vst v63  }
0x39e: {  	s24 =	sand.u32 $0x1FFFFF80, s25;
	s25 =	spop (v2sf);
	(v2sf) =	vpush v0, $0xA  }
0x39f: {  	s26 =	simm.s32 $0x9600;
	s24 =	sadd.s32 s2, s24  }
0x3a0: {  	[tilespmem:s26], [sflag:$0x2] =	stream.linear.gather [hbm4b:s24+s23], $0x300, $0x38;
	[tilespmem:$0x18200] =	vst v63  }
0x3a1: {  	s24 =	sand.u32 $0x1FFFFF80, s25;
	s25 =	spop (v2sf);
	(v2sf) =	vpush v0, $0xB;
	_ =	sdelay $0x3  }
0x3a2: {  	s26 =	simm.s32 $0x9A00;
	s24 =	sadd.s32 s2, s24  }
0x3a3: {  	[tilespmem:s26], [sflag:$0x2] =	stream.linear.gather [hbm4b:s24+s23], $0x300, $0x38;
	[tilespmem:$0x18200] =	vst v63  }
0x3a4: {  	s24 =	sand.u32 $0x1FFFFF80, s25;
	s25 =	spop (v2sf);
	(v2sf) =	vpush v0, $0xC  }
0x3a5: {  	s26 =	simm.s32 $0x9E00;
	s24 =	sadd.s32 s2, s24  }
0x3a6: {  	[tilespmem:s26], [sflag:$0x2] =	stream.linear.gather [hbm4b:s24+s23], $0x300, $0x38;
	[tilespmem:$0x18200] =	vst v63  }
0x3a7: {  	s24 =	sand.u32 $0x1FFFFF80, s25  }
0x3a8: {  	s26 =	simm.s32 $0xA200;
	s24 =	sadd.s32 s2, s24;
	s25 =	spop (v2sf);
	(v2sf) =	vpush v0, $0xD  }
0x3a9: {  	[tilespmem:s26], [sflag:$0x2] =	stream.linear.gather [hbm4b:s24+s23], $0x300, $0x38;
	[tilespmem:$0x18200] =	vst v63  }
0x3aa: {  	s24 =	sand.u32 $0x1FFFFF80, s25;
	s25 =	spop (v2sf);
	(v2sf) =	vpush v0, $0xE  }
0x3ab: {  	s26 =	simm.s32 $0xA600;
	s24 =	sadd.s32 s2, s24  }
0x3ac: {  	[tilespmem:s26], [sflag:$0x2] =	stream.linear.gather [hbm4b:s24+s23], $0x300, $0x38;
	[tilespmem:$0x18200] =	vst v63  }
0x3ad: {  	s24 =	sand.u32 $0x1FFFFF80, s25;
	s25 =	spop (v2sf);
	(v2sf) =	vpush v0, $0xF  }
0x3ae: {  	s26 =	simm.s32 $0xAA00;
	s24 =	sadd.s32 s2, s24  }
0x3af: {  	[tilespmem:s26], [sflag:$0x2] =	stream.linear.gather [hbm4b:s24+s23], $0x300, $0x38;
	[tilespmem:$0x18200] =	vst v63  }
0x3b0: {  	s24 =	sand.u32 $0x1FFFFF80, s25  }
0x3b1: {  	s26 =	simm.s32 $0xAE00;
	s24 =	sadd.s32 s2, s24  }
0x3b2: {  	[tilespmem:s26], [sflag:$0x2] =	stream.linear.gather [hbm4b:s24+s23], $0x300, $0x38;
	[tilespmem:$0x18200] =	vst v63  }
0x3b3: {  	s25 =	spop (v2sf)  }
0x3b4: {  	s24 =	sand.u32 $0x1FFFFF80, s25  }
0x3b5: {  	s26 =	simm.s32 $0xB200;
	s24 =	sadd.s32 s2, s24  }
0x3b6: {  	[tilespmem:s26], [sflag:$0x2] =	stream.linear.gather [hbm4b:s24+s23], $0x300, $0x38;
	[tilespmem:$0x18200] =	vst v63  }
0x3b7: {  	s25 =	spop (v2sf)  }
0x3b8: {  	s24 =	sand.u32 $0x1FFFFF80, s25  }
0x3b9: {  	s26 =	simm.s32 $0xB600;
	s25 =	spop (v2sf);
	s24 =	sadd.s32 s2, s24  }
0x3ba: {  	[tilespmem:s26], [sflag:$0x2] =	stream.linear.gather [hbm4b:s24+s23], $0x300, $0x38;
	[tilespmem:$0x18200] =	vst v63  }
0x3bb: {  	s24 =	sand.u32 $0x1FFFFF80, s25  }
0x3bc: {  	s26 =	simm.s32 $0xBA00;
	s25 =	spop (v2sf);
	s24 =	sadd.s32 s2, s24  }
0x3bd: {  	[tilespmem:s26], [sflag:$0x2] =	stream.linear.gather [hbm4b:s24+s23], $0x300, $0x38;
	[tilespmem:$0x18200] =	vst v63  }
0x3be: {  	s24 =	sand.u32 $0x1FFFFF80, s25  }
0x3bf: {  	s26 =	simm.s32 $0xBE00;
	s24 =	sadd.s32 s2, s24  }
0x3c0: {  	[tilespmem:s26], [sflag:$0x2] =	stream.linear.gather [hbm4b:s24+s23], $0x300, $0x38;
	[tilespmem:$0x18200] =	vst v63  }
0x3c1: {  	v63 =	vld [tilespmem:$0xF0];
	_ =	sdelay $0x4  }
0x3c2: {  	v0 =	vshll.u32 v63, $0x7  }
0x3c3: {  	(v2sf) =	vpush v0, $0x0;
	_ =	sdelay $0x1  }
0x3c4: {  	(v2sf) =	vpush v0, $0x1;
	_ =	sdelay $0x2  }
0x3c5: {  	(v2sf) =	vpush v0, $0x2;
	_ =	sdelay $0x1  }
0x3c6: {  	(v2sf) =	vpush v0, $0x3;
	_ =	sdelay $0x2  }
0x3c7: {  	(v2sf) =	vpush v0, $0x4;
	_ =	sdelay $0x4  }
0x3c8: {  	s25 =	spop (v2sf);
	(v2sf) =	vpush v0, $0x5  }
0x3c9: {  	s24 =	sand.u32 $0x1FFFFF80, s25  }
0x3ca: {  	s26 =	simm.s32 $0xC200;
	s25 =	spop (v2sf);
	s24 =	sadd.s32 s2, s24  }
0x3cb: {  	[tilespmem:s26], [sflag:$0x2] =	stream.linear.gather [hbm4b:s24+s23], $0x300, $0x38;
	[tilespmem:$0x18200] =	vst v63  }
0x3cc: {  	s24 =	sand.u32 $0x1FFFFF80, s25  }
0x3cd: {  	s26 =	simm.s32 $0xC600;
	s25 =	spop (v2sf);
	(v2sf) =	vpush v0, $0x6;
	s24 =	sadd.s32 s2, s24  }
0x3ce: {  	[tilespmem:s26], [sflag:$0x2] =	stream.linear.gather [hbm4b:s24+s23], $0x300, $0x38;
	[tilespmem:$0x18200] =	vst v63  }
0x3cf: {  	s24 =	sand.u32 $0x1FFFFF80, s25;
	s25 =	spop (v2sf);
	(v2sf) =	vpush v0, $0x7  }
0x3d0: {  	s26 =	simm.s32 $0xCA00;
	s24 =	sadd.s32 s2, s24  }
0x3d1: {  	[tilespmem:s26], [sflag:$0x2] =	stream.linear.gather [hbm4b:s24+s23], $0x300, $0x38;
	[tilespmem:$0x18200] =	vst v63  }
0x3d2: {  	s24 =	sand.u32 $0x1FFFFF80, s25;
	s25 =	spop (v2sf);
	(v2sf) =	vpush v0, $0x8;
	_ =	sdelay $0x1  }
0x3d3: {  	s26 =	simm.s32 $0xCE00;
	s24 =	sadd.s32 s2, s24  }
0x3d4: {  	[tilespmem:s26], [sflag:$0x2] =	stream.linear.gather [hbm4b:s24+s23], $0x300, $0x38;
	[tilespmem:$0x18200] =	vst v63  }
0x3d5: {  	s24 =	sand.u32 $0x1FFFFF80, s25  }
0x3d6: {  	s26 =	simm.s32 $0xD200;
	s24 =	sadd.s32 s2, s24;
	s25 =	spop (v2sf);
	(v2sf) =	vpush v0, $0x9  }
0x3d7: {  	[tilespmem:s26], [sflag:$0x2] =	stream.linear.gather [hbm4b:s24+s23], $0x300, $0x38;
	[tilespmem:$0x18200] =	vst v63  }
0x3d8: {  	s24 =	sand.u32 $0x1FFFFF80, s25;
	(v2sf) =	vpush v0, $0xA  }
0x3d9: {  	s26 =	simm.s32 $0xD600;
	s24 =	sadd.s32 s2, s24  }
0x3da: {  	[tilespmem:s26], [sflag:$0x2] =	stream.linear.gather [hbm4b:s24+s23], $0x300, $0x38;
	[tilespmem:$0x18200] =	vst v63  }
0x3db: {  	s25 =	spop (v2sf);
	(v2sf) =	vpush v0, $0xB  }
0x3dc: {  	s24 =	sand.u32 $0x1FFFFF80, s25  }
0x3dd: {  	s26 =	simm.s32 $0xDA00;
	s24 =	sadd.s32 s2, s24;
	s25 =	spop (v2sf)  }
0x3de: {  	(v2sf) =	vpush v0, $0xC;
	[tilespmem:s26], [sflag:$0x2] =	stream.linear.gather [hbm4b:s24+s23], $0x300, $0x38;
	[tilespmem:$0x18200] =	vst v63  }
0x3df: {  	s24 =	sand.u32 $0x1FFFFF80, s25  }
0x3e0: {  	s26 =	simm.s32 $0xDE00;
	s24 =	sadd.s32 s2, s24;
	s25 =	spop (v2sf)  }
0x3e1: {  	(v2sf) =	vpush v0, $0xD;
	[tilespmem:s26], [sflag:$0x2] =	stream.linear.gather [hbm4b:s24+s23], $0x300, $0x38;
	[tilespmem:$0x18200] =	vst v63  }
0x3e2: {  	s24 =	sand.u32 $0x1FFFFF80, s25  }
0x3e3: {  	s26 =	simm.s32 $0xE200;
	s24 =	sadd.s32 s2, s24  }
0x3e4: {  	[tilespmem:s26], [sflag:$0x2] =	stream.linear.gather [hbm4b:s24+s23], $0x300, $0x38;
	[tilespmem:$0x18200] =	vst v63  }
0x3e5: {  	s25 =	spop (v2sf)  }
0x3e6: {  	(v2sf) =	vpush v0, $0xE;
	s24 =	sand.u32 $0x1FFFFF80, s25  }
0x3e7: {  	s26 =	simm.s32 $0xE600;
	s25 =	spop (v2sf);
	s24 =	sadd.s32 s2, s24  }
0x3e8: {  	(v2sf) =	vpush v0, $0xF;
	[tilespmem:s26], [sflag:$0x2] =	stream.linear.gather [hbm4b:s24+s23], $0x300, $0x38;
	[tilespmem:$0x18200] =	vst v63  }
0x3e9: {  	s24 =	sand.u32 $0x1FFFFF80, s25  }
0x3ea: {  	s25 =	spop (v2sf);
	s26 =	simm.s32 $0xEA00;
	s24 =	sadd.s32 s2, s24  }
0x3eb: {  	[tilespmem:s26], [sflag:$0x2] =	stream.linear.gather [hbm4b:s24+s23], $0x300, $0x38;
	[tilespmem:$0x18200] =	vst v63  }
0x3ec: {  	s26 =	sand.u32 $0x1FFFFF80, s25  }
0x3ed: {  	s25 =	spop (v2sf);
	s24 =	sadd.s32 s2, s26;
	s26 =	simm.s32 $0xEE00  }
0x3ee: {  	[tilespmem:s26], [sflag:$0x2] =	stream.linear.gather [hbm4b:s24+s23], $0x300, $0x38;
	[tilespmem:$0x18200] =	vst v63  }
0x3ef: {  	s26 =	sand.u32 $0x1FFFFF80, s25  }
0x3f0: {  	s25 =	spop (v2sf);
	s24 =	sadd.s32 s2, s26;
	s26 =	simm.s32 $0xF200  }
0x3f1: {  	[tilespmem:s26], [sflag:$0x2] =	stream.linear.gather [hbm4b:s24+s23], $0x300, $0x38;
	[tilespmem:$0x18200] =	vst v63  }
0x3f2: {  	s26 =	sand.u32 $0x1FFFFF80, s25  }
0x3f3: {  	s24 =	sadd.s32 s2, s26;
	s26 =	simm.s32 $0xF600  }
0x3f4: {  	[tilespmem:s26], [sflag:$0x2] =	stream.linear.gather [hbm4b:s24+s23], $0x300, $0x38;
	[tilespmem:$0x18200] =	vst v63  }
0x3f5: {  	s25 =	spop (v2sf)  }
0x3f6: {  	s25 =	sand.u32 $0x1FFFFF80, s25  }
0x3f7: {  	s26 =	simm.s32 $0xFA00;
	s24 =	sadd.s32 s2, s25;
	s25 =	spop (v2sf)  }
0x3f8: {  	[tilespmem:s26], [sflag:$0x2] =	stream.linear.gather [hbm4b:s24+s23], $0x300, $0x38;
	[tilespmem:$0x18200] =	vst v63  }
0x3f9: {  	s24 =	sand.u32 $0x1FFFFF80, s25  }
0x3fa: {  	s26 =	simm.s32 $0xFE00;
	s24 =	sadd.s32 s2, s24  }
0x3fb: {  	[tilespmem:s26], [sflag:$0x2] =	stream.linear.gather [hbm4b:s24+s23], $0x300, $0x38;
	[tilespmem:$0x18200] =	vst v63  }
0x3fc: {  	_ =	swait.ge [sflag:s4], $0x6000  }
0x3fd: {  	s25 =	simm.s32 $0x10600;
	s23 =	simm.s32 $0x10200;
	[sflag:s4] =	ssyncset.done $0x0  }
0x3fe: {  	s24 =	simm.s32 $0x80;
	s26 =	sadd.s32 $0x0, s10;
	[sflag:s4] =	ssyncadd.s32 $0xFFFFA000  }
.LBB2_12:
0x3ff: {  	[hbm4b:s26+s3] =	stream.linear.scatter [tilespmem:s23], [sflag:$0x6], $0x300, $0x38;
	[tilespmem:$0x18200] =	vst v63  }
0x400: {  	s26 =	smov.u32 s24;
	s23 =	smov.u32 s25;
	p0 =	sne.s32 s24, $0xF80  }
.Ltmp5:
0x401: {  	s24 =	sadd.s32 $0x80, s24;
	(pc) =	sbr.rel @p0 .LBB2_12-.Ltmp5, $2  }
0x402: {  	_ =	sdelay $0x2  }
0x403: {  	s25 =	sadd.s32 $0x400, s25;
	s26 =	sadd.s32 s26, s10  }
0x404: {  	[hbm4b:s26+s3] =	stream.linear.scatter [tilespmem:s23], [sflag:$0x6], $0x300, $0x38;
	[tilespmem:$0x18200] =	vst v63  }
0x405: {  	_ =	swait.ge [sflag:s21], $0x6000  }
0x406: {  	[sflag:s21] =	ssyncset.done $0x0  }
0x407: {  	[sflag:s21] =	ssyncadd.s32 $0xFFFFA000  }
0x408: {  	v0 =	vld [tilespmem:$0x100];
	_ =	sdelay $0x4  }
0x409: {  	v0 =	vshll.u32 v0, $0x7  }
0x40a: {  	(v2sf) =	vpush v0, $0x0;
	_ =	sdelay $0x3  }
0x40b: {  	(v2sf) =	vpush v0, $0x1;
	_ =	sdelay $0x1  }
0x40c: {  	(v2sf) =	vpush v0, $0x2;
	_ =	sdelay $0x6  }
0x40d: {  	(v2sf) =	vpush v0, $0x3;
	_ =	sdelay $0x1  }
0x40e: {  	s24 =	spop (v2sf);
	(v2sf) =	vpush v0, $0x4  }
0x40f: {  	s23 =	sand.u32 $0x1FFFFF80, s24  }
0x410: {  	s25 =	simm.s32 $0x10200;
	s24 =	sadd.s32 s2, s23;
	s23 =	simm.s32 $0x0  }
0x411: {  	[tilespmem:s25], [sflag:$0x3] =	stream.linear.gather [hbm4b:s24+s23], $0x300, $0x38;
	[tilespmem:$0x18200] =	vst v63  }
0x412: {  	s25 =	spop (v2sf);
	(v2sf) =	vpush v0, $0x5;
	_ =	sdelay $0x1  }
0x413: {  	s24 =	sand.u32 $0x1FFFFF80, s25;
	s25 =	spop (v2sf);
	(v2sf) =	vpush v0, $0x6;
	_ =	sdelay $0x2  }
0x414: {  	(v2sf) =	vpush v0, $0x7  }
0x415: {  	s26 =	simm.s32 $0x10600;
	s24 =	sadd.s32 s2, s24  }
0x416: {  	[tilespmem:s26], [sflag:$0x3] =	stream.linear.gather [hbm4b:s24+s23], $0x300, $0x38;
	[tilespmem:$0x18200] =	vst v63  }
0x417: {  	s24 =	sand.u32 $0x1FFFFF80, s25  }
0x418: {  	s26 =	simm.s32 $0x10A00;
	s25 =	spop (v2sf);
	s24 =	sadd.s32 s2, s24  }
0x419: {  	[tilespmem:s26], [sflag:$0x3] =	stream.linear.gather [hbm4b:s24+s23], $0x300, $0x38;
	[tilespmem:$0x18200] =	vst v63  }
0x41a: {  	s24 =	sand.u32 $0x1FFFFF80, s25;
	s25 =	spop (v2sf);
	(v2sf) =	vpush v0, $0x8  }
0x41b: {  	s26 =	simm.s32 $0x10E00;
	s24 =	sadd.s32 s2, s24  }
0x41c: {  	[tilespmem:s26], [sflag:$0x3] =	stream.linear.gather [hbm4b:s24+s23], $0x300, $0x38;
	[tilespmem:$0x18200] =	vst v63  }
0x41d: {  	s24 =	sand.u32 $0x1FFFFF80, s25  }
0x41e: {  	s26 =	simm.s32 $0x11200;
	s24 =	sadd.s32 s2, s24;
	s25 =	spop (v2sf);
	(v2sf) =	vpush v0, $0x9  }
0x41f: {  	[tilespmem:s26], [sflag:$0x3] =	stream.linear.gather [hbm4b:s24+s23], $0x300, $0x38;
	[tilespmem:$0x18200] =	vst v63  }
0x420: {  	s24 =	sand.u32 $0x1FFFFF80, s25;
	s25 =	spop (v2sf);
	(v2sf) =	vpush v0, $0xA  }
0x421: {  	s26 =	simm.s32 $0x11600;
	s24 =	sadd.s32 s2, s24  }
0x422: {  	[tilespmem:s26], [sflag:$0x3] =	stream.linear.gather [hbm4b:s24+s23], $0x300, $0x38;
	[tilespmem:$0x18200] =	vst v63  }
0x423: {  	s24 =	sand.u32 $0x1FFFFF80, s25;
	s25 =	spop (v2sf);
	(v2sf) =	vpush v0, $0xB;
	_ =	sdelay $0x3  }
0x424: {  	s26 =	simm.s32 $0x11A00;
	s24 =	sadd.s32 s2, s24  }
0x425: {  	[tilespmem:s26], [sflag:$0x3] =	stream.linear.gather [hbm4b:s24+s23], $0x300, $0x38;
	[tilespmem:$0x18200] =	vst v63  }
0x426: {  	s24 =	sand.u32 $0x1FFFFF80, s25;
	s25 =	spop (v2sf);
	(v2sf) =	vpush v0, $0xC  }
0x427: {  	s26 =	simm.s32 $0x11E00;
	s24 =	sadd.s32 s2, s24  }
0x428: {  	[tilespmem:s26], [sflag:$0x3] =	stream.linear.gather [hbm4b:s24+s23], $0x300, $0x38;
	[tilespmem:$0x18200] =	vst v63  }
0x429: {  	s24 =	sand.u32 $0x1FFFFF80, s25  }
0x42a: {  	s26 =	simm.s32 $0x12200;
	s24 =	sadd.s32 s2, s24;
	s25 =	spop (v2sf);
	(v2sf) =	vpush v0, $0xD  }
0x42b: {  	[tilespmem:s26], [sflag:$0x3] =	stream.linear.gather [hbm4b:s24+s23], $0x300, $0x38;
	[tilespmem:$0x18200] =	vst v63  }
0x42c: {  	s24 =	sand.u32 $0x1FFFFF80, s25;
	s25 =	spop (v2sf);
	(v2sf) =	vpush v0, $0xE  }
0x42d: {  	s26 =	simm.s32 $0x12600;
	s24 =	sadd.s32 s2, s24  }
0x42e: {  	[tilespmem:s26], [sflag:$0x3] =	stream.linear.gather [hbm4b:s24+s23], $0x300, $0x38;
	[tilespmem:$0x18200] =	vst v63  }
0x42f: {  	s24 =	sand.u32 $0x1FFFFF80, s25;
	s25 =	spop (v2sf);
	(v2sf) =	vpush v0, $0xF  }
0x430: {  	s26 =	simm.s32 $0x12A00;
	s24 =	sadd.s32 s2, s24  }
0x431: {  	[tilespmem:s26], [sflag:$0x3] =	stream.linear.gather [hbm4b:s24+s23], $0x300, $0x38;
	[tilespmem:$0x18200] =	vst v63  }
0x432: {  	s24 =	sand.u32 $0x1FFFFF80, s25  }
0x433: {  	s26 =	simm.s32 $0x12E00;
	s24 =	sadd.s32 s2, s24  }
0x434: {  	[tilespmem:s26], [sflag:$0x3] =	stream.linear.gather [hbm4b:s24+s23], $0x300, $0x38;
	[tilespmem:$0x18200] =	vst v63  }
0x435: {  	s25 =	spop (v2sf)  }
0x436: {  	s24 =	sand.u32 $0x1FFFFF80, s25  }
0x437: {  	s26 =	simm.s32 $0x13200;
	s24 =	sadd.s32 s2, s24  }
0x438: {  	[tilespmem:s26], [sflag:$0x3] =	stream.linear.gather [hbm4b:s24+s23], $0x300, $0x38;
	[tilespmem:$0x18200] =	vst v63  }
0x439: {  	s25 =	spop (v2sf)  }
0x43a: {  	s24 =	sand.u32 $0x1FFFFF80, s25  }
0x43b: {  	s26 =	simm.s32 $0x13600;
	s25 =	spop (v2sf);
	s24 =	sadd.s32 s2, s24  }
0x43c: {  	[tilespmem:s26], [sflag:$0x3] =	stream.linear.gather [hbm4b:s24+s23], $0x300, $0x38;
	[tilespmem:$0x18200] =	vst v63  }
0x43d: {  	s24 =	sand.u32 $0x1FFFFF80, s25  }
0x43e: {  	s26 =	simm.s32 $0x13A00;
	s25 =	spop (v2sf);
	s24 =	sadd.s32 s2, s24  }
0x43f: {  	[tilespmem:s26], [sflag:$0x3] =	stream.linear.gather [hbm4b:s24+s23], $0x300, $0x38;
	[tilespmem:$0x18200] =	vst v63  }
0x440: {  	s24 =	sand.u32 $0x1FFFFF80, s25  }
0x441: {  	s26 =	simm.s32 $0x13E00;
	s24 =	sadd.s32 s2, s24  }
0x442: {  	[tilespmem:s26], [sflag:$0x3] =	stream.linear.gather [hbm4b:s24+s23], $0x300, $0x38;
	[tilespmem:$0x18200] =	vst v63  }
0x443: {  	v63 =	vld [tilespmem:$0x110];
	_ =	sdelay $0x4  }
0x444: {  	v0 =	vshll.u32 v63, $0x7  }
0x445: {  	(v2sf) =	vpush v0, $0x0;
	_ =	sdelay $0x1  }
0x446: {  	(v2sf) =	vpush v0, $0x1;
	_ =	sdelay $0x2  }
0x447: {  	(v2sf) =	vpush v0, $0x2;
	_ =	sdelay $0x1  }
0x448: {  	(v2sf) =	vpush v0, $0x3;
	_ =	sdelay $0x2  }
0x449: {  	(v2sf) =	vpush v0, $0x4;
	_ =	sdelay $0x4  }
0x44a: {  	s25 =	spop (v2sf);
	(v2sf) =	vpush v0, $0x5  }
0x44b: {  	s24 =	sand.u32 $0x1FFFFF80, s25  }
0x44c: {  	s26 =	simm.s32 $0x14200;
	s25 =	spop (v2sf);
	s24 =	sadd.s32 s2, s24  }
0x44d: {  	[tilespmem:s26], [sflag:$0x3] =	stream.linear.gather [hbm4b:s24+s23], $0x300, $0x38;
	[tilespmem:$0x18200] =	vst v63  }
0x44e: {  	s24 =	sand.u32 $0x1FFFFF80, s25  }
0x44f: {  	s26 =	simm.s32 $0x14600;
	s25 =	spop (v2sf);
	(v2sf) =	vpush v0, $0x6;
	s24 =	sadd.s32 s2, s24  }
0x450: {  	[tilespmem:s26], [sflag:$0x3] =	stream.linear.gather [hbm4b:s24+s23], $0x300, $0x38;
	[tilespmem:$0x18200] =	vst v63  }
0x451: {  	s24 =	sand.u32 $0x1FFFFF80, s25;
	s25 =	spop (v2sf);
	(v2sf) =	vpush v0, $0x7  }
0x452: {  	s26 =	simm.s32 $0x14A00;
	s24 =	sadd.s32 s2, s24  }
0x453: {  	[tilespmem:s26], [sflag:$0x3] =	stream.linear.gather [hbm4b:s24+s23], $0x300, $0x38;
	[tilespmem:$0x18200] =	vst v63  }
0x454: {  	s24 =	sand.u32 $0x1FFFFF80, s25;
	s25 =	spop (v2sf);
	(v2sf) =	vpush v0, $0x8;
	_ =	sdelay $0x1  }
0x455: {  	s26 =	simm.s32 $0x14E00;
	s24 =	sadd.s32 s2, s24  }
0x456: {  	[tilespmem:s26], [sflag:$0x3] =	stream.linear.gather [hbm4b:s24+s23], $0x300, $0x38;
	[tilespmem:$0x18200] =	vst v63  }
0x457: {  	s24 =	sand.u32 $0x1FFFFF80, s25  }
0x458: {  	s26 =	simm.s32 $0x15200;
	s24 =	sadd.s32 s2, s24;
	s25 =	spop (v2sf);
	(v2sf) =	vpush v0, $0x9  }
0x459: {  	[tilespmem:s26], [sflag:$0x3] =	stream.linear.gather [hbm4b:s24+s23], $0x300, $0x38;
	[tilespmem:$0x18200] =	vst v63  }
0x45a: {  	s24 =	sand.u32 $0x1FFFFF80, s25;
	(v2sf) =	vpush v0, $0xA  }
0x45b: {  	s26 =	simm.s32 $0x15600;
	s24 =	sadd.s32 s2, s24  }
0x45c: {  	[tilespmem:s26], [sflag:$0x3] =	stream.linear.gather [hbm4b:s24+s23], $0x300, $0x38;
	[tilespmem:$0x18200] =	vst v63  }
0x45d: {  	s25 =	spop (v2sf);
	(v2sf) =	vpush v0, $0xB  }
0x45e: {  	s24 =	sand.u32 $0x1FFFFF80, s25  }
0x45f: {  	s26 =	simm.s32 $0x15A00;
	s24 =	sadd.s32 s2, s24;
	s25 =	spop (v2sf)  }
0x460: {  	(v2sf) =	vpush v0, $0xC;
	[tilespmem:s26], [sflag:$0x3] =	stream.linear.gather [hbm4b:s24+s23], $0x300, $0x38;
	[tilespmem:$0x18200] =	vst v63  }
0x461: {  	s24 =	sand.u32 $0x1FFFFF80, s25  }
0x462: {  	s26 =	simm.s32 $0x15E00;
	s24 =	sadd.s32 s2, s24;
	s25 =	spop (v2sf)  }
0x463: {  	(v2sf) =	vpush v0, $0xD;
	[tilespmem:s26], [sflag:$0x3] =	stream.linear.gather [hbm4b:s24+s23], $0x300, $0x38;
	[tilespmem:$0x18200] =	vst v63  }
0x464: {  	s24 =	sand.u32 $0x1FFFFF80, s25  }
0x465: {  	s26 =	simm.s32 $0x16200;
	s24 =	sadd.s32 s2, s24  }
0x466: {  	[tilespmem:s26], [sflag:$0x3] =	stream.linear.gather [hbm4b:s24+s23], $0x300, $0x38;
	[tilespmem:$0x18200] =	vst v63  }
0x467: {  	s25 =	spop (v2sf)  }
0x468: {  	(v2sf) =	vpush v0, $0xE;
	s24 =	sand.u32 $0x1FFFFF80, s25  }
0x469: {  	s26 =	simm.s32 $0x16600;
	s25 =	spop (v2sf);
	s24 =	sadd.s32 s2, s24  }
0x46a: {  	(v2sf) =	vpush v0, $0xF;
	[tilespmem:s26], [sflag:$0x3] =	stream.linear.gather [hbm4b:s24+s23], $0x300, $0x38;
	[tilespmem:$0x18200] =	vst v63  }
0x46b: {  	s24 =	sand.u32 $0x1FFFFF80, s25  }
0x46c: {  	s25 =	spop (v2sf);
	s26 =	simm.s32 $0x16A00;
	s24 =	sadd.s32 s2, s24  }
0x46d: {  	[tilespmem:s26], [sflag:$0x3] =	stream.linear.gather [hbm4b:s24+s23], $0x300, $0x38;
	[tilespmem:$0x18200] =	vst v63  }
0x46e: {  	s26 =	sand.u32 $0x1FFFFF80, s25  }
0x46f: {  	s25 =	spop (v2sf);
	s24 =	sadd.s32 s2, s26;
	s26 =	simm.s32 $0x16E00  }
0x470: {  	[tilespmem:s26], [sflag:$0x3] =	stream.linear.gather [hbm4b:s24+s23], $0x300, $0x38;
	[tilespmem:$0x18200] =	vst v63  }
0x471: {  	s26 =	sand.u32 $0x1FFFFF80, s25  }
0x472: {  	s25 =	spop (v2sf);
	s24 =	sadd.s32 s2, s26;
	s26 =	simm.s32 $0x17200  }
0x473: {  	[tilespmem:s26], [sflag:$0x3] =	stream.linear.gather [hbm4b:s24+s23], $0x300, $0x38;
	[tilespmem:$0x18200] =	vst v63  }
0x474: {  	s26 =	sand.u32 $0x1FFFFF80, s25  }
0x475: {  	s24 =	sadd.s32 s2, s26;
	s26 =	simm.s32 $0x17600  }
0x476: {  	[tilespmem:s26], [sflag:$0x3] =	stream.linear.gather [hbm4b:s24+s23], $0x300, $0x38;
	[tilespmem:$0x18200] =	vst v63  }
0x477: {  	s25 =	spop (v2sf)  }
0x478: {  	s25 =	sand.u32 $0x1FFFFF80, s25  }
0x479: {  	s26 =	simm.s32 $0x17A00;
	s24 =	sadd.s32 s2, s25;
	s25 =	spop (v2sf)  }
0x47a: {  	[tilespmem:s26], [sflag:$0x3] =	stream.linear.gather [hbm4b:s24+s23], $0x300, $0x38;
	[tilespmem:$0x18200] =	vst v63  }
0x47b: {  	s24 =	sand.u32 $0x1FFFFF80, s25  }
0x47c: {  	s26 =	simm.s32 $0x17E00;
	s24 =	sadd.s32 s2, s24  }
0x47d: {  	[tilespmem:s26], [sflag:$0x3] =	stream.linear.gather [hbm4b:s24+s23], $0x300, $0x38;
	[tilespmem:$0x18200] =	vst v63  }
0x47e: {  	_ =	swait.ge [sflag:s29], $0x6000  }
0x47f: {  	s25 =	simm.s32 $0x600;
	s23 =	simm.s32 $0x200;
	[sflag:s29] =	ssyncset.done $0x0  }
0x480: {  	s24 =	simm.s32 $0x80;
	s26 =	sadd.s32 $0x0, s11;
	[sflag:s29] =	ssyncadd.s32 $0xFFFFA000  }
.LBB2_14:
0x481: {  	[hbm4b:s26+s3] =	stream.linear.scatter [tilespmem:s23], [sflag:$0x4], $0x300, $0x38;
	[tilespmem:$0x18200] =	vst v63  }
0x482: {  	s26 =	smov.u32 s24;
	s23 =	smov.u32 s25;
	p0 =	sne.s32 s24, $0xF80  }
.Ltmp6:
0x483: {  	s24 =	sadd.s32 $0x80, s24;
	(pc) =	sbr.rel @p0 .LBB2_14-.Ltmp6, $2  }
0x484: {  	_ =	sdelay $0x2  }
0x485: {  	s25 =	sadd.s32 $0x400, s25;
	s26 =	sadd.s32 s26, s11  }
0x486: {  	[hbm4b:s26+s3] =	stream.linear.scatter [tilespmem:s23], [sflag:$0x4], $0x300, $0x38;
	[tilespmem:$0x18200] =	vst v63  }
0x487: {  	_ =	swait.ge [sflag:s30], $0x6000  }
0x488: {  	[sflag:s30] =	ssyncset.done $0x0  }
0x489: {  	[sflag:s30] =	ssyncadd.s32 $0xFFFFA000  }
0x48a: {  	v0 =	vld [tilespmem:$0x120];
	_ =	sdelay $0x4  }
0x48b: {  	v0 =	vshll.u32 v0, $0x7  }
0x48c: {  	(v2sf) =	vpush v0, $0x0;
	_ =	sdelay $0x1  }
0x48d: {  	(v2sf) =	vpush v0, $0x1;
	_ =	sdelay $0x4  }
0x48e: {  	(v2sf) =	vpush v0, $0x2;
	_ =	sdelay $0x4  }
0x48f: {  	(v2sf) =	vpush v0, $0x3;
	_ =	sdelay $0x2  }
0x490: {  	s25 =	spop (v2sf);
	(v2sf) =	vpush v0, $0x4  }
0x491: {  	s23 =	sand.u32 $0x1FFFFF80, s25  }
0x492: {  	s26 =	spop (v2sf);
	(v2sf) =	vpush v0, $0x5;
	s24 =	sadd.s32 s2, s23;
	s23 =	simm.s32 $0x0  }
0x493: {  	[tilespmem:s31], [sflag:$0x1] =	stream.linear.gather [hbm4b:s24+s23], $0x300, $0x38;
	[tilespmem:$0x18200] =	vst v63  }
0x494: {  	s24 =	sand.u32 $0x1FFFFF80, s26  }
0x495: {  	s25 =	simm.s32 $0x600;
	s24 =	sadd.s32 s2, s24  }
0x496: {  	[tilespmem:s25], [sflag:$0x1] =	stream.linear.gather [hbm4b:s24+s23], $0x300, $0x38;
	[tilespmem:$0x18200] =	vst v63  }
0x497: {  	s25 =	spop (v2sf);
	(v2sf) =	vpush v0, $0x6;
	_ =	sdelay $0x1  }
0x498: {  	(v2sf) =	vpush v0, $0x7;
	_ =	sdelay $0x1  }
0x499: {  	s24 =	sand.u32 $0x1FFFFF80, s25  }
0x49a: {  	s26 =	simm.s32 $0xA00;
	s25 =	spop (v2sf);
	s24 =	sadd.s32 s2, s24  }
0x49b: {  	[tilespmem:s26], [sflag:$0x1] =	stream.linear.gather [hbm4b:s24+s23], $0x300, $0x38;
	[tilespmem:$0x18200] =	vst v63  }
0x49c: {  	s24 =	sand.u32 $0x1FFFFF80, s25  }
0x49d: {  	s26 =	simm.s32 $0xE00;
	s24 =	sadd.s32 s2, s24;
	s25 =	spop (v2sf);
	(v2sf) =	vpush v0, $0x8  }
0x49e: {  	[tilespmem:s26], [sflag:$0x1] =	stream.linear.gather [hbm4b:s24+s23], $0x300, $0x38;
	[tilespmem:$0x18200] =	vst v63  }
0x49f: {  	s24 =	sand.u32 $0x1FFFFF80, s25;
	s25 =	spop (v2sf);
	(v2sf) =	vpush v0, $0x9;
	_ =	sdelay $0x1  }
0x4a0: {  	s26 =	simm.s32 $0x1200;
	s24 =	sadd.s32 s2, s24  }
0x4a1: {  	[tilespmem:s26], [sflag:$0x1] =	stream.linear.gather [hbm4b:s24+s23], $0x300, $0x38;
	[tilespmem:$0x18200] =	vst v63  }
0x4a2: {  	s24 =	sand.u32 $0x1FFFFF80, s25  }
0x4a3: {  	s26 =	simm.s32 $0x1600;
	s24 =	sadd.s32 s2, s24;
	s25 =	spop (v2sf);
	(v2sf) =	vpush v0, $0xA  }
0x4a4: {  	[tilespmem:s26], [sflag:$0x1] =	stream.linear.gather [hbm4b:s24+s23], $0x300, $0x38;
	[tilespmem:$0x18200] =	vst v63  }
0x4a5: {  	s24 =	sand.u32 $0x1FFFFF80, s25;
	s25 =	spop (v2sf);
	(v2sf) =	vpush v0, $0xB;
	_ =	sdelay $0x2  }
0x4a6: {  	s26 =	simm.s32 $0x1A00;
	s24 =	sadd.s32 s2, s24  }
0x4a7: {  	[tilespmem:s26], [sflag:$0x1] =	stream.linear.gather [hbm4b:s24+s23], $0x300, $0x38;
	[tilespmem:$0x18200] =	vst v63  }
0x4a8: {  	s24 =	sand.u32 $0x1FFFFF80, s25  }
0x4a9: {  	s26 =	simm.s32 $0x1E00;
	s24 =	sadd.s32 s2, s24;
	s25 =	spop (v2sf);
	(v2sf) =	vpush v0, $0xC  }
0x4aa: {  	[tilespmem:s26], [sflag:$0x1] =	stream.linear.gather [hbm4b:s24+s23], $0x300, $0x38;
	[tilespmem:$0x18200] =	vst v63  }
0x4ab: {  	s24 =	sand.u32 $0x1FFFFF80, s25;
	s25 =	spop (v2sf);
	(v2sf) =	vpush v0, $0xD;
	_ =	sdelay $0x1  }
0x4ac: {  	s26 =	simm.s32 $0x2200;
	s24 =	sadd.s32 s2, s24  }
0x4ad: {  	[tilespmem:s26], [sflag:$0x1] =	stream.linear.gather [hbm4b:s24+s23], $0x300, $0x38;
	[tilespmem:$0x18200] =	vst v63  }
0x4ae: {  	s24 =	sand.u32 $0x1FFFFF80, s25  }
0x4af: {  	s26 =	simm.s32 $0x2600;
	s24 =	sadd.s32 s2, s24;
	s25 =	spop (v2sf);
	(v2sf) =	vpush v0, $0xE  }
0x4b0: {  	[tilespmem:s26], [sflag:$0x1] =	stream.linear.gather [hbm4b:s24+s23], $0x300, $0x38;
	[tilespmem:$0x18200] =	vst v63  }
0x4b1: {  	s24 =	sand.u32 $0x1FFFFF80, s25;
	s25 =	spop (v2sf);
	(v2sf) =	vpush v0, $0xF  }
0x4b2: {  	s26 =	simm.s32 $0x2A00;
	s24 =	sadd.s32 s2, s24  }
0x4b3: {  	[tilespmem:s26], [sflag:$0x1] =	stream.linear.gather [hbm4b:s24+s23], $0x300, $0x38;
	[tilespmem:$0x18200] =	vst v63  }
0x4b4: {  	s24 =	sand.u32 $0x1FFFFF80, s25  }
0x4b5: {  	s26 =	simm.s32 $0x2E00;
	s24 =	sadd.s32 s2, s24  }
0x4b6: {  	[tilespmem:s26], [sflag:$0x1] =	stream.linear.gather [hbm4b:s24+s23], $0x300, $0x38;
	[tilespmem:$0x18200] =	vst v63  }
0x4b7: {  	s25 =	spop (v2sf)  }
0x4b8: {  	s24 =	sand.u32 $0x1FFFFF80, s25  }
0x4b9: {  	s26 =	simm.s32 $0x3200;
	s25 =	spop (v2sf);
	s24 =	sadd.s32 s2, s24  }
0x4ba: {  	[tilespmem:s26], [sflag:$0x1] =	stream.linear.gather [hbm4b:s24+s23], $0x300, $0x38;
	[tilespmem:$0x18200] =	vst v63  }
0x4bb: {  	s24 =	sand.u32 $0x1FFFFF80, s25  }
0x4bc: {  	s26 =	simm.s32 $0x3600;
	s24 =	sadd.s32 s2, s24  }
0x4bd: {  	[tilespmem:s26], [sflag:$0x1] =	stream.linear.gather [hbm4b:s24+s23], $0x300, $0x38;
	[tilespmem:$0x18200] =	vst v63  }
0x4be: {  	s25 =	spop (v2sf)  }
0x4bf: {  	s24 =	sand.u32 $0x1FFFFF80, s25  }
0x4c0: {  	s26 =	simm.s32 $0x3A00;
	s25 =	spop (v2sf);
	s24 =	sadd.s32 s2, s24  }
0x4c1: {  	[tilespmem:s26], [sflag:$0x1] =	stream.linear.gather [hbm4b:s24+s23], $0x300, $0x38;
	[tilespmem:$0x18200] =	vst v63  }
0x4c2: {  	s24 =	sand.u32 $0x1FFFFF80, s25  }
0x4c3: {  	s26 =	simm.s32 $0x3E00;
	s24 =	sadd.s32 s2, s24  }
0x4c4: {  	[tilespmem:s26], [sflag:$0x1] =	stream.linear.gather [hbm4b:s24+s23], $0x300, $0x38;
	[tilespmem:$0x18200] =	vst v63  }
0x4c5: {  	v63 =	vld [tilespmem:$0x130];
	_ =	sdelay $0x4  }
0x4c6: {  	v0 =	vshll.u32 v63, $0x7  }
0x4c7: {  	(v2sf) =	vpush v0, $0x0;
	_ =	sdelay $0x1  }
0x4c8: {  	(v2sf) =	vpush v0, $0x1;
	_ =	sdelay $0x2  }
0x4c9: {  	(v2sf) =	vpush v0, $0x2;
	_ =	sdelay $0x1  }
0x4ca: {  	(v2sf) =	vpush v0, $0x3;
	_ =	sdelay $0x2  }
0x4cb: {  	(v2sf) =	vpush v0, $0x4;
	_ =	sdelay $0x4  }
0x4cc: {  	s25 =	spop (v2sf);
	(v2sf) =	vpush v0, $0x5  }
0x4cd: {  	s24 =	sand.u32 $0x1FFFFF80, s25  }
0x4ce: {  	s26 =	simm.s32 $0x4200;
	s25 =	spop (v2sf);
	s24 =	sadd.s32 s2, s24  }
0x4cf: {  	[tilespmem:s26], [sflag:$0x1] =	stream.linear.gather [hbm4b:s24+s23], $0x300, $0x38;
	[tilespmem:$0x18200] =	vst v63  }
0x4d0: {  	s24 =	sand.u32 $0x1FFFFF80, s25  }
0x4d1: {  	s26 =	simm.s32 $0x4600;
	s25 =	spop (v2sf);
	(v2sf) =	vpush v0, $0x6;
	s24 =	sadd.s32 s2, s24  }
0x4d2: {  	[tilespmem:s26], [sflag:$0x1] =	stream.linear.gather [hbm4b:s24+s23], $0x300, $0x38;
	[tilespmem:$0x18200] =	vst v63  }
0x4d3: {  	s24 =	sand.u32 $0x1FFFFF80, s25;
	s25 =	spop (v2sf);
	(v2sf) =	vpush v0, $0x7  }
0x4d4: {  	s26 =	simm.s32 $0x4A00;
	s24 =	sadd.s32 s2, s24  }
0x4d5: {  	[tilespmem:s26], [sflag:$0x1] =	stream.linear.gather [hbm4b:s24+s23], $0x300, $0x38;
	[tilespmem:$0x18200] =	vst v63  }
0x4d6: {  	s24 =	sand.u32 $0x1FFFFF80, s25;
	s25 =	spop (v2sf);
	(v2sf) =	vpush v0, $0x8;
	_ =	sdelay $0x1  }
0x4d7: {  	s26 =	simm.s32 $0x4E00;
	s24 =	sadd.s32 s2, s24  }
0x4d8: {  	[tilespmem:s26], [sflag:$0x1] =	stream.linear.gather [hbm4b:s24+s23], $0x300, $0x38;
	[tilespmem:$0x18200] =	vst v63  }
0x4d9: {  	s24 =	sand.u32 $0x1FFFFF80, s25  }
0x4da: {  	s26 =	simm.s32 $0x5200;
	s24 =	sadd.s32 s2, s24;
	s25 =	spop (v2sf);
	(v2sf) =	vpush v0, $0x9  }
0x4db: {  	[tilespmem:s26], [sflag:$0x1] =	stream.linear.gather [hbm4b:s24+s23], $0x300, $0x38;
	[tilespmem:$0x18200] =	vst v63  }
0x4dc: {  	s24 =	sand.u32 $0x1FFFFF80, s25;
	(v2sf) =	vpush v0, $0xA  }
0x4dd: {  	s26 =	simm.s32 $0x5600;
	s24 =	sadd.s32 s2, s24  }
0x4de: {  	[tilespmem:s26], [sflag:$0x1] =	stream.linear.gather [hbm4b:s24+s23], $0x300, $0x38;
	[tilespmem:$0x18200] =	vst v63  }
0x4df: {  	s25 =	spop (v2sf);
	(v2sf) =	vpush v0, $0xB  }
0x4e0: {  	s24 =	sand.u32 $0x1FFFFF80, s25  }
0x4e1: {  	s26 =	simm.s32 $0x5A00;
	s24 =	sadd.s32 s2, s24;
	s25 =	spop (v2sf)  }
0x4e2: {  	(v2sf) =	vpush v0, $0xC;
	[tilespmem:s26], [sflag:$0x1] =	stream.linear.gather [hbm4b:s24+s23], $0x300, $0x38;
	[tilespmem:$0x18200] =	vst v63  }
0x4e3: {  	s24 =	sand.u32 $0x1FFFFF80, s25  }
0x4e4: {  	s26 =	simm.s32 $0x5E00;
	s24 =	sadd.s32 s2, s24;
	s25 =	spop (v2sf)  }
0x4e5: {  	(v2sf) =	vpush v0, $0xD;
	[tilespmem:s26], [sflag:$0x1] =	stream.linear.gather [hbm4b:s24+s23], $0x300, $0x38;
	[tilespmem:$0x18200] =	vst v63  }
0x4e6: {  	s24 =	sand.u32 $0x1FFFFF80, s25  }
0x4e7: {  	s26 =	simm.s32 $0x6200;
	s24 =	sadd.s32 s2, s24  }
0x4e8: {  	[tilespmem:s26], [sflag:$0x1] =	stream.linear.gather [hbm4b:s24+s23], $0x300, $0x38;
	[tilespmem:$0x18200] =	vst v63  }
0x4e9: {  	s25 =	spop (v2sf)  }
0x4ea: {  	(v2sf) =	vpush v0, $0xE;
	s24 =	sand.u32 $0x1FFFFF80, s25  }
0x4eb: {  	s26 =	simm.s32 $0x6600;
	s25 =	spop (v2sf);
	s24 =	sadd.s32 s2, s24  }
0x4ec: {  	[tilespmem:s26], [sflag:$0x1] =	stream.linear.gather [hbm4b:s24+s23], $0x300, $0x38;
	[tilespmem:$0x18200] =	vst v63  }
0x4ed: {  	s24 =	sand.u32 $0x1FFFFF80, s25  }
0x4ee: {  	(v2sf) =	vpush v0, $0xF;
	s25 =	spop (v2sf);
	s26 =	simm.s32 $0x6A00;
	s24 =	sadd.s32 s2, s24  }
0x4ef: {  	[tilespmem:s26], [sflag:$0x1] =	stream.linear.gather [hbm4b:s24+s23], $0x300, $0x38;
	[tilespmem:$0x18200] =	vst v63  }
0x4f0: {  	s26 =	sand.u32 $0x1FFFFF80, s25  }
0x4f1: {  	s25 =	spop (v2sf);
	s24 =	sadd.s32 s2, s26;
	s26 =	simm.s32 $0x6E00  }
0x4f2: {  	[tilespmem:s26], [sflag:$0x1] =	stream.linear.gather [hbm4b:s24+s23], $0x300, $0x38;
	[tilespmem:$0x18200] =	vst v63  }
0x4f3: {  	s26 =	sand.u32 $0x1FFFFF80, s25  }
0x4f4: {  	s25 =	spop (v2sf);
	s24 =	sadd.s32 s2, s26;
	s26 =	simm.s32 $0x7200  }
0x4f5: {  	[tilespmem:s26], [sflag:$0x1] =	stream.linear.gather [hbm4b:s24+s23], $0x300, $0x38;
	[tilespmem:$0x18200] =	vst v63  }
0x4f6: {  	s26 =	sand.u32 $0x1FFFFF80, s25  }
0x4f7: {  	s24 =	sadd.s32 s2, s26;
	s26 =	simm.s32 $0x7600  }
0x4f8: {  	[tilespmem:s26], [sflag:$0x1] =	stream.linear.gather [hbm4b:s24+s23], $0x300, $0x38;
	[tilespmem:$0x18200] =	vst v63  }
0x4f9: {  	s25 =	spop (v2sf)  }
0x4fa: {  	s25 =	sand.u32 $0x1FFFFF80, s25  }
0x4fb: {  	s26 =	simm.s32 $0x7A00;
	s24 =	sadd.s32 s2, s25  }
0x4fc: {  	[tilespmem:s26], [sflag:$0x1] =	stream.linear.gather [hbm4b:s24+s23], $0x300, $0x38;
	[tilespmem:$0x18200] =	vst v63  }
0x4fd: {  	s26 =	spop (v2sf)  }
0x4fe: {  	s24 =	sand.u32 $0x1FFFFF80, s26  }
0x4ff: {  	s24 =	sadd.s32 s2, s24  }
0x500: {  	[tilespmem:s28], [sflag:$0x1] =	stream.linear.gather [hbm4b:s24+s23], $0x300, $0x38;
	[tilespmem:$0x18200] =	vst v63  }
0x501: {  	_ =	swait.ge [sflag:s0], $0x6000  }
0x502: {  	s25 =	simm.s32 $0x8600;
	s26 =	sadd.s32 $0x0, s12;
	[sflag:s0] =	ssyncset.done $0x0  }
0x503: {  	s23 =	simm.s32 $0x8200;
	s24 =	simm.s32 $0x80;
	[sflag:s0] =	ssyncadd.s32 $0xFFFFA000  }
.LBB2_16:
0x504: {  	[hbm4b:s26+s3] =	stream.linear.scatter [tilespmem:s23], [sflag:$0x5], $0x300, $0x38;
	[tilespmem:$0x18200] =	vst v63  }
0x505: {  	s26 =	smov.u32 s24;
	s23 =	smov.u32 s25;
	p0 =	sne.s32 s24, $0xF80  }
.Ltmp7:
0x506: {  	s24 =	sadd.s32 $0x80, s24;
	(pc) =	sbr.rel @p0 .LBB2_16-.Ltmp7, $2  }
0x507: {  	_ =	sdelay $0x2  }
0x508: {  	s25 =	sadd.s32 $0x400, s25;
	s26 =	sadd.s32 s26, s12  }
0x509: {  	[hbm4b:s26+s3] =	stream.linear.scatter [tilespmem:s23], [sflag:$0x5], $0x300, $0x38;
	[tilespmem:$0x18200] =	vst v63  }
0x50a: {  	_ =	swait.ge [sflag:s1], $0x6000  }
0x50b: {  	[sflag:s1] =	ssyncset.done $0x0  }
0x50c: {  	[sflag:s1] =	ssyncadd.s32 $0xFFFFA000  }
0x50d: {  	v0 =	vld [tilespmem:$0x140];
	_ =	sdelay $0x4  }
0x50e: {  	v0 =	vshll.u32 v0, $0x7  }
0x50f: {  	(v2sf) =	vpush v0, $0x0;
	_ =	sdelay $0x3  }
0x510: {  	(v2sf) =	vpush v0, $0x1;
	_ =	sdelay $0x1  }
0x511: {  	(v2sf) =	vpush v0, $0x2;
	_ =	sdelay $0x6  }
0x512: {  	(v2sf) =	vpush v0, $0x3;
	_ =	sdelay $0x1  }
0x513: {  	s24 =	spop (v2sf);
	(v2sf) =	vpush v0, $0x4  }
0x514: {  	s23 =	sand.u32 $0x1FFFFF80, s24  }
0x515: {  	s25 =	simm.s32 $0x8200;
	s24 =	sadd.s32 s2, s23;
	s23 =	simm.s32 $0x0  }
0x516: {  	[tilespmem:s25], [sflag:$0x2] =	stream.linear.gather [hbm4b:s24+s23], $0x300, $0x38;
	[tilespmem:$0x18200] =	vst v63  }
0x517: {  	s25 =	spop (v2sf);
	(v2sf) =	vpush v0, $0x5;
	_ =	sdelay $0x1  }
0x518: {  	s24 =	sand.u32 $0x1FFFFF80, s25;
	s25 =	spop (v2sf);
	(v2sf) =	vpush v0, $0x6;
	_ =	sdelay $0x2  }
0x519: {  	(v2sf) =	vpush v0, $0x7  }
0x51a: {  	s26 =	simm.s32 $0x8600;
	s24 =	sadd.s32 s2, s24  }
0x51b: {  	[tilespmem:s26], [sflag:$0x2] =	stream.linear.gather [hbm4b:s24+s23], $0x300, $0x38;
	[tilespmem:$0x18200] =	vst v63  }
0x51c: {  	s24 =	sand.u32 $0x1FFFFF80, s25  }
0x51d: {  	s26 =	simm.s32 $0x8A00;
	s25 =	spop (v2sf);
	s24 =	sadd.s32 s2, s24  }
0x51e: {  	[tilespmem:s26], [sflag:$0x2] =	stream.linear.gather [hbm4b:s24+s23], $0x300, $0x38;
	[tilespmem:$0x18200] =	vst v63  }
0x51f: {  	s24 =	sand.u32 $0x1FFFFF80, s25;
	s25 =	spop (v2sf);
	(v2sf) =	vpush v0, $0x8  }
0x520: {  	s26 =	simm.s32 $0x8E00;
	s24 =	sadd.s32 s2, s24  }
0x521: {  	[tilespmem:s26], [sflag:$0x2] =	stream.linear.gather [hbm4b:s24+s23], $0x300, $0x38;
	[tilespmem:$0x18200] =	vst v63  }
0x522: {  	s24 =	sand.u32 $0x1FFFFF80, s25  }
0x523: {  	s26 =	simm.s32 $0x9200;
	s24 =	sadd.s32 s2, s24;
	s25 =	spop (v2sf);
	(v2sf) =	vpush v0, $0x9  }
0x524: {  	[tilespmem:s26], [sflag:$0x2] =	stream.linear.gather [hbm4b:s24+s23], $0x300, $0x38;
	[tilespmem:$0x18200] =	vst v63  }
0x525: {  	s24 =	sand.u32 $0x1FFFFF80, s25;
	s25 =	spop (v2sf);
	(v2sf) =	vpush v0, $0xA  }
0x526: {  	s26 =	simm.s32 $0x9600;
	s24 =	sadd.s32 s2, s24  }
0x527: {  	[tilespmem:s26], [sflag:$0x2] =	stream.linear.gather [hbm4b:s24+s23], $0x300, $0x38;
	[tilespmem:$0x18200] =	vst v63  }
0x528: {  	s24 =	sand.u32 $0x1FFFFF80, s25;
	s25 =	spop (v2sf);
	(v2sf) =	vpush v0, $0xB;
	_ =	sdelay $0x3  }
0x529: {  	s26 =	simm.s32 $0x9A00;
	s24 =	sadd.s32 s2, s24  }
0x52a: {  	[tilespmem:s26], [sflag:$0x2] =	stream.linear.gather [hbm4b:s24+s23], $0x300, $0x38;
	[tilespmem:$0x18200] =	vst v63  }
0x52b: {  	s24 =	sand.u32 $0x1FFFFF80, s25;
	s25 =	spop (v2sf);
	(v2sf) =	vpush v0, $0xC  }
0x52c: {  	s26 =	simm.s32 $0x9E00;
	s24 =	sadd.s32 s2, s24  }
0x52d: {  	[tilespmem:s26], [sflag:$0x2] =	stream.linear.gather [hbm4b:s24+s23], $0x300, $0x38;
	[tilespmem:$0x18200] =	vst v63  }
0x52e: {  	s24 =	sand.u32 $0x1FFFFF80, s25  }
0x52f: {  	s26 =	simm.s32 $0xA200;
	s24 =	sadd.s32 s2, s24;
	s25 =	spop (v2sf);
	(v2sf) =	vpush v0, $0xD  }
0x530: {  	[tilespmem:s26], [sflag:$0x2] =	stream.linear.gather [hbm4b:s24+s23], $0x300, $0x38;
	[tilespmem:$0x18200] =	vst v63  }
0x531: {  	s24 =	sand.u32 $0x1FFFFF80, s25;
	s25 =	spop (v2sf);
	(v2sf) =	vpush v0, $0xE  }
0x532: {  	s26 =	simm.s32 $0xA600;
	s24 =	sadd.s32 s2, s24  }
0x533: {  	[tilespmem:s26], [sflag:$0x2] =	stream.linear.gather [hbm4b:s24+s23], $0x300, $0x38;
	[tilespmem:$0x18200] =	vst v63  }
0x534: {  	s24 =	sand.u32 $0x1FFFFF80, s25;
	s25 =	spop (v2sf);
	(v2sf) =	vpush v0, $0xF  }
0x535: {  	s26 =	simm.s32 $0xAA00;
	s24 =	sadd.s32 s2, s24  }
0x536: {  	[tilespmem:s26], [sflag:$0x2] =	stream.linear.gather [hbm4b:s24+s23], $0x300, $0x38;
	[tilespmem:$0x18200] =	vst v63  }
0x537: {  	s24 =	sand.u32 $0x1FFFFF80, s25  }
0x538: {  	s26 =	simm.s32 $0xAE00;
	s24 =	sadd.s32 s2, s24  }
0x539: {  	[tilespmem:s26], [sflag:$0x2] =	stream.linear.gather [hbm4b:s24+s23], $0x300, $0x38;
	[tilespmem:$0x18200] =	vst v63  }
0x53a: {  	s25 =	spop (v2sf)  }
0x53b: {  	s24 =	sand.u32 $0x1FFFFF80, s25  }
0x53c: {  	s26 =	simm.s32 $0xB200;
	s24 =	sadd.s32 s2, s24  }
0x53d: {  	[tilespmem:s26], [sflag:$0x2] =	stream.linear.gather [hbm4b:s24+s23], $0x300, $0x38;
	[tilespmem:$0x18200] =	vst v63  }
0x53e: {  	s25 =	spop (v2sf)  }
0x53f: {  	s24 =	sand.u32 $0x1FFFFF80, s25  }
0x540: {  	s26 =	simm.s32 $0xB600;
	s25 =	spop (v2sf);
	s24 =	sadd.s32 s2, s24  }
0x541: {  	[tilespmem:s26], [sflag:$0x2] =	stream.linear.gather [hbm4b:s24+s23], $0x300, $0x38;
	[tilespmem:$0x18200] =	vst v63  }
0x542: {  	s24 =	sand.u32 $0x1FFFFF80, s25  }
0x543: {  	s26 =	simm.s32 $0xBA00;
	s25 =	spop (v2sf);
	s24 =	sadd.s32 s2, s24  }
0x544: {  	[tilespmem:s26], [sflag:$0x2] =	stream.linear.gather [hbm4b:s24+s23], $0x300, $0x38;
	[tilespmem:$0x18200] =	vst v63  }
0x545: {  	s24 =	sand.u32 $0x1FFFFF80, s25  }
0x546: {  	s26 =	simm.s32 $0xBE00;
	s24 =	sadd.s32 s2, s24  }
0x547: {  	[tilespmem:s26], [sflag:$0x2] =	stream.linear.gather [hbm4b:s24+s23], $0x300, $0x38;
	[tilespmem:$0x18200] =	vst v63  }
0x548: {  	v63 =	vld [tilespmem:$0x150];
	_ =	sdelay $0x4  }
0x549: {  	v0 =	vshll.u32 v63, $0x7  }
0x54a: {  	(v2sf) =	vpush v0, $0x0;
	_ =	sdelay $0x1  }
0x54b: {  	(v2sf) =	vpush v0, $0x1;
	_ =	sdelay $0x2  }
0x54c: {  	(v2sf) =	vpush v0, $0x2;
	_ =	sdelay $0x1  }
0x54d: {  	(v2sf) =	vpush v0, $0x3;
	_ =	sdelay $0x2  }
0x54e: {  	(v2sf) =	vpush v0, $0x4;
	_ =	sdelay $0x4  }
0x54f: {  	s25 =	spop (v2sf);
	(v2sf) =	vpush v0, $0x5  }
0x550: {  	s24 =	sand.u32 $0x1FFFFF80, s25  }
0x551: {  	s26 =	simm.s32 $0xC200;
	s25 =	spop (v2sf);
	s24 =	sadd.s32 s2, s24  }
0x552: {  	[tilespmem:s26], [sflag:$0x2] =	stream.linear.gather [hbm4b:s24+s23], $0x300, $0x38;
	[tilespmem:$0x18200] =	vst v63  }
0x553: {  	s24 =	sand.u32 $0x1FFFFF80, s25  }
0x554: {  	s26 =	simm.s32 $0xC600;
	s25 =	spop (v2sf);
	(v2sf) =	vpush v0, $0x6;
	s24 =	sadd.s32 s2, s24  }
0x555: {  	[tilespmem:s26], [sflag:$0x2] =	stream.linear.gather [hbm4b:s24+s23], $0x300, $0x38;
	[tilespmem:$0x18200] =	vst v63  }
0x556: {  	s24 =	sand.u32 $0x1FFFFF80, s25;
	s25 =	spop (v2sf);
	(v2sf) =	vpush v0, $0x7  }
0x557: {  	s26 =	simm.s32 $0xCA00;
	s24 =	sadd.s32 s2, s24  }
0x558: {  	[tilespmem:s26], [sflag:$0x2] =	stream.linear.gather [hbm4b:s24+s23], $0x300, $0x38;
	[tilespmem:$0x18200] =	vst v63  }
0x559: {  	s24 =	sand.u32 $0x1FFFFF80, s25;
	s25 =	spop (v2sf);
	(v2sf) =	vpush v0, $0x8;
	_ =	sdelay $0x1  }
0x55a: {  	s26 =	simm.s32 $0xCE00;
	s24 =	sadd.s32 s2, s24  }
0x55b: {  	[tilespmem:s26], [sflag:$0x2] =	stream.linear.gather [hbm4b:s24+s23], $0x300, $0x38;
	[tilespmem:$0x18200] =	vst v63  }
0x55c: {  	s24 =	sand.u32 $0x1FFFFF80, s25  }
0x55d: {  	s26 =	simm.s32 $0xD200;
	s24 =	sadd.s32 s2, s24;
	s25 =	spop (v2sf);
	(v2sf) =	vpush v0, $0x9  }
0x55e: {  	[tilespmem:s26], [sflag:$0x2] =	stream.linear.gather [hbm4b:s24+s23], $0x300, $0x38;
	[tilespmem:$0x18200] =	vst v63  }
0x55f: {  	s24 =	sand.u32 $0x1FFFFF80, s25;
	(v2sf) =	vpush v0, $0xA  }
0x560: {  	s26 =	simm.s32 $0xD600;
	s24 =	sadd.s32 s2, s24  }
0x561: {  	[tilespmem:s26], [sflag:$0x2] =	stream.linear.gather [hbm4b:s24+s23], $0x300, $0x38;
	[tilespmem:$0x18200] =	vst v63  }
0x562: {  	s25 =	spop (v2sf);
	(v2sf) =	vpush v0, $0xB  }
0x563: {  	s24 =	sand.u32 $0x1FFFFF80, s25  }
0x564: {  	s26 =	simm.s32 $0xDA00;
	s24 =	sadd.s32 s2, s24;
	s25 =	spop (v2sf)  }
0x565: {  	(v2sf) =	vpush v0, $0xC;
	[tilespmem:s26], [sflag:$0x2] =	stream.linear.gather [hbm4b:s24+s23], $0x300, $0x38;
	[tilespmem:$0x18200] =	vst v63  }
0x566: {  	s24 =	sand.u32 $0x1FFFFF80, s25  }
0x567: {  	s26 =	simm.s32 $0xDE00;
	s24 =	sadd.s32 s2, s24;
	s25 =	spop (v2sf)  }
0x568: {  	(v2sf) =	vpush v0, $0xD;
	[tilespmem:s26], [sflag:$0x2] =	stream.linear.gather [hbm4b:s24+s23], $0x300, $0x38;
	[tilespmem:$0x18200] =	vst v63  }
0x569: {  	s24 =	sand.u32 $0x1FFFFF80, s25  }
0x56a: {  	s26 =	simm.s32 $0xE200;
	s24 =	sadd.s32 s2, s24  }
0x56b: {  	[tilespmem:s26], [sflag:$0x2] =	stream.linear.gather [hbm4b:s24+s23], $0x300, $0x38;
	[tilespmem:$0x18200] =	vst v63  }
0x56c: {  	s25 =	spop (v2sf)  }
0x56d: {  	(v2sf) =	vpush v0, $0xE;
	s24 =	sand.u32 $0x1FFFFF80, s25  }
0x56e: {  	s26 =	simm.s32 $0xE600;
	s25 =	spop (v2sf);
	s24 =	sadd.s32 s2, s24  }
0x56f: {  	(v2sf) =	vpush v0, $0xF;
	[tilespmem:s26], [sflag:$0x2] =	stream.linear.gather [hbm4b:s24+s23], $0x300, $0x38;
	[tilespmem:$0x18200] =	vst v63  }
0x570: {  	s24 =	sand.u32 $0x1FFFFF80, s25  }
0x571: {  	s25 =	spop (v2sf);
	s26 =	simm.s32 $0xEA00;
	s24 =	sadd.s32 s2, s24  }
0x572: {  	[tilespmem:s26], [sflag:$0x2] =	stream.linear.gather [hbm4b:s24+s23], $0x300, $0x38;
	[tilespmem:$0x18200] =	vst v63  }
0x573: {  	s26 =	sand.u32 $0x1FFFFF80, s25  }
0x574: {  	s25 =	spop (v2sf);
	s24 =	sadd.s32 s2, s26;
	s26 =	simm.s32 $0xEE00  }
0x575: {  	[tilespmem:s26], [sflag:$0x2] =	stream.linear.gather [hbm4b:s24+s23], $0x300, $0x38;
	[tilespmem:$0x18200] =	vst v63  }
0x576: {  	s26 =	sand.u32 $0x1FFFFF80, s25  }
0x577: {  	s25 =	spop (v2sf);
	s24 =	sadd.s32 s2, s26;
	s26 =	simm.s32 $0xF200  }
0x578: {  	[tilespmem:s26], [sflag:$0x2] =	stream.linear.gather [hbm4b:s24+s23], $0x300, $0x38;
	[tilespmem:$0x18200] =	vst v63  }
0x579: {  	s26 =	sand.u32 $0x1FFFFF80, s25  }
0x57a: {  	s24 =	sadd.s32 s2, s26;
	s26 =	simm.s32 $0xF600  }
0x57b: {  	[tilespmem:s26], [sflag:$0x2] =	stream.linear.gather [hbm4b:s24+s23], $0x300, $0x38;
	[tilespmem:$0x18200] =	vst v63  }
0x57c: {  	s25 =	spop (v2sf)  }
0x57d: {  	s25 =	sand.u32 $0x1FFFFF80, s25  }
0x57e: {  	s26 =	simm.s32 $0xFA00;
	s24 =	sadd.s32 s2, s25;
	s25 =	spop (v2sf)  }
0x57f: {  	[tilespmem:s26], [sflag:$0x2] =	stream.linear.gather [hbm4b:s24+s23], $0x300, $0x38;
	[tilespmem:$0x18200] =	vst v63  }
0x580: {  	s24 =	sand.u32 $0x1FFFFF80, s25  }
0x581: {  	s26 =	simm.s32 $0xFE00;
	s24 =	sadd.s32 s2, s24  }
0x582: {  	[tilespmem:s26], [sflag:$0x2] =	stream.linear.gather [hbm4b:s24+s23], $0x300, $0x38;
	[tilespmem:$0x18200] =	vst v63  }
0x583: {  	_ =	swait.ge [sflag:s4], $0x6000  }
0x584: {  	s25 =	simm.s32 $0x10600;
	s23 =	simm.s32 $0x10200;
	[sflag:s4] =	ssyncset.done $0x0  }
0x585: {  	s24 =	simm.s32 $0x80;
	s26 =	sadd.s32 $0x0, s13;
	[sflag:s4] =	ssyncadd.s32 $0xFFFFA000  }
.LBB2_18:
0x586: {  	[hbm4b:s26+s3] =	stream.linear.scatter [tilespmem:s23], [sflag:$0x6], $0x300, $0x38;
	[tilespmem:$0x18200] =	vst v63  }
0x587: {  	s26 =	smov.u32 s24;
	s23 =	smov.u32 s25;
	p0 =	sne.s32 s24, $0xF80  }
.Ltmp8:
0x588: {  	s24 =	sadd.s32 $0x80, s24;
	(pc) =	sbr.rel @p0 .LBB2_18-.Ltmp8, $2  }
0x589: {  	_ =	sdelay $0x2  }
0x58a: {  	s25 =	sadd.s32 $0x400, s25;
	s26 =	sadd.s32 s26, s13  }
0x58b: {  	[hbm4b:s26+s3] =	stream.linear.scatter [tilespmem:s23], [sflag:$0x6], $0x300, $0x38;
	[tilespmem:$0x18200] =	vst v63  }
0x58c: {  	_ =	swait.ge [sflag:s21], $0x6000  }
0x58d: {  	[sflag:s21] =	ssyncset.done $0x0  }
0x58e: {  	[sflag:s21] =	ssyncadd.s32 $0xFFFFA000  }
0x58f: {  	v0 =	vld [tilespmem:$0x160];
	_ =	sdelay $0x4  }
0x590: {  	v0 =	vshll.u32 v0, $0x7  }
0x591: {  	(v2sf) =	vpush v0, $0x0;
	_ =	sdelay $0x3  }
0x592: {  	(v2sf) =	vpush v0, $0x1;
	_ =	sdelay $0x1  }
0x593: {  	(v2sf) =	vpush v0, $0x2;
	_ =	sdelay $0x6  }
0x594: {  	(v2sf) =	vpush v0, $0x3;
	_ =	sdelay $0x1  }
0x595: {  	s24 =	spop (v2sf);
	(v2sf) =	vpush v0, $0x4  }
0x596: {  	s23 =	sand.u32 $0x1FFFFF80, s24  }
0x597: {  	s25 =	simm.s32 $0x10200;
	s24 =	sadd.s32 s2, s23;
	s23 =	simm.s32 $0x0  }
0x598: {  	[tilespmem:s25], [sflag:$0x3] =	stream.linear.gather [hbm4b:s24+s23], $0x300, $0x38;
	[tilespmem:$0x18200] =	vst v63  }
0x599: {  	s25 =	spop (v2sf);
	(v2sf) =	vpush v0, $0x5;
	_ =	sdelay $0x1  }
0x59a: {  	s24 =	sand.u32 $0x1FFFFF80, s25;
	s25 =	spop (v2sf);
	(v2sf) =	vpush v0, $0x6;
	_ =	sdelay $0x2  }
0x59b: {  	(v2sf) =	vpush v0, $0x7  }
0x59c: {  	s26 =	simm.s32 $0x10600;
	s24 =	sadd.s32 s2, s24  }
0x59d: {  	[tilespmem:s26], [sflag:$0x3] =	stream.linear.gather [hbm4b:s24+s23], $0x300, $0x38;
	[tilespmem:$0x18200] =	vst v63  }
0x59e: {  	s24 =	sand.u32 $0x1FFFFF80, s25  }
0x59f: {  	s26 =	simm.s32 $0x10A00;
	s25 =	spop (v2sf);
	s24 =	sadd.s32 s2, s24  }
0x5a0: {  	[tilespmem:s26], [sflag:$0x3] =	stream.linear.gather [hbm4b:s24+s23], $0x300, $0x38;
	[tilespmem:$0x18200] =	vst v63  }
0x5a1: {  	s24 =	sand.u32 $0x1FFFFF80, s25;
	s25 =	spop (v2sf);
	(v2sf) =	vpush v0, $0x8  }
0x5a2: {  	s26 =	simm.s32 $0x10E00;
	s24 =	sadd.s32 s2, s24  }
0x5a3: {  	[tilespmem:s26], [sflag:$0x3] =	stream.linear.gather [hbm4b:s24+s23], $0x300, $0x38;
	[tilespmem:$0x18200] =	vst v63  }
0x5a4: {  	s24 =	sand.u32 $0x1FFFFF80, s25  }
0x5a5: {  	s26 =	simm.s32 $0x11200;
	s24 =	sadd.s32 s2, s24;
	s25 =	spop (v2sf);
	(v2sf) =	vpush v0, $0x9  }
0x5a6: {  	[tilespmem:s26], [sflag:$0x3] =	stream.linear.gather [hbm4b:s24+s23], $0x300, $0x38;
	[tilespmem:$0x18200] =	vst v63  }
0x5a7: {  	s24 =	sand.u32 $0x1FFFFF80, s25;
	s25 =	spop (v2sf);
	(v2sf) =	vpush v0, $0xA  }
0x5a8: {  	s26 =	simm.s32 $0x11600;
	s24 =	sadd.s32 s2, s24  }
0x5a9: {  	[tilespmem:s26], [sflag:$0x3] =	stream.linear.gather [hbm4b:s24+s23], $0x300, $0x38;
	[tilespmem:$0x18200] =	vst v63  }
0x5aa: {  	s24 =	sand.u32 $0x1FFFFF80, s25;
	s25 =	spop (v2sf);
	(v2sf) =	vpush v0, $0xB;
	_ =	sdelay $0x3  }
0x5ab: {  	s26 =	simm.s32 $0x11A00;
	s24 =	sadd.s32 s2, s24  }
0x5ac: {  	[tilespmem:s26], [sflag:$0x3] =	stream.linear.gather [hbm4b:s24+s23], $0x300, $0x38;
	[tilespmem:$0x18200] =	vst v63  }
0x5ad: {  	s24 =	sand.u32 $0x1FFFFF80, s25;
	s25 =	spop (v2sf);
	(v2sf) =	vpush v0, $0xC  }
0x5ae: {  	s26 =	simm.s32 $0x11E00;
	s24 =	sadd.s32 s2, s24  }
0x5af: {  	[tilespmem:s26], [sflag:$0x3] =	stream.linear.gather [hbm4b:s24+s23], $0x300, $0x38;
	[tilespmem:$0x18200] =	vst v63  }
0x5b0: {  	s24 =	sand.u32 $0x1FFFFF80, s25  }
0x5b1: {  	s26 =	simm.s32 $0x12200;
	s24 =	sadd.s32 s2, s24;
	s25 =	spop (v2sf);
	(v2sf) =	vpush v0, $0xD  }
0x5b2: {  	[tilespmem:s26], [sflag:$0x3] =	stream.linear.gather [hbm4b:s24+s23], $0x300, $0x38;
	[tilespmem:$0x18200] =	vst v63  }
0x5b3: {  	s24 =	sand.u32 $0x1FFFFF80, s25;
	s25 =	spop (v2sf);
	(v2sf) =	vpush v0, $0xE  }
0x5b4: {  	s26 =	simm.s32 $0x12600;
	s24 =	sadd.s32 s2, s24  }
0x5b5: {  	[tilespmem:s26], [sflag:$0x3] =	stream.linear.gather [hbm4b:s24+s23], $0x300, $0x38;
	[tilespmem:$0x18200] =	vst v63  }
0x5b6: {  	s24 =	sand.u32 $0x1FFFFF80, s25;
	s25 =	spop (v2sf);
	(v2sf) =	vpush v0, $0xF  }
0x5b7: {  	s26 =	simm.s32 $0x12A00;
	s24 =	sadd.s32 s2, s24  }
0x5b8: {  	[tilespmem:s26], [sflag:$0x3] =	stream.linear.gather [hbm4b:s24+s23], $0x300, $0x38;
	[tilespmem:$0x18200] =	vst v63  }
0x5b9: {  	s24 =	sand.u32 $0x1FFFFF80, s25  }
0x5ba: {  	s26 =	simm.s32 $0x12E00;
	s24 =	sadd.s32 s2, s24  }
0x5bb: {  	[tilespmem:s26], [sflag:$0x3] =	stream.linear.gather [hbm4b:s24+s23], $0x300, $0x38;
	[tilespmem:$0x18200] =	vst v63  }
0x5bc: {  	s25 =	spop (v2sf)  }
0x5bd: {  	s24 =	sand.u32 $0x1FFFFF80, s25  }
0x5be: {  	s26 =	simm.s32 $0x13200;
	s24 =	sadd.s32 s2, s24  }
0x5bf: {  	[tilespmem:s26], [sflag:$0x3] =	stream.linear.gather [hbm4b:s24+s23], $0x300, $0x38;
	[tilespmem:$0x18200] =	vst v63  }
0x5c0: {  	s25 =	spop (v2sf)  }
0x5c1: {  	s24 =	sand.u32 $0x1FFFFF80, s25  }
0x5c2: {  	s26 =	simm.s32 $0x13600;
	s25 =	spop (v2sf);
	s24 =	sadd.s32 s2, s24  }
0x5c3: {  	[tilespmem:s26], [sflag:$0x3] =	stream.linear.gather [hbm4b:s24+s23], $0x300, $0x38;
	[tilespmem:$0x18200] =	vst v63  }
0x5c4: {  	s24 =	sand.u32 $0x1FFFFF80, s25  }
0x5c5: {  	s26 =	simm.s32 $0x13A00;
	s25 =	spop (v2sf);
	s24 =	sadd.s32 s2, s24  }
0x5c6: {  	[tilespmem:s26], [sflag:$0x3] =	stream.linear.gather [hbm4b:s24+s23], $0x300, $0x38;
	[tilespmem:$0x18200] =	vst v63  }
0x5c7: {  	s24 =	sand.u32 $0x1FFFFF80, s25  }
0x5c8: {  	s26 =	simm.s32 $0x13E00;
	s24 =	sadd.s32 s2, s24  }
0x5c9: {  	[tilespmem:s26], [sflag:$0x3] =	stream.linear.gather [hbm4b:s24+s23], $0x300, $0x38;
	[tilespmem:$0x18200] =	vst v63  }
0x5ca: {  	v63 =	vld [tilespmem:$0x170];
	_ =	sdelay $0x4  }
0x5cb: {  	v0 =	vshll.u32 v63, $0x7  }
0x5cc: {  	(v2sf) =	vpush v0, $0x0;
	_ =	sdelay $0x1  }
0x5cd: {  	(v2sf) =	vpush v0, $0x1;
	_ =	sdelay $0x2  }
0x5ce: {  	(v2sf) =	vpush v0, $0x2;
	_ =	sdelay $0x1  }
0x5cf: {  	(v2sf) =	vpush v0, $0x3;
	_ =	sdelay $0x2  }
0x5d0: {  	(v2sf) =	vpush v0, $0x4;
	_ =	sdelay $0x4  }
0x5d1: {  	s25 =	spop (v2sf);
	(v2sf) =	vpush v0, $0x5  }
0x5d2: {  	s24 =	sand.u32 $0x1FFFFF80, s25  }
0x5d3: {  	s26 =	simm.s32 $0x14200;
	s25 =	spop (v2sf);
	s24 =	sadd.s32 s2, s24  }
0x5d4: {  	[tilespmem:s26], [sflag:$0x3] =	stream.linear.gather [hbm4b:s24+s23], $0x300, $0x38;
	[tilespmem:$0x18200] =	vst v63  }
0x5d5: {  	s24 =	sand.u32 $0x1FFFFF80, s25  }
0x5d6: {  	s26 =	simm.s32 $0x14600;
	s25 =	spop (v2sf);
	(v2sf) =	vpush v0, $0x6;
	s24 =	sadd.s32 s2, s24  }
0x5d7: {  	[tilespmem:s26], [sflag:$0x3] =	stream.linear.gather [hbm4b:s24+s23], $0x300, $0x38;
	[tilespmem:$0x18200] =	vst v63  }
0x5d8: {  	s24 =	sand.u32 $0x1FFFFF80, s25;
	s25 =	spop (v2sf);
	(v2sf) =	vpush v0, $0x7  }
0x5d9: {  	s26 =	simm.s32 $0x14A00;
	s24 =	sadd.s32 s2, s24  }
0x5da: {  	[tilespmem:s26], [sflag:$0x3] =	stream.linear.gather [hbm4b:s24+s23], $0x300, $0x38;
	[tilespmem:$0x18200] =	vst v63  }
0x5db: {  	s24 =	sand.u32 $0x1FFFFF80, s25;
	s25 =	spop (v2sf);
	(v2sf) =	vpush v0, $0x8;
	_ =	sdelay $0x1  }
0x5dc: {  	s26 =	simm.s32 $0x14E00;
	s24 =	sadd.s32 s2, s24  }
0x5dd: {  	[tilespmem:s26], [sflag:$0x3] =	stream.linear.gather [hbm4b:s24+s23], $0x300, $0x38;
	[tilespmem:$0x18200] =	vst v63  }
0x5de: {  	s24 =	sand.u32 $0x1FFFFF80, s25  }
0x5df: {  	s26 =	simm.s32 $0x15200;
	s24 =	sadd.s32 s2, s24;
	s25 =	spop (v2sf);
	(v2sf) =	vpush v0, $0x9  }
0x5e0: {  	[tilespmem:s26], [sflag:$0x3] =	stream.linear.gather [hbm4b:s24+s23], $0x300, $0x38;
	[tilespmem:$0x18200] =	vst v63  }
0x5e1: {  	s24 =	sand.u32 $0x1FFFFF80, s25;
	(v2sf) =	vpush v0, $0xA  }
0x5e2: {  	s26 =	simm.s32 $0x15600;
	s24 =	sadd.s32 s2, s24  }
0x5e3: {  	[tilespmem:s26], [sflag:$0x3] =	stream.linear.gather [hbm4b:s24+s23], $0x300, $0x38;
	[tilespmem:$0x18200] =	vst v63  }
0x5e4: {  	s25 =	spop (v2sf);
	(v2sf) =	vpush v0, $0xB  }
0x5e5: {  	s24 =	sand.u32 $0x1FFFFF80, s25  }
0x5e6: {  	s26 =	simm.s32 $0x15A00;
	s24 =	sadd.s32 s2, s24;
	s25 =	spop (v2sf)  }
0x5e7: {  	(v2sf) =	vpush v0, $0xC;
	[tilespmem:s26], [sflag:$0x3] =	stream.linear.gather [hbm4b:s24+s23], $0x300, $0x38;
	[tilespmem:$0x18200] =	vst v63  }
0x5e8: {  	s24 =	sand.u32 $0x1FFFFF80, s25  }
0x5e9: {  	s26 =	simm.s32 $0x15E00;
	s24 =	sadd.s32 s2, s24;
	s25 =	spop (v2sf)  }
0x5ea: {  	(v2sf) =	vpush v0, $0xD;
	[tilespmem:s26], [sflag:$0x3] =	stream.linear.gather [hbm4b:s24+s23], $0x300, $0x38;
	[tilespmem:$0x18200] =	vst v63  }
0x5eb: {  	s24 =	sand.u32 $0x1FFFFF80, s25  }
0x5ec: {  	s26 =	simm.s32 $0x16200;
	s24 =	sadd.s32 s2, s24  }
0x5ed: {  	[tilespmem:s26], [sflag:$0x3] =	stream.linear.gather [hbm4b:s24+s23], $0x300, $0x38;
	[tilespmem:$0x18200] =	vst v63  }
0x5ee: {  	s25 =	spop (v2sf)  }
0x5ef: {  	(v2sf) =	vpush v0, $0xE;
	s24 =	sand.u32 $0x1FFFFF80, s25  }
0x5f0: {  	s26 =	simm.s32 $0x16600;
	s25 =	spop (v2sf);
	s24 =	sadd.s32 s2, s24  }
0x5f1: {  	(v2sf) =	vpush v0, $0xF;
	[tilespmem:s26], [sflag:$0x3] =	stream.linear.gather [hbm4b:s24+s23], $0x300, $0x38;
	[tilespmem:$0x18200] =	vst v63  }
0x5f2: {  	s24 =	sand.u32 $0x1FFFFF80, s25  }
0x5f3: {  	s25 =	spop (v2sf);
	s26 =	simm.s32 $0x16A00;
	s24 =	sadd.s32 s2, s24  }
0x5f4: {  	[tilespmem:s26], [sflag:$0x3] =	stream.linear.gather [hbm4b:s24+s23], $0x300, $0x38;
	[tilespmem:$0x18200] =	vst v63  }
0x5f5: {  	s26 =	sand.u32 $0x1FFFFF80, s25  }
0x5f6: {  	s25 =	spop (v2sf);
	s24 =	sadd.s32 s2, s26;
	s26 =	simm.s32 $0x16E00  }
0x5f7: {  	[tilespmem:s26], [sflag:$0x3] =	stream.linear.gather [hbm4b:s24+s23], $0x300, $0x38;
	[tilespmem:$0x18200] =	vst v63  }
0x5f8: {  	s26 =	sand.u32 $0x1FFFFF80, s25  }
0x5f9: {  	s25 =	spop (v2sf);
	s24 =	sadd.s32 s2, s26;
	s26 =	simm.s32 $0x17200  }
0x5fa: {  	[tilespmem:s26], [sflag:$0x3] =	stream.linear.gather [hbm4b:s24+s23], $0x300, $0x38;
	[tilespmem:$0x18200] =	vst v63  }
0x5fb: {  	s26 =	sand.u32 $0x1FFFFF80, s25  }
0x5fc: {  	s24 =	sadd.s32 s2, s26;
	s26 =	simm.s32 $0x17600  }
0x5fd: {  	[tilespmem:s26], [sflag:$0x3] =	stream.linear.gather [hbm4b:s24+s23], $0x300, $0x38;
	[tilespmem:$0x18200] =	vst v63  }
0x5fe: {  	s25 =	spop (v2sf)  }
0x5ff: {  	s25 =	sand.u32 $0x1FFFFF80, s25  }
0x600: {  	s26 =	simm.s32 $0x17A00;
	s24 =	sadd.s32 s2, s25;
	s25 =	spop (v2sf)  }
0x601: {  	[tilespmem:s26], [sflag:$0x3] =	stream.linear.gather [hbm4b:s24+s23], $0x300, $0x38;
	[tilespmem:$0x18200] =	vst v63  }
0x602: {  	s24 =	sand.u32 $0x1FFFFF80, s25  }
0x603: {  	s26 =	simm.s32 $0x17E00;
	s24 =	sadd.s32 s2, s24  }
0x604: {  	[tilespmem:s26], [sflag:$0x3] =	stream.linear.gather [hbm4b:s24+s23], $0x300, $0x38;
	[tilespmem:$0x18200] =	vst v63  }
0x605: {  	_ =	swait.ge [sflag:s29], $0x6000  }
0x606: {  	s25 =	simm.s32 $0x600;
	s23 =	simm.s32 $0x200;
	[sflag:s29] =	ssyncset.done $0x0  }
0x607: {  	s24 =	simm.s32 $0x80;
	s26 =	sadd.s32 $0x0, s14;
	[sflag:s29] =	ssyncadd.s32 $0xFFFFA000  }
.LBB2_20:
0x608: {  	[hbm4b:s26+s3] =	stream.linear.scatter [tilespmem:s23], [sflag:$0x4], $0x300, $0x38;
	[tilespmem:$0x18200] =	vst v63  }
0x609: {  	s26 =	smov.u32 s24;
	s23 =	smov.u32 s25;
	p0 =	sne.s32 s24, $0xF80  }
.Ltmp9:
0x60a: {  	s24 =	sadd.s32 $0x80, s24;
	(pc) =	sbr.rel @p0 .LBB2_20-.Ltmp9, $2  }
0x60b: {  	_ =	sdelay $0x2  }
0x60c: {  	s25 =	sadd.s32 $0x400, s25;
	s26 =	sadd.s32 s26, s14  }
0x60d: {  	[hbm4b:s26+s3] =	stream.linear.scatter [tilespmem:s23], [sflag:$0x4], $0x300, $0x38;
	[tilespmem:$0x18200] =	vst v63  }
0x60e: {  	_ =	swait.ge [sflag:s30], $0x6000  }
0x60f: {  	[sflag:s30] =	ssyncset.done $0x0  }
0x610: {  	[sflag:s30] =	ssyncadd.s32 $0xFFFFA000  }
0x611: {  	v0 =	vld [tilespmem:$0x180];
	_ =	sdelay $0x4  }
0x612: {  	v0 =	vshll.u32 v0, $0x7  }
0x613: {  	(v2sf) =	vpush v0, $0x0;
	_ =	sdelay $0x1  }
0x614: {  	(v2sf) =	vpush v0, $0x1;
	_ =	sdelay $0x4  }
0x615: {  	(v2sf) =	vpush v0, $0x2;
	_ =	sdelay $0x4  }
0x616: {  	(v2sf) =	vpush v0, $0x3;
	_ =	sdelay $0x2  }
0x617: {  	s25 =	spop (v2sf);
	(v2sf) =	vpush v0, $0x4  }
0x618: {  	s23 =	sand.u32 $0x1FFFFF80, s25  }
0x619: {  	s26 =	spop (v2sf);
	(v2sf) =	vpush v0, $0x5;
	s24 =	sadd.s32 s2, s23;
	s23 =	simm.s32 $0x0  }
0x61a: {  	[tilespmem:s31], [sflag:$0x1] =	stream.linear.gather [hbm4b:s24+s23], $0x300, $0x38;
	[tilespmem:$0x18200] =	vst v63  }
0x61b: {  	s24 =	sand.u32 $0x1FFFFF80, s26  }
0x61c: {  	s25 =	simm.s32 $0x600;
	s24 =	sadd.s32 s2, s24  }
0x61d: {  	[tilespmem:s25], [sflag:$0x1] =	stream.linear.gather [hbm4b:s24+s23], $0x300, $0x38;
	[tilespmem:$0x18200] =	vst v63  }
0x61e: {  	s25 =	spop (v2sf);
	(v2sf) =	vpush v0, $0x6;
	_ =	sdelay $0x1  }
0x61f: {  	(v2sf) =	vpush v0, $0x7;
	_ =	sdelay $0x1  }
0x620: {  	s24 =	sand.u32 $0x1FFFFF80, s25  }
0x621: {  	s26 =	simm.s32 $0xA00;
	s25 =	spop (v2sf);
	s24 =	sadd.s32 s2, s24  }
0x622: {  	[tilespmem:s26], [sflag:$0x1] =	stream.linear.gather [hbm4b:s24+s23], $0x300, $0x38;
	[tilespmem:$0x18200] =	vst v63  }
0x623: {  	s24 =	sand.u32 $0x1FFFFF80, s25  }
0x624: {  	s26 =	simm.s32 $0xE00;
	s24 =	sadd.s32 s2, s24;
	s25 =	spop (v2sf);
	(v2sf) =	vpush v0, $0x8  }
0x625: {  	[tilespmem:s26], [sflag:$0x1] =	stream.linear.gather [hbm4b:s24+s23], $0x300, $0x38;
	[tilespmem:$0x18200] =	vst v63  }
0x626: {  	s24 =	sand.u32 $0x1FFFFF80, s25;
	s25 =	spop (v2sf);
	(v2sf) =	vpush v0, $0x9;
	_ =	sdelay $0x1  }
0x627: {  	s26 =	simm.s32 $0x1200;
	s24 =	sadd.s32 s2, s24  }
0x628: {  	[tilespmem:s26], [sflag:$0x1] =	stream.linear.gather [hbm4b:s24+s23], $0x300, $0x38;
	[tilespmem:$0x18200] =	vst v63  }
0x629: {  	s24 =	sand.u32 $0x1FFFFF80, s25  }
0x62a: {  	s26 =	simm.s32 $0x1600;
	s24 =	sadd.s32 s2, s24;
	s25 =	spop (v2sf);
	(v2sf) =	vpush v0, $0xA  }
0x62b: {  	[tilespmem:s26], [sflag:$0x1] =	stream.linear.gather [hbm4b:s24+s23], $0x300, $0x38;
	[tilespmem:$0x18200] =	vst v63  }
0x62c: {  	s24 =	sand.u32 $0x1FFFFF80, s25;
	s25 =	spop (v2sf);
	(v2sf) =	vpush v0, $0xB;
	_ =	sdelay $0x2  }
0x62d: {  	s26 =	simm.s32 $0x1A00;
	s24 =	sadd.s32 s2, s24  }
0x62e: {  	[tilespmem:s26], [sflag:$0x1] =	stream.linear.gather [hbm4b:s24+s23], $0x300, $0x38;
	[tilespmem:$0x18200] =	vst v63  }
0x62f: {  	s24 =	sand.u32 $0x1FFFFF80, s25  }
0x630: {  	s26 =	simm.s32 $0x1E00;
	s24 =	sadd.s32 s2, s24;
	s25 =	spop (v2sf);
	(v2sf) =	vpush v0, $0xC  }
0x631: {  	[tilespmem:s26], [sflag:$0x1] =	stream.linear.gather [hbm4b:s24+s23], $0x300, $0x38;
	[tilespmem:$0x18200] =	vst v63  }
0x632: {  	s24 =	sand.u32 $0x1FFFFF80, s25;
	s25 =	spop (v2sf);
	(v2sf) =	vpush v0, $0xD;
	_ =	sdelay $0x1  }
0x633: {  	s26 =	simm.s32 $0x2200;
	s24 =	sadd.s32 s2, s24  }
0x634: {  	[tilespmem:s26], [sflag:$0x1] =	stream.linear.gather [hbm4b:s24+s23], $0x300, $0x38;
	[tilespmem:$0x18200] =	vst v63  }
0x635: {  	s24 =	sand.u32 $0x1FFFFF80, s25  }
0x636: {  	s26 =	simm.s32 $0x2600;
	s24 =	sadd.s32 s2, s24;
	s25 =	spop (v2sf);
	(v2sf) =	vpush v0, $0xE  }
0x637: {  	[tilespmem:s26], [sflag:$0x1] =	stream.linear.gather [hbm4b:s24+s23], $0x300, $0x38;
	[tilespmem:$0x18200] =	vst v63  }
0x638: {  	s24 =	sand.u32 $0x1FFFFF80, s25;
	s25 =	spop (v2sf);
	(v2sf) =	vpush v0, $0xF  }
0x639: {  	s26 =	simm.s32 $0x2A00;
	s24 =	sadd.s32 s2, s24  }
0x63a: {  	[tilespmem:s26], [sflag:$0x1] =	stream.linear.gather [hbm4b:s24+s23], $0x300, $0x38;
	[tilespmem:$0x18200] =	vst v63  }
0x63b: {  	s24 =	sand.u32 $0x1FFFFF80, s25  }
0x63c: {  	s26 =	simm.s32 $0x2E00;
	s24 =	sadd.s32 s2, s24  }
0x63d: {  	[tilespmem:s26], [sflag:$0x1] =	stream.linear.gather [hbm4b:s24+s23], $0x300, $0x38;
	[tilespmem:$0x18200] =	vst v63  }
0x63e: {  	s25 =	spop (v2sf)  }
0x63f: {  	s24 =	sand.u32 $0x1FFFFF80, s25  }
0x640: {  	s26 =	simm.s32 $0x3200;
	s25 =	spop (v2sf);
	s24 =	sadd.s32 s2, s24  }
0x641: {  	[tilespmem:s26], [sflag:$0x1] =	stream.linear.gather [hbm4b:s24+s23], $0x300, $0x38;
	[tilespmem:$0x18200] =	vst v63  }
0x642: {  	s24 =	sand.u32 $0x1FFFFF80, s25  }
0x643: {  	s26 =	simm.s32 $0x3600;
	s24 =	sadd.s32 s2, s24  }
0x644: {  	[tilespmem:s26], [sflag:$0x1] =	stream.linear.gather [hbm4b:s24+s23], $0x300, $0x38;
	[tilespmem:$0x18200] =	vst v63  }
0x645: {  	s25 =	spop (v2sf)  }
0x646: {  	s24 =	sand.u32 $0x1FFFFF80, s25  }
0x647: {  	s26 =	simm.s32 $0x3A00;
	s25 =	spop (v2sf);
	s24 =	sadd.s32 s2, s24  }
0x648: {  	[tilespmem:s26], [sflag:$0x1] =	stream.linear.gather [hbm4b:s24+s23], $0x300, $0x38;
	[tilespmem:$0x18200] =	vst v63  }
0x649: {  	s24 =	sand.u32 $0x1FFFFF80, s25  }
0x64a: {  	s26 =	simm.s32 $0x3E00;
	s24 =	sadd.s32 s2, s24  }
0x64b: {  	[tilespmem:s26], [sflag:$0x1] =	stream.linear.gather [hbm4b:s24+s23], $0x300, $0x38;
	[tilespmem:$0x18200] =	vst v63  }
0x64c: {  	v63 =	vld [tilespmem:$0x190];
	_ =	sdelay $0x4  }
0x64d: {  	v0 =	vshll.u32 v63, $0x7  }
0x64e: {  	(v2sf) =	vpush v0, $0x0;
	_ =	sdelay $0x1  }
0x64f: {  	(v2sf) =	vpush v0, $0x1;
	_ =	sdelay $0x2  }
0x650: {  	(v2sf) =	vpush v0, $0x2;
	_ =	sdelay $0x1  }
0x651: {  	(v2sf) =	vpush v0, $0x3;
	_ =	sdelay $0x2  }
0x652: {  	(v2sf) =	vpush v0, $0x4;
	_ =	sdelay $0x4  }
0x653: {  	s25 =	spop (v2sf);
	(v2sf) =	vpush v0, $0x5  }
0x654: {  	s24 =	sand.u32 $0x1FFFFF80, s25  }
0x655: {  	s26 =	simm.s32 $0x4200;
	s25 =	spop (v2sf);
	s24 =	sadd.s32 s2, s24  }
0x656: {  	[tilespmem:s26], [sflag:$0x1] =	stream.linear.gather [hbm4b:s24+s23], $0x300, $0x38;
	[tilespmem:$0x18200] =	vst v63  }
0x657: {  	s24 =	sand.u32 $0x1FFFFF80, s25  }
0x658: {  	s26 =	simm.s32 $0x4600;
	s25 =	spop (v2sf);
	(v2sf) =	vpush v0, $0x6;
	s24 =	sadd.s32 s2, s24  }
0x659: {  	[tilespmem:s26], [sflag:$0x1] =	stream.linear.gather [hbm4b:s24+s23], $0x300, $0x38;
	[tilespmem:$0x18200] =	vst v63  }
0x65a: {  	s24 =	sand.u32 $0x1FFFFF80, s25;
	s25 =	spop (v2sf);
	(v2sf) =	vpush v0, $0x7  }
0x65b: {  	s26 =	simm.s32 $0x4A00;
	s24 =	sadd.s32 s2, s24  }
0x65c: {  	[tilespmem:s26], [sflag:$0x1] =	stream.linear.gather [hbm4b:s24+s23], $0x300, $0x38;
	[tilespmem:$0x18200] =	vst v63  }
0x65d: {  	s24 =	sand.u32 $0x1FFFFF80, s25;
	s25 =	spop (v2sf);
	(v2sf) =	vpush v0, $0x8;
	_ =	sdelay $0x1  }
0x65e: {  	s26 =	simm.s32 $0x4E00;
	s24 =	sadd.s32 s2, s24  }
0x65f: {  	[tilespmem:s26], [sflag:$0x1] =	stream.linear.gather [hbm4b:s24+s23], $0x300, $0x38;
	[tilespmem:$0x18200] =	vst v63  }
0x660: {  	s24 =	sand.u32 $0x1FFFFF80, s25  }
0x661: {  	s26 =	simm.s32 $0x5200;
	s24 =	sadd.s32 s2, s24;
	s25 =	spop (v2sf);
	(v2sf) =	vpush v0, $0x9  }
0x662: {  	[tilespmem:s26], [sflag:$0x1] =	stream.linear.gather [hbm4b:s24+s23], $0x300, $0x38;
	[tilespmem:$0x18200] =	vst v63  }
0x663: {  	s24 =	sand.u32 $0x1FFFFF80, s25;
	(v2sf) =	vpush v0, $0xA  }
0x664: {  	s26 =	simm.s32 $0x5600;
	s24 =	sadd.s32 s2, s24  }
0x665: {  	[tilespmem:s26], [sflag:$0x1] =	stream.linear.gather [hbm4b:s24+s23], $0x300, $0x38;
	[tilespmem:$0x18200] =	vst v63  }
0x666: {  	s25 =	spop (v2sf);
	(v2sf) =	vpush v0, $0xB  }
0x667: {  	s24 =	sand.u32 $0x1FFFFF80, s25  }
0x668: {  	s26 =	simm.s32 $0x5A00;
	s24 =	sadd.s32 s2, s24;
	s25 =	spop (v2sf)  }
0x669: {  	(v2sf) =	vpush v0, $0xC;
	[tilespmem:s26], [sflag:$0x1] =	stream.linear.gather [hbm4b:s24+s23], $0x300, $0x38;
	[tilespmem:$0x18200] =	vst v63  }
0x66a: {  	s24 =	sand.u32 $0x1FFFFF80, s25  }
0x66b: {  	s26 =	simm.s32 $0x5E00;
	s24 =	sadd.s32 s2, s24;
	s25 =	spop (v2sf)  }
0x66c: {  	(v2sf) =	vpush v0, $0xD;
	[tilespmem:s26], [sflag:$0x1] =	stream.linear.gather [hbm4b:s24+s23], $0x300, $0x38;
	[tilespmem:$0x18200] =	vst v63  }
0x66d: {  	s24 =	sand.u32 $0x1FFFFF80, s25  }
0x66e: {  	s26 =	simm.s32 $0x6200;
	s24 =	sadd.s32 s2, s24  }
0x66f: {  	[tilespmem:s26], [sflag:$0x1] =	stream.linear.gather [hbm4b:s24+s23], $0x300, $0x38;
	[tilespmem:$0x18200] =	vst v63  }
0x670: {  	s25 =	spop (v2sf)  }
0x671: {  	(v2sf) =	vpush v0, $0xE;
	s24 =	sand.u32 $0x1FFFFF80, s25  }
0x672: {  	s26 =	simm.s32 $0x6600;
	s25 =	spop (v2sf);
	s24 =	sadd.s32 s2, s24  }
0x673: {  	[tilespmem:s26], [sflag:$0x1] =	stream.linear.gather [hbm4b:s24+s23], $0x300, $0x38;
	[tilespmem:$0x18200] =	vst v63  }
0x674: {  	s24 =	sand.u32 $0x1FFFFF80, s25  }
0x675: {  	(v2sf) =	vpush v0, $0xF;
	s25 =	spop (v2sf);
	s26 =	simm.s32 $0x6A00;
	s24 =	sadd.s32 s2, s24  }
0x676: {  	[tilespmem:s26], [sflag:$0x1] =	stream.linear.gather [hbm4b:s24+s23], $0x300, $0x38;
	[tilespmem:$0x18200] =	vst v63  }
0x677: {  	s26 =	sand.u32 $0x1FFFFF80, s25  }
0x678: {  	s25 =	spop (v2sf);
	s24 =	sadd.s32 s2, s26;
	s26 =	simm.s32 $0x6E00  }
0x679: {  	[tilespmem:s26], [sflag:$0x1] =	stream.linear.gather [hbm4b:s24+s23], $0x300, $0x38;
	[tilespmem:$0x18200] =	vst v63  }
0x67a: {  	s26 =	sand.u32 $0x1FFFFF80, s25  }
0x67b: {  	s25 =	spop (v2sf);
	s24 =	sadd.s32 s2, s26;
	s26 =	simm.s32 $0x7200  }
0x67c: {  	[tilespmem:s26], [sflag:$0x1] =	stream.linear.gather [hbm4b:s24+s23], $0x300, $0x38;
	[tilespmem:$0x18200] =	vst v63  }
0x67d: {  	s26 =	sand.u32 $0x1FFFFF80, s25  }
0x67e: {  	s24 =	sadd.s32 s2, s26;
	s26 =	simm.s32 $0x7600  }
0x67f: {  	[tilespmem:s26], [sflag:$0x1] =	stream.linear.gather [hbm4b:s24+s23], $0x300, $0x38;
	[tilespmem:$0x18200] =	vst v63  }
0x680: {  	s25 =	spop (v2sf)  }
0x681: {  	s25 =	sand.u32 $0x1FFFFF80, s25  }
0x682: {  	s26 =	simm.s32 $0x7A00;
	s24 =	sadd.s32 s2, s25  }
0x683: {  	[tilespmem:s26], [sflag:$0x1] =	stream.linear.gather [hbm4b:s24+s23], $0x300, $0x38;
	[tilespmem:$0x18200] =	vst v63  }
0x684: {  	s26 =	spop (v2sf)  }
0x685: {  	s24 =	sand.u32 $0x1FFFFF80, s26  }
0x686: {  	s24 =	sadd.s32 s2, s24  }
0x687: {  	[tilespmem:s28], [sflag:$0x1] =	stream.linear.gather [hbm4b:s24+s23], $0x300, $0x38;
	[tilespmem:$0x18200] =	vst v63  }
0x688: {  	_ =	swait.ge [sflag:s0], $0x6000  }
0x689: {  	s25 =	simm.s32 $0x8600;
	s26 =	sadd.s32 $0x0, s15;
	[sflag:s0] =	ssyncset.done $0x0  }
0x68a: {  	s23 =	simm.s32 $0x8200;
	s24 =	simm.s32 $0x80;
	[sflag:s0] =	ssyncadd.s32 $0xFFFFA000  }
.LBB2_22:
0x68b: {  	[hbm4b:s26+s3] =	stream.linear.scatter [tilespmem:s23], [sflag:$0x5], $0x300, $0x38;
	[tilespmem:$0x18200] =	vst v63  }
0x68c: {  	s26 =	smov.u32 s24;
	s23 =	smov.u32 s25;
	p0 =	sne.s32 s24, $0xF80  }
.Ltmp10:
0x68d: {  	s24 =	sadd.s32 $0x80, s24;
	(pc) =	sbr.rel @p0 .LBB2_22-.Ltmp10, $2  }
0x68e: {  	_ =	sdelay $0x2  }
0x68f: {  	s25 =	sadd.s32 $0x400, s25;
	s26 =	sadd.s32 s26, s15  }
0x690: {  	[hbm4b:s26+s3] =	stream.linear.scatter [tilespmem:s23], [sflag:$0x5], $0x300, $0x38;
	[tilespmem:$0x18200] =	vst v63  }
0x691: {  	_ =	swait.ge [sflag:s1], $0x6000  }
0x692: {  	[sflag:s1] =	ssyncset.done $0x0  }
0x693: {  	[sflag:s1] =	ssyncadd.s32 $0xFFFFA000  }
0x694: {  	v0 =	vld [tilespmem:$0x1A0];
	_ =	sdelay $0x4  }
0x695: {  	v0 =	vshll.u32 v0, $0x7  }
0x696: {  	(v2sf) =	vpush v0, $0x0;
	_ =	sdelay $0x3  }
0x697: {  	(v2sf) =	vpush v0, $0x1;
	_ =	sdelay $0x1  }
0x698: {  	(v2sf) =	vpush v0, $0x2;
	_ =	sdelay $0x6  }
0x699: {  	(v2sf) =	vpush v0, $0x3;
	_ =	sdelay $0x1  }
0x69a: {  	s24 =	spop (v2sf);
	(v2sf) =	vpush v0, $0x4  }
0x69b: {  	s23 =	sand.u32 $0x1FFFFF80, s24  }
0x69c: {  	s25 =	simm.s32 $0x8200;
	s24 =	sadd.s32 s2, s23;
	s23 =	simm.s32 $0x0  }
0x69d: {  	[tilespmem:s25], [sflag:$0x2] =	stream.linear.gather [hbm4b:s24+s23], $0x300, $0x38;
	[tilespmem:$0x18200] =	vst v63  }
0x69e: {  	s25 =	spop (v2sf);
	(v2sf) =	vpush v0, $0x5;
	_ =	sdelay $0x1  }
0x69f: {  	s24 =	sand.u32 $0x1FFFFF80, s25;
	s25 =	spop (v2sf);
	(v2sf) =	vpush v0, $0x6;
	_ =	sdelay $0x2  }
0x6a0: {  	(v2sf) =	vpush v0, $0x7  }
0x6a1: {  	s26 =	simm.s32 $0x8600;
	s24 =	sadd.s32 s2, s24  }
0x6a2: {  	[tilespmem:s26], [sflag:$0x2] =	stream.linear.gather [hbm4b:s24+s23], $0x300, $0x38;
	[tilespmem:$0x18200] =	vst v63  }
0x6a3: {  	s24 =	sand.u32 $0x1FFFFF80, s25  }
0x6a4: {  	s26 =	simm.s32 $0x8A00;
	s25 =	spop (v2sf);
	s24 =	sadd.s32 s2, s24  }
0x6a5: {  	[tilespmem:s26], [sflag:$0x2] =	stream.linear.gather [hbm4b:s24+s23], $0x300, $0x38;
	[tilespmem:$0x18200] =	vst v63  }
0x6a6: {  	s24 =	sand.u32 $0x1FFFFF80, s25;
	s25 =	spop (v2sf);
	(v2sf) =	vpush v0, $0x8  }
0x6a7: {  	s26 =	simm.s32 $0x8E00;
	s24 =	sadd.s32 s2, s24  }
0x6a8: {  	[tilespmem:s26], [sflag:$0x2] =	stream.linear.gather [hbm4b:s24+s23], $0x300, $0x38;
	[tilespmem:$0x18200] =	vst v63  }
0x6a9: {  	s24 =	sand.u32 $0x1FFFFF80, s25  }
0x6aa: {  	s26 =	simm.s32 $0x9200;
	s24 =	sadd.s32 s2, s24;
	s25 =	spop (v2sf);
	(v2sf) =	vpush v0, $0x9  }
0x6ab: {  	[tilespmem:s26], [sflag:$0x2] =	stream.linear.gather [hbm4b:s24+s23], $0x300, $0x38;
	[tilespmem:$0x18200] =	vst v63  }
0x6ac: {  	s24 =	sand.u32 $0x1FFFFF80, s25;
	s25 =	spop (v2sf);
	(v2sf) =	vpush v0, $0xA  }
0x6ad: {  	s26 =	simm.s32 $0x9600;
	s24 =	sadd.s32 s2, s24  }
0x6ae: {  	[tilespmem:s26], [sflag:$0x2] =	stream.linear.gather [hbm4b:s24+s23], $0x300, $0x38;
	[tilespmem:$0x18200] =	vst v63  }
0x6af: {  	s24 =	sand.u32 $0x1FFFFF80, s25;
	s25 =	spop (v2sf);
	(v2sf) =	vpush v0, $0xB;
	_ =	sdelay $0x3  }
0x6b0: {  	s26 =	simm.s32 $0x9A00;
	s24 =	sadd.s32 s2, s24  }
0x6b1: {  	[tilespmem:s26], [sflag:$0x2] =	stream.linear.gather [hbm4b:s24+s23], $0x300, $0x38;
	[tilespmem:$0x18200] =	vst v63  }
0x6b2: {  	s24 =	sand.u32 $0x1FFFFF80, s25;
	s25 =	spop (v2sf);
	(v2sf) =	vpush v0, $0xC  }
0x6b3: {  	s26 =	simm.s32 $0x9E00;
	s24 =	sadd.s32 s2, s24  }
0x6b4: {  	[tilespmem:s26], [sflag:$0x2] =	stream.linear.gather [hbm4b:s24+s23], $0x300, $0x38;
	[tilespmem:$0x18200] =	vst v63  }
0x6b5: {  	s24 =	sand.u32 $0x1FFFFF80, s25  }
0x6b6: {  	s26 =	simm.s32 $0xA200;
	s24 =	sadd.s32 s2, s24;
	s25 =	spop (v2sf);
	(v2sf) =	vpush v0, $0xD  }
0x6b7: {  	[tilespmem:s26], [sflag:$0x2] =	stream.linear.gather [hbm4b:s24+s23], $0x300, $0x38;
	[tilespmem:$0x18200] =	vst v63  }
0x6b8: {  	s24 =	sand.u32 $0x1FFFFF80, s25;
	s25 =	spop (v2sf);
	(v2sf) =	vpush v0, $0xE  }
0x6b9: {  	s26 =	simm.s32 $0xA600;
	s24 =	sadd.s32 s2, s24  }
0x6ba: {  	[tilespmem:s26], [sflag:$0x2] =	stream.linear.gather [hbm4b:s24+s23], $0x300, $0x38;
	[tilespmem:$0x18200] =	vst v63  }
0x6bb: {  	s24 =	sand.u32 $0x1FFFFF80, s25;
	s25 =	spop (v2sf);
	(v2sf) =	vpush v0, $0xF  }
0x6bc: {  	s26 =	simm.s32 $0xAA00;
	s24 =	sadd.s32 s2, s24  }
0x6bd: {  	[tilespmem:s26], [sflag:$0x2] =	stream.linear.gather [hbm4b:s24+s23], $0x300, $0x38;
	[tilespmem:$0x18200] =	vst v63  }
0x6be: {  	s24 =	sand.u32 $0x1FFFFF80, s25  }
0x6bf: {  	s26 =	simm.s32 $0xAE00;
	s24 =	sadd.s32 s2, s24  }
0x6c0: {  	[tilespmem:s26], [sflag:$0x2] =	stream.linear.gather [hbm4b:s24+s23], $0x300, $0x38;
	[tilespmem:$0x18200] =	vst v63  }
0x6c1: {  	s25 =	spop (v2sf)  }
0x6c2: {  	s24 =	sand.u32 $0x1FFFFF80, s25  }
0x6c3: {  	s26 =	simm.s32 $0xB200;
	s24 =	sadd.s32 s2, s24  }
0x6c4: {  	[tilespmem:s26], [sflag:$0x2] =	stream.linear.gather [hbm4b:s24+s23], $0x300, $0x38;
	[tilespmem:$0x18200] =	vst v63  }
0x6c5: {  	s25 =	spop (v2sf)  }
0x6c6: {  	s24 =	sand.u32 $0x1FFFFF80, s25  }
0x6c7: {  	s26 =	simm.s32 $0xB600;
	s25 =	spop (v2sf);
	s24 =	sadd.s32 s2, s24  }
0x6c8: {  	[tilespmem:s26], [sflag:$0x2] =	stream.linear.gather [hbm4b:s24+s23], $0x300, $0x38;
	[tilespmem:$0x18200] =	vst v63  }
0x6c9: {  	s24 =	sand.u32 $0x1FFFFF80, s25  }
0x6ca: {  	s26 =	simm.s32 $0xBA00;
	s25 =	spop (v2sf);
	s24 =	sadd.s32 s2, s24  }
0x6cb: {  	[tilespmem:s26], [sflag:$0x2] =	stream.linear.gather [hbm4b:s24+s23], $0x300, $0x38;
	[tilespmem:$0x18200] =	vst v63  }
0x6cc: {  	s24 =	sand.u32 $0x1FFFFF80, s25  }
0x6cd: {  	s26 =	simm.s32 $0xBE00;
	s24 =	sadd.s32 s2, s24  }
0x6ce: {  	[tilespmem:s26], [sflag:$0x2] =	stream.linear.gather [hbm4b:s24+s23], $0x300, $0x38;
	[tilespmem:$0x18200] =	vst v63  }
0x6cf: {  	v63 =	vld [tilespmem:$0x1B0];
	_ =	sdelay $0x4  }
0x6d0: {  	v0 =	vshll.u32 v63, $0x7  }
0x6d1: {  	(v2sf) =	vpush v0, $0x0;
	_ =	sdelay $0x1  }
0x6d2: {  	(v2sf) =	vpush v0, $0x1;
	_ =	sdelay $0x2  }
0x6d3: {  	(v2sf) =	vpush v0, $0x2;
	_ =	sdelay $0x1  }
0x6d4: {  	(v2sf) =	vpush v0, $0x3;
	_ =	sdelay $0x2  }
0x6d5: {  	(v2sf) =	vpush v0, $0x4;
	_ =	sdelay $0x4  }
0x6d6: {  	s25 =	spop (v2sf);
	(v2sf) =	vpush v0, $0x5  }
0x6d7: {  	s24 =	sand.u32 $0x1FFFFF80, s25  }
0x6d8: {  	s26 =	simm.s32 $0xC200;
	s25 =	spop (v2sf);
	s24 =	sadd.s32 s2, s24  }
0x6d9: {  	[tilespmem:s26], [sflag:$0x2] =	stream.linear.gather [hbm4b:s24+s23], $0x300, $0x38;
	[tilespmem:$0x18200] =	vst v63  }
0x6da: {  	s24 =	sand.u32 $0x1FFFFF80, s25  }
0x6db: {  	s26 =	simm.s32 $0xC600;
	s25 =	spop (v2sf);
	(v2sf) =	vpush v0, $0x6;
	s24 =	sadd.s32 s2, s24  }
0x6dc: {  	[tilespmem:s26], [sflag:$0x2] =	stream.linear.gather [hbm4b:s24+s23], $0x300, $0x38;
	[tilespmem:$0x18200] =	vst v63  }
0x6dd: {  	s24 =	sand.u32 $0x1FFFFF80, s25;
	s25 =	spop (v2sf);
	(v2sf) =	vpush v0, $0x7  }
0x6de: {  	s26 =	simm.s32 $0xCA00;
	s24 =	sadd.s32 s2, s24  }
0x6df: {  	[tilespmem:s26], [sflag:$0x2] =	stream.linear.gather [hbm4b:s24+s23], $0x300, $0x38;
	[tilespmem:$0x18200] =	vst v63  }
0x6e0: {  	s24 =	sand.u32 $0x1FFFFF80, s25;
	s25 =	spop (v2sf);
	(v2sf) =	vpush v0, $0x8;
	_ =	sdelay $0x1  }
0x6e1: {  	s26 =	simm.s32 $0xCE00;
	s24 =	sadd.s32 s2, s24  }
0x6e2: {  	[tilespmem:s26], [sflag:$0x2] =	stream.linear.gather [hbm4b:s24+s23], $0x300, $0x38;
	[tilespmem:$0x18200] =	vst v63  }
0x6e3: {  	s24 =	sand.u32 $0x1FFFFF80, s25  }
0x6e4: {  	s26 =	simm.s32 $0xD200;
	s24 =	sadd.s32 s2, s24;
	s25 =	spop (v2sf);
	(v2sf) =	vpush v0, $0x9  }
0x6e5: {  	[tilespmem:s26], [sflag:$0x2] =	stream.linear.gather [hbm4b:s24+s23], $0x300, $0x38;
	[tilespmem:$0x18200] =	vst v63  }
0x6e6: {  	s24 =	sand.u32 $0x1FFFFF80, s25;
	(v2sf) =	vpush v0, $0xA  }
0x6e7: {  	s26 =	simm.s32 $0xD600;
	s24 =	sadd.s32 s2, s24  }
0x6e8: {  	[tilespmem:s26], [sflag:$0x2] =	stream.linear.gather [hbm4b:s24+s23], $0x300, $0x38;
	[tilespmem:$0x18200] =	vst v63  }
0x6e9: {  	s25 =	spop (v2sf);
	(v2sf) =	vpush v0, $0xB  }
0x6ea: {  	s24 =	sand.u32 $0x1FFFFF80, s25  }
0x6eb: {  	s26 =	simm.s32 $0xDA00;
	s24 =	sadd.s32 s2, s24;
	s25 =	spop (v2sf)  }
0x6ec: {  	(v2sf) =	vpush v0, $0xC;
	[tilespmem:s26], [sflag:$0x2] =	stream.linear.gather [hbm4b:s24+s23], $0x300, $0x38;
	[tilespmem:$0x18200] =	vst v63  }
0x6ed: {  	s24 =	sand.u32 $0x1FFFFF80, s25  }
0x6ee: {  	s26 =	simm.s32 $0xDE00;
	s24 =	sadd.s32 s2, s24;
	s25 =	spop (v2sf)  }
0x6ef: {  	(v2sf) =	vpush v0, $0xD;
	[tilespmem:s26], [sflag:$0x2] =	stream.linear.gather [hbm4b:s24+s23], $0x300, $0x38;
	[tilespmem:$0x18200] =	vst v63  }
0x6f0: {  	s24 =	sand.u32 $0x1FFFFF80, s25  }
0x6f1: {  	s26 =	simm.s32 $0xE200;
	s24 =	sadd.s32 s2, s24  }
0x6f2: {  	[tilespmem:s26], [sflag:$0x2] =	stream.linear.gather [hbm4b:s24+s23], $0x300, $0x38;
	[tilespmem:$0x18200] =	vst v63  }
0x6f3: {  	s25 =	spop (v2sf)  }
0x6f4: {  	(v2sf) =	vpush v0, $0xE;
	s24 =	sand.u32 $0x1FFFFF80, s25  }
0x6f5: {  	s26 =	simm.s32 $0xE600;
	s25 =	spop (v2sf);
	s24 =	sadd.s32 s2, s24  }
0x6f6: {  	(v2sf) =	vpush v0, $0xF;
	[tilespmem:s26], [sflag:$0x2] =	stream.linear.gather [hbm4b:s24+s23], $0x300, $0x38;
	[tilespmem:$0x18200] =	vst v63  }
0x6f7: {  	s24 =	sand.u32 $0x1FFFFF80, s25  }
0x6f8: {  	s25 =	spop (v2sf);
	s26 =	simm.s32 $0xEA00;
	s24 =	sadd.s32 s2, s24  }
0x6f9: {  	[tilespmem:s26], [sflag:$0x2] =	stream.linear.gather [hbm4b:s24+s23], $0x300, $0x38;
	[tilespmem:$0x18200] =	vst v63  }
0x6fa: {  	s26 =	sand.u32 $0x1FFFFF80, s25  }
0x6fb: {  	s25 =	spop (v2sf);
	s24 =	sadd.s32 s2, s26;
	s26 =	simm.s32 $0xEE00  }
0x6fc: {  	[tilespmem:s26], [sflag:$0x2] =	stream.linear.gather [hbm4b:s24+s23], $0x300, $0x38;
	[tilespmem:$0x18200] =	vst v63  }
0x6fd: {  	s26 =	sand.u32 $0x1FFFFF80, s25  }
0x6fe: {  	s25 =	spop (v2sf);
	s24 =	sadd.s32 s2, s26;
	s26 =	simm.s32 $0xF200  }
0x6ff: {  	[tilespmem:s26], [sflag:$0x2] =	stream.linear.gather [hbm4b:s24+s23], $0x300, $0x38;
	[tilespmem:$0x18200] =	vst v63  }
0x700: {  	s26 =	sand.u32 $0x1FFFFF80, s25  }
0x701: {  	s24 =	sadd.s32 s2, s26;
	s26 =	simm.s32 $0xF600  }
0x702: {  	[tilespmem:s26], [sflag:$0x2] =	stream.linear.gather [hbm4b:s24+s23], $0x300, $0x38;
	[tilespmem:$0x18200] =	vst v63  }
0x703: {  	s25 =	spop (v2sf)  }
0x704: {  	s25 =	sand.u32 $0x1FFFFF80, s25  }
0x705: {  	s26 =	simm.s32 $0xFA00;
	s24 =	sadd.s32 s2, s25;
	s25 =	spop (v2sf)  }
0x706: {  	[tilespmem:s26], [sflag:$0x2] =	stream.linear.gather [hbm4b:s24+s23], $0x300, $0x38;
	[tilespmem:$0x18200] =	vst v63  }
0x707: {  	s24 =	sand.u32 $0x1FFFFF80, s25  }
0x708: {  	s26 =	simm.s32 $0xFE00;
	s24 =	sadd.s32 s2, s24  }
0x709: {  	[tilespmem:s26], [sflag:$0x2] =	stream.linear.gather [hbm4b:s24+s23], $0x300, $0x38;
	[tilespmem:$0x18200] =	vst v63  }
0x70a: {  	_ =	swait.ge [sflag:s4], $0x6000  }
0x70b: {  	s25 =	simm.s32 $0x10600;
	s23 =	simm.s32 $0x10200;
	[sflag:s4] =	ssyncset.done $0x0  }
0x70c: {  	s24 =	simm.s32 $0x80;
	s26 =	sadd.s32 $0x0, s16;
	[sflag:s4] =	ssyncadd.s32 $0xFFFFA000  }
.LBB2_24:
0x70d: {  	[hbm4b:s26+s3] =	stream.linear.scatter [tilespmem:s23], [sflag:$0x6], $0x300, $0x38;
	[tilespmem:$0x18200] =	vst v63  }
0x70e: {  	s26 =	smov.u32 s24;
	s23 =	smov.u32 s25;
	p0 =	sne.s32 s24, $0xF80  }
.Ltmp11:
0x70f: {  	s24 =	sadd.s32 $0x80, s24;
	(pc) =	sbr.rel @p0 .LBB2_24-.Ltmp11, $2  }
0x710: {  	_ =	sdelay $0x2  }
0x711: {  	s25 =	sadd.s32 $0x400, s25;
	s26 =	sadd.s32 s26, s16  }
0x712: {  	[hbm4b:s26+s3] =	stream.linear.scatter [tilespmem:s23], [sflag:$0x6], $0x300, $0x38;
	[tilespmem:$0x18200] =	vst v63  }
0x713: {  	_ =	swait.ge [sflag:s21], $0x6000  }
0x714: {  	[sflag:s21] =	ssyncset.done $0x0  }
0x715: {  	[sflag:s21] =	ssyncadd.s32 $0xFFFFA000  }
0x716: {  	v0 =	vld [tilespmem:$0x1C0];
	_ =	sdelay $0x4  }
0x717: {  	v0 =	vshll.u32 v0, $0x7  }
0x718: {  	(v2sf) =	vpush v0, $0x0;
	_ =	sdelay $0x3  }
0x719: {  	(v2sf) =	vpush v0, $0x1;
	_ =	sdelay $0x1  }
0x71a: {  	(v2sf) =	vpush v0, $0x2;
	_ =	sdelay $0x6  }
0x71b: {  	(v2sf) =	vpush v0, $0x3;
	_ =	sdelay $0x1  }
0x71c: {  	s24 =	spop (v2sf);
	(v2sf) =	vpush v0, $0x4  }
0x71d: {  	s23 =	sand.u32 $0x1FFFFF80, s24  }
0x71e: {  	s25 =	simm.s32 $0x10200;
	s24 =	sadd.s32 s2, s23;
	s23 =	simm.s32 $0x0  }
0x71f: {  	[tilespmem:s25], [sflag:$0x3] =	stream.linear.gather [hbm4b:s24+s23], $0x300, $0x38;
	[tilespmem:$0x18200] =	vst v63  }
0x720: {  	s25 =	spop (v2sf);
	(v2sf) =	vpush v0, $0x5;
	_ =	sdelay $0x1  }
0x721: {  	s24 =	sand.u32 $0x1FFFFF80, s25;
	s25 =	spop (v2sf);
	(v2sf) =	vpush v0, $0x6;
	_ =	sdelay $0x2  }
0x722: {  	(v2sf) =	vpush v0, $0x7  }
0x723: {  	s26 =	simm.s32 $0x10600;
	s24 =	sadd.s32 s2, s24  }
0x724: {  	[tilespmem:s26], [sflag:$0x3] =	stream.linear.gather [hbm4b:s24+s23], $0x300, $0x38;
	[tilespmem:$0x18200] =	vst v63  }
0x725: {  	s24 =	sand.u32 $0x1FFFFF80, s25  }
0x726: {  	s26 =	simm.s32 $0x10A00;
	s25 =	spop (v2sf);
	s24 =	sadd.s32 s2, s24  }
0x727: {  	[tilespmem:s26], [sflag:$0x3] =	stream.linear.gather [hbm4b:s24+s23], $0x300, $0x38;
	[tilespmem:$0x18200] =	vst v63  }
0x728: {  	s24 =	sand.u32 $0x1FFFFF80, s25;
	s25 =	spop (v2sf);
	(v2sf) =	vpush v0, $0x8  }
0x729: {  	s26 =	simm.s32 $0x10E00;
	s24 =	sadd.s32 s2, s24  }
0x72a: {  	[tilespmem:s26], [sflag:$0x3] =	stream.linear.gather [hbm4b:s24+s23], $0x300, $0x38;
	[tilespmem:$0x18200] =	vst v63  }
0x72b: {  	s24 =	sand.u32 $0x1FFFFF80, s25  }
0x72c: {  	s26 =	simm.s32 $0x11200;
	s24 =	sadd.s32 s2, s24;
	s25 =	spop (v2sf);
	(v2sf) =	vpush v0, $0x9  }
0x72d: {  	[tilespmem:s26], [sflag:$0x3] =	stream.linear.gather [hbm4b:s24+s23], $0x300, $0x38;
	[tilespmem:$0x18200] =	vst v63  }
0x72e: {  	s24 =	sand.u32 $0x1FFFFF80, s25;
	s25 =	spop (v2sf);
	(v2sf) =	vpush v0, $0xA  }
0x72f: {  	s26 =	simm.s32 $0x11600;
	s24 =	sadd.s32 s2, s24  }
0x730: {  	[tilespmem:s26], [sflag:$0x3] =	stream.linear.gather [hbm4b:s24+s23], $0x300, $0x38;
	[tilespmem:$0x18200] =	vst v63  }
0x731: {  	s24 =	sand.u32 $0x1FFFFF80, s25;
	s25 =	spop (v2sf);
	(v2sf) =	vpush v0, $0xB;
	_ =	sdelay $0x3  }
0x732: {  	s26 =	simm.s32 $0x11A00;
	s24 =	sadd.s32 s2, s24  }
0x733: {  	[tilespmem:s26], [sflag:$0x3] =	stream.linear.gather [hbm4b:s24+s23], $0x300, $0x38;
	[tilespmem:$0x18200] =	vst v63  }
0x734: {  	s24 =	sand.u32 $0x1FFFFF80, s25;
	s25 =	spop (v2sf);
	(v2sf) =	vpush v0, $0xC  }
0x735: {  	s26 =	simm.s32 $0x11E00;
	s24 =	sadd.s32 s2, s24  }
0x736: {  	[tilespmem:s26], [sflag:$0x3] =	stream.linear.gather [hbm4b:s24+s23], $0x300, $0x38;
	[tilespmem:$0x18200] =	vst v63  }
0x737: {  	s24 =	sand.u32 $0x1FFFFF80, s25  }
0x738: {  	s26 =	simm.s32 $0x12200;
	s24 =	sadd.s32 s2, s24;
	s25 =	spop (v2sf);
	(v2sf) =	vpush v0, $0xD  }
0x739: {  	[tilespmem:s26], [sflag:$0x3] =	stream.linear.gather [hbm4b:s24+s23], $0x300, $0x38;
	[tilespmem:$0x18200] =	vst v63  }
0x73a: {  	s24 =	sand.u32 $0x1FFFFF80, s25;
	s25 =	spop (v2sf);
	(v2sf) =	vpush v0, $0xE  }
0x73b: {  	s26 =	simm.s32 $0x12600;
	s24 =	sadd.s32 s2, s24  }
0x73c: {  	[tilespmem:s26], [sflag:$0x3] =	stream.linear.gather [hbm4b:s24+s23], $0x300, $0x38;
	[tilespmem:$0x18200] =	vst v63  }
0x73d: {  	s24 =	sand.u32 $0x1FFFFF80, s25;
	s25 =	spop (v2sf);
	(v2sf) =	vpush v0, $0xF  }
0x73e: {  	s26 =	simm.s32 $0x12A00;
	s24 =	sadd.s32 s2, s24  }
0x73f: {  	[tilespmem:s26], [sflag:$0x3] =	stream.linear.gather [hbm4b:s24+s23], $0x300, $0x38;
	[tilespmem:$0x18200] =	vst v63  }
0x740: {  	s24 =	sand.u32 $0x1FFFFF80, s25  }
0x741: {  	s26 =	simm.s32 $0x12E00;
	s24 =	sadd.s32 s2, s24  }
0x742: {  	[tilespmem:s26], [sflag:$0x3] =	stream.linear.gather [hbm4b:s24+s23], $0x300, $0x38;
	[tilespmem:$0x18200] =	vst v63  }
0x743: {  	s25 =	spop (v2sf)  }
0x744: {  	s24 =	sand.u32 $0x1FFFFF80, s25  }
0x745: {  	s26 =	simm.s32 $0x13200;
	s24 =	sadd.s32 s2, s24  }
0x746: {  	[tilespmem:s26], [sflag:$0x3] =	stream.linear.gather [hbm4b:s24+s23], $0x300, $0x38;
	[tilespmem:$0x18200] =	vst v63  }
0x747: {  	s25 =	spop (v2sf)  }
0x748: {  	s24 =	sand.u32 $0x1FFFFF80, s25  }
0x749: {  	s26 =	simm.s32 $0x13600;
	s25 =	spop (v2sf);
	s24 =	sadd.s32 s2, s24  }
0x74a: {  	[tilespmem:s26], [sflag:$0x3] =	stream.linear.gather [hbm4b:s24+s23], $0x300, $0x38;
	[tilespmem:$0x18200] =	vst v63  }
0x74b: {  	s24 =	sand.u32 $0x1FFFFF80, s25  }
0x74c: {  	s26 =	simm.s32 $0x13A00;
	s25 =	spop (v2sf);
	s24 =	sadd.s32 s2, s24  }
0x74d: {  	[tilespmem:s26], [sflag:$0x3] =	stream.linear.gather [hbm4b:s24+s23], $0x300, $0x38;
	[tilespmem:$0x18200] =	vst v63  }
0x74e: {  	s24 =	sand.u32 $0x1FFFFF80, s25  }
0x74f: {  	s26 =	simm.s32 $0x13E00;
	s24 =	sadd.s32 s2, s24  }
0x750: {  	[tilespmem:s26], [sflag:$0x3] =	stream.linear.gather [hbm4b:s24+s23], $0x300, $0x38;
	[tilespmem:$0x18200] =	vst v63  }
0x751: {  	v63 =	vld [tilespmem:$0x1D0];
	_ =	sdelay $0x4  }
0x752: {  	v0 =	vshll.u32 v63, $0x7  }
0x753: {  	(v2sf) =	vpush v0, $0x0;
	_ =	sdelay $0x1  }
0x754: {  	(v2sf) =	vpush v0, $0x1;
	_ =	sdelay $0x2  }
0x755: {  	(v2sf) =	vpush v0, $0x2;
	_ =	sdelay $0x1  }
0x756: {  	(v2sf) =	vpush v0, $0x3;
	_ =	sdelay $0x2  }
0x757: {  	(v2sf) =	vpush v0, $0x4;
	_ =	sdelay $0x4  }
0x758: {  	s25 =	spop (v2sf);
	(v2sf) =	vpush v0, $0x5  }
0x759: {  	s24 =	sand.u32 $0x1FFFFF80, s25  }
0x75a: {  	s26 =	simm.s32 $0x14200;
	s25 =	spop (v2sf);
	s24 =	sadd.s32 s2, s24  }
0x75b: {  	[tilespmem:s26], [sflag:$0x3] =	stream.linear.gather [hbm4b:s24+s23], $0x300, $0x38;
	[tilespmem:$0x18200] =	vst v63  }
0x75c: {  	s24 =	sand.u32 $0x1FFFFF80, s25  }
0x75d: {  	s26 =	simm.s32 $0x14600;
	s25 =	spop (v2sf);
	(v2sf) =	vpush v0, $0x6;
	s24 =	sadd.s32 s2, s24  }
0x75e: {  	[tilespmem:s26], [sflag:$0x3] =	stream.linear.gather [hbm4b:s24+s23], $0x300, $0x38;
	[tilespmem:$0x18200] =	vst v63  }
0x75f: {  	s24 =	sand.u32 $0x1FFFFF80, s25;
	s25 =	spop (v2sf);
	(v2sf) =	vpush v0, $0x7  }
0x760: {  	s26 =	simm.s32 $0x14A00;
	s24 =	sadd.s32 s2, s24  }
0x761: {  	[tilespmem:s26], [sflag:$0x3] =	stream.linear.gather [hbm4b:s24+s23], $0x300, $0x38;
	[tilespmem:$0x18200] =	vst v63  }
0x762: {  	s24 =	sand.u32 $0x1FFFFF80, s25;
	s25 =	spop (v2sf);
	(v2sf) =	vpush v0, $0x8;
	_ =	sdelay $0x1  }
0x763: {  	s26 =	simm.s32 $0x14E00;
	s24 =	sadd.s32 s2, s24  }
0x764: {  	[tilespmem:s26], [sflag:$0x3] =	stream.linear.gather [hbm4b:s24+s23], $0x300, $0x38;
	[tilespmem:$0x18200] =	vst v63  }
0x765: {  	s24 =	sand.u32 $0x1FFFFF80, s25  }
0x766: {  	s26 =	simm.s32 $0x15200;
	s24 =	sadd.s32 s2, s24;
	s25 =	spop (v2sf);
	(v2sf) =	vpush v0, $0x9  }
0x767: {  	[tilespmem:s26], [sflag:$0x3] =	stream.linear.gather [hbm4b:s24+s23], $0x300, $0x38;
	[tilespmem:$0x18200] =	vst v63  }
0x768: {  	s24 =	sand.u32 $0x1FFFFF80, s25;
	(v2sf) =	vpush v0, $0xA  }
0x769: {  	s26 =	simm.s32 $0x15600;
	s24 =	sadd.s32 s2, s24  }
0x76a: {  	[tilespmem:s26], [sflag:$0x3] =	stream.linear.gather [hbm4b:s24+s23], $0x300, $0x38;
	[tilespmem:$0x18200] =	vst v63  }
0x76b: {  	s25 =	spop (v2sf);
	(v2sf) =	vpush v0, $0xB  }
0x76c: {  	s24 =	sand.u32 $0x1FFFFF80, s25  }
0x76d: {  	s26 =	simm.s32 $0x15A00;
	s24 =	sadd.s32 s2, s24;
	s25 =	spop (v2sf)  }
0x76e: {  	(v2sf) =	vpush v0, $0xC;
	[tilespmem:s26], [sflag:$0x3] =	stream.linear.gather [hbm4b:s24+s23], $0x300, $0x38;
	[tilespmem:$0x18200] =	vst v63  }
0x76f: {  	s24 =	sand.u32 $0x1FFFFF80, s25  }
0x770: {  	s26 =	simm.s32 $0x15E00;
	s24 =	sadd.s32 s2, s24;
	s25 =	spop (v2sf)  }
0x771: {  	(v2sf) =	vpush v0, $0xD;
	[tilespmem:s26], [sflag:$0x3] =	stream.linear.gather [hbm4b:s24+s23], $0x300, $0x38;
	[tilespmem:$0x18200] =	vst v63  }
0x772: {  	s24 =	sand.u32 $0x1FFFFF80, s25  }
0x773: {  	s26 =	simm.s32 $0x16200;
	s24 =	sadd.s32 s2, s24  }
0x774: {  	[tilespmem:s26], [sflag:$0x3] =	stream.linear.gather [hbm4b:s24+s23], $0x300, $0x38;
	[tilespmem:$0x18200] =	vst v63  }
0x775: {  	s25 =	spop (v2sf)  }
0x776: {  	(v2sf) =	vpush v0, $0xE;
	s24 =	sand.u32 $0x1FFFFF80, s25  }
0x777: {  	s26 =	simm.s32 $0x16600;
	s25 =	spop (v2sf);
	s24 =	sadd.s32 s2, s24  }
0x778: {  	(v2sf) =	vpush v0, $0xF;
	[tilespmem:s26], [sflag:$0x3] =	stream.linear.gather [hbm4b:s24+s23], $0x300, $0x38;
	[tilespmem:$0x18200] =	vst v63  }
0x779: {  	s24 =	sand.u32 $0x1FFFFF80, s25  }
0x77a: {  	s25 =	spop (v2sf);
	s26 =	simm.s32 $0x16A00;
	s24 =	sadd.s32 s2, s24  }
0x77b: {  	[tilespmem:s26], [sflag:$0x3] =	stream.linear.gather [hbm4b:s24+s23], $0x300, $0x38;
	[tilespmem:$0x18200] =	vst v63  }
0x77c: {  	s26 =	sand.u32 $0x1FFFFF80, s25  }
0x77d: {  	s25 =	spop (v2sf);
	s24 =	sadd.s32 s2, s26;
	s26 =	simm.s32 $0x16E00  }
0x77e: {  	[tilespmem:s26], [sflag:$0x3] =	stream.linear.gather [hbm4b:s24+s23], $0x300, $0x38;
	[tilespmem:$0x18200] =	vst v63  }
0x77f: {  	s26 =	sand.u32 $0x1FFFFF80, s25  }
0x780: {  	s25 =	spop (v2sf);
	s24 =	sadd.s32 s2, s26;
	s26 =	simm.s32 $0x17200  }
0x781: {  	[tilespmem:s26], [sflag:$0x3] =	stream.linear.gather [hbm4b:s24+s23], $0x300, $0x38;
	[tilespmem:$0x18200] =	vst v63  }
0x782: {  	s26 =	sand.u32 $0x1FFFFF80, s25  }
0x783: {  	s24 =	sadd.s32 s2, s26;
	s26 =	simm.s32 $0x17600  }
0x784: {  	[tilespmem:s26], [sflag:$0x3] =	stream.linear.gather [hbm4b:s24+s23], $0x300, $0x38;
	[tilespmem:$0x18200] =	vst v63  }
0x785: {  	s25 =	spop (v2sf)  }
0x786: {  	s25 =	sand.u32 $0x1FFFFF80, s25  }
0x787: {  	s26 =	simm.s32 $0x17A00;
	s24 =	sadd.s32 s2, s25;
	s25 =	spop (v2sf)  }
0x788: {  	[tilespmem:s26], [sflag:$0x3] =	stream.linear.gather [hbm4b:s24+s23], $0x300, $0x38;
	[tilespmem:$0x18200] =	vst v63  }
0x789: {  	s24 =	sand.u32 $0x1FFFFF80, s25  }
0x78a: {  	s26 =	simm.s32 $0x17E00;
	s24 =	sadd.s32 s2, s24  }
0x78b: {  	[tilespmem:s26], [sflag:$0x3] =	stream.linear.gather [hbm4b:s24+s23], $0x300, $0x38;
	[tilespmem:$0x18200] =	vst v63  }
0x78c: {  	_ =	swait.ge [sflag:s29], $0x6000  }
0x78d: {  	s25 =	simm.s32 $0x600;
	s23 =	simm.s32 $0x200;
	[sflag:s29] =	ssyncset.done $0x0  }
0x78e: {  	s24 =	simm.s32 $0x80;
	s26 =	sadd.s32 $0x0, s17;
	[sflag:s29] =	ssyncadd.s32 $0xFFFFA000  }
.LBB2_26:
0x78f: {  	[hbm4b:s26+s3] =	stream.linear.scatter [tilespmem:s23], [sflag:$0x4], $0x300, $0x38;
	[tilespmem:$0x18200] =	vst v63  }
0x790: {  	s26 =	smov.u32 s24;
	s23 =	smov.u32 s25;
	p0 =	sne.s32 s24, $0xF80  }
.Ltmp12:
0x791: {  	s24 =	sadd.s32 $0x80, s24;
	(pc) =	sbr.rel @p0 .LBB2_26-.Ltmp12, $2  }
0x792: {  	_ =	sdelay $0x2  }
0x793: {  	s25 =	sadd.s32 $0x400, s25;
	s26 =	sadd.s32 s26, s17  }
0x794: {  	[hbm4b:s26+s3] =	stream.linear.scatter [tilespmem:s23], [sflag:$0x4], $0x300, $0x38;
	[tilespmem:$0x18200] =	vst v63  }
0x795: {  	_ =	swait.ge [sflag:s30], $0x6000  }
0x796: {  	[sflag:s30] =	ssyncset.done $0x0  }
0x797: {  	[sflag:s30] =	ssyncadd.s32 $0xFFFFA000  }
0x798: {  	v0 =	vld [tilespmem:$0x1E0];
	_ =	sdelay $0x4  }
0x799: {  	v0 =	vshll.u32 v0, $0x7  }
0x79a: {  	(v2sf) =	vpush v0, $0x0;
	_ =	sdelay $0x1  }
0x79b: {  	(v2sf) =	vpush v0, $0x1;
	_ =	sdelay $0x4  }
0x79c: {  	(v2sf) =	vpush v0, $0x2;
	_ =	sdelay $0x4  }
0x79d: {  	(v2sf) =	vpush v0, $0x3;
	_ =	sdelay $0x2  }
0x79e: {  	s25 =	spop (v2sf);
	(v2sf) =	vpush v0, $0x4  }
0x79f: {  	s23 =	sand.u32 $0x1FFFFF80, s25  }
0x7a0: {  	s26 =	spop (v2sf);
	(v2sf) =	vpush v0, $0x5;
	s24 =	sadd.s32 s2, s23;
	s23 =	simm.s32 $0x0  }
0x7a1: {  	[tilespmem:s31], [sflag:$0x1] =	stream.linear.gather [hbm4b:s24+s23], $0x300, $0x38;
	[tilespmem:$0x18200] =	vst v63  }
0x7a2: {  	s24 =	sand.u32 $0x1FFFFF80, s26  }
0x7a3: {  	s25 =	simm.s32 $0x600;
	s24 =	sadd.s32 s2, s24  }
0x7a4: {  	[tilespmem:s25], [sflag:$0x1] =	stream.linear.gather [hbm4b:s24+s23], $0x300, $0x38;
	[tilespmem:$0x18200] =	vst v63  }
0x7a5: {  	s25 =	spop (v2sf);
	(v2sf) =	vpush v0, $0x6;
	_ =	sdelay $0x1  }
0x7a6: {  	(v2sf) =	vpush v0, $0x7;
	_ =	sdelay $0x1  }
0x7a7: {  	s24 =	sand.u32 $0x1FFFFF80, s25  }
0x7a8: {  	s26 =	simm.s32 $0xA00;
	s25 =	spop (v2sf);
	s24 =	sadd.s32 s2, s24  }
0x7a9: {  	[tilespmem:s26], [sflag:$0x1] =	stream.linear.gather [hbm4b:s24+s23], $0x300, $0x38;
	[tilespmem:$0x18200] =	vst v63  }
0x7aa: {  	s24 =	sand.u32 $0x1FFFFF80, s25  }
0x7ab: {  	s26 =	simm.s32 $0xE00;
	s24 =	sadd.s32 s2, s24;
	s25 =	spop (v2sf);
	(v2sf) =	vpush v0, $0x8  }
0x7ac: {  	[tilespmem:s26], [sflag:$0x1] =	stream.linear.gather [hbm4b:s24+s23], $0x300, $0x38;
	[tilespmem:$0x18200] =	vst v63  }
0x7ad: {  	s24 =	sand.u32 $0x1FFFFF80, s25;
	s25 =	spop (v2sf);
	(v2sf) =	vpush v0, $0x9;
	_ =	sdelay $0x1  }
0x7ae: {  	s26 =	simm.s32 $0x1200;
	s24 =	sadd.s32 s2, s24  }
0x7af: {  	[tilespmem:s26], [sflag:$0x1] =	stream.linear.gather [hbm4b:s24+s23], $0x300, $0x38;
	[tilespmem:$0x18200] =	vst v63  }
0x7b0: {  	s24 =	sand.u32 $0x1FFFFF80, s25  }
0x7b1: {  	s26 =	simm.s32 $0x1600;
	s24 =	sadd.s32 s2, s24;
	s25 =	spop (v2sf);
	(v2sf) =	vpush v0, $0xA  }
0x7b2: {  	[tilespmem:s26], [sflag:$0x1] =	stream.linear.gather [hbm4b:s24+s23], $0x300, $0x38;
	[tilespmem:$0x18200] =	vst v63  }
0x7b3: {  	s24 =	sand.u32 $0x1FFFFF80, s25;
	s25 =	spop (v2sf);
	(v2sf) =	vpush v0, $0xB;
	_ =	sdelay $0x2  }
0x7b4: {  	s26 =	simm.s32 $0x1A00;
	s24 =	sadd.s32 s2, s24  }
0x7b5: {  	[tilespmem:s26], [sflag:$0x1] =	stream.linear.gather [hbm4b:s24+s23], $0x300, $0x38;
	[tilespmem:$0x18200] =	vst v63  }
0x7b6: {  	s24 =	sand.u32 $0x1FFFFF80, s25  }
0x7b7: {  	s26 =	simm.s32 $0x1E00;
	s24 =	sadd.s32 s2, s24;
	s25 =	spop (v2sf);
	(v2sf) =	vpush v0, $0xC  }
0x7b8: {  	[tilespmem:s26], [sflag:$0x1] =	stream.linear.gather [hbm4b:s24+s23], $0x300, $0x38;
	[tilespmem:$0x18200] =	vst v63  }
0x7b9: {  	s24 =	sand.u32 $0x1FFFFF80, s25;
	s25 =	spop (v2sf);
	(v2sf) =	vpush v0, $0xD;
	_ =	sdelay $0x1  }
0x7ba: {  	s26 =	simm.s32 $0x2200;
	s24 =	sadd.s32 s2, s24  }
0x7bb: {  	[tilespmem:s26], [sflag:$0x1] =	stream.linear.gather [hbm4b:s24+s23], $0x300, $0x38;
	[tilespmem:$0x18200] =	vst v63  }
0x7bc: {  	s24 =	sand.u32 $0x1FFFFF80, s25  }
0x7bd: {  	s26 =	simm.s32 $0x2600;
	s24 =	sadd.s32 s2, s24;
	s25 =	spop (v2sf);
	(v2sf) =	vpush v0, $0xE  }
0x7be: {  	[tilespmem:s26], [sflag:$0x1] =	stream.linear.gather [hbm4b:s24+s23], $0x300, $0x38;
	[tilespmem:$0x18200] =	vst v63  }
0x7bf: {  	s24 =	sand.u32 $0x1FFFFF80, s25;
	s25 =	spop (v2sf);
	(v2sf) =	vpush v0, $0xF  }
0x7c0: {  	s26 =	simm.s32 $0x2A00;
	s24 =	sadd.s32 s2, s24  }
0x7c1: {  	[tilespmem:s26], [sflag:$0x1] =	stream.linear.gather [hbm4b:s24+s23], $0x300, $0x38;
	[tilespmem:$0x18200] =	vst v63  }
0x7c2: {  	s24 =	sand.u32 $0x1FFFFF80, s25  }
0x7c3: {  	s26 =	simm.s32 $0x2E00;
	s24 =	sadd.s32 s2, s24  }
0x7c4: {  	[tilespmem:s26], [sflag:$0x1] =	stream.linear.gather [hbm4b:s24+s23], $0x300, $0x38;
	[tilespmem:$0x18200] =	vst v63  }
0x7c5: {  	s25 =	spop (v2sf)  }
0x7c6: {  	s24 =	sand.u32 $0x1FFFFF80, s25  }
0x7c7: {  	s26 =	simm.s32 $0x3200;
	s25 =	spop (v2sf);
	s24 =	sadd.s32 s2, s24  }
0x7c8: {  	[tilespmem:s26], [sflag:$0x1] =	stream.linear.gather [hbm4b:s24+s23], $0x300, $0x38;
	[tilespmem:$0x18200] =	vst v63  }
0x7c9: {  	s24 =	sand.u32 $0x1FFFFF80, s25  }
0x7ca: {  	s26 =	simm.s32 $0x3600;
	s24 =	sadd.s32 s2, s24  }
0x7cb: {  	[tilespmem:s26], [sflag:$0x1] =	stream.linear.gather [hbm4b:s24+s23], $0x300, $0x38;
	[tilespmem:$0x18200] =	vst v63  }
0x7cc: {  	s25 =	spop (v2sf)  }
0x7cd: {  	s24 =	sand.u32 $0x1FFFFF80, s25  }
0x7ce: {  	s26 =	simm.s32 $0x3A00;
	s25 =	spop (v2sf);
	s24 =	sadd.s32 s2, s24  }
0x7cf: {  	[tilespmem:s26], [sflag:$0x1] =	stream.linear.gather [hbm4b:s24+s23], $0x300, $0x38;
	[tilespmem:$0x18200] =	vst v63  }
0x7d0: {  	s24 =	sand.u32 $0x1FFFFF80, s25  }
0x7d1: {  	s26 =	simm.s32 $0x3E00;
	s24 =	sadd.s32 s2, s24  }
0x7d2: {  	[tilespmem:s26], [sflag:$0x1] =	stream.linear.gather [hbm4b:s24+s23], $0x300, $0x38;
	[tilespmem:$0x18200] =	vst v63  }
0x7d3: {  	v63 =	vld [tilespmem:$0x1F0];
	_ =	sdelay $0x4  }
0x7d4: {  	v0 =	vshll.u32 v63, $0x7  }
0x7d5: {  	(v2sf) =	vpush v0, $0x0;
	_ =	sdelay $0x1  }
0x7d6: {  	(v2sf) =	vpush v0, $0x1;
	_ =	sdelay $0x2  }
0x7d7: {  	(v2sf) =	vpush v0, $0x2;
	_ =	sdelay $0x1  }
0x7d8: {  	(v2sf) =	vpush v0, $0x3;
	_ =	sdelay $0x2  }
0x7d9: {  	(v2sf) =	vpush v0, $0x4;
	_ =	sdelay $0x4  }
0x7da: {  	s25 =	spop (v2sf);
	(v2sf) =	vpush v0, $0x5  }
0x7db: {  	s24 =	sand.u32 $0x1FFFFF80, s25  }
0x7dc: {  	s26 =	simm.s32 $0x4200;
	s25 =	spop (v2sf);
	s24 =	sadd.s32 s2, s24  }
0x7dd: {  	[tilespmem:s26], [sflag:$0x1] =	stream.linear.gather [hbm4b:s24+s23], $0x300, $0x38;
	[tilespmem:$0x18200] =	vst v63  }
0x7de: {  	s24 =	sand.u32 $0x1FFFFF80, s25  }
0x7df: {  	s26 =	simm.s32 $0x4600;
	s25 =	spop (v2sf);
	(v2sf) =	vpush v0, $0x6;
	s24 =	sadd.s32 s2, s24  }
0x7e0: {  	[tilespmem:s26], [sflag:$0x1] =	stream.linear.gather [hbm4b:s24+s23], $0x300, $0x38;
	[tilespmem:$0x18200] =	vst v63  }
0x7e1: {  	s24 =	sand.u32 $0x1FFFFF80, s25;
	s25 =	spop (v2sf);
	(v2sf) =	vpush v0, $0x7  }
0x7e2: {  	s26 =	simm.s32 $0x4A00;
	s24 =	sadd.s32 s2, s24  }
0x7e3: {  	[tilespmem:s26], [sflag:$0x1] =	stream.linear.gather [hbm4b:s24+s23], $0x300, $0x38;
	[tilespmem:$0x18200] =	vst v63  }
0x7e4: {  	s24 =	sand.u32 $0x1FFFFF80, s25;
	s25 =	spop (v2sf);
	(v2sf) =	vpush v0, $0x8;
	_ =	sdelay $0x1  }
0x7e5: {  	s26 =	simm.s32 $0x4E00;
	s24 =	sadd.s32 s2, s24  }
0x7e6: {  	[tilespmem:s26], [sflag:$0x1] =	stream.linear.gather [hbm4b:s24+s23], $0x300, $0x38;
	[tilespmem:$0x18200] =	vst v63  }
0x7e7: {  	s24 =	sand.u32 $0x1FFFFF80, s25  }
0x7e8: {  	s26 =	simm.s32 $0x5200;
	s24 =	sadd.s32 s2, s24;
	s25 =	spop (v2sf);
	(v2sf) =	vpush v0, $0x9  }
0x7e9: {  	[tilespmem:s26], [sflag:$0x1] =	stream.linear.gather [hbm4b:s24+s23], $0x300, $0x38;
	[tilespmem:$0x18200] =	vst v63  }
0x7ea: {  	s24 =	sand.u32 $0x1FFFFF80, s25;
	(v2sf) =	vpush v0, $0xA  }
0x7eb: {  	s26 =	simm.s32 $0x5600;
	s24 =	sadd.s32 s2, s24  }
0x7ec: {  	[tilespmem:s26], [sflag:$0x1] =	stream.linear.gather [hbm4b:s24+s23], $0x300, $0x38;
	[tilespmem:$0x18200] =	vst v63  }
0x7ed: {  	s25 =	spop (v2sf);
	(v2sf) =	vpush v0, $0xB  }
0x7ee: {  	s24 =	sand.u32 $0x1FFFFF80, s25  }
0x7ef: {  	s26 =	simm.s32 $0x5A00;
	s24 =	sadd.s32 s2, s24;
	s25 =	spop (v2sf)  }
0x7f0: {  	(v2sf) =	vpush v0, $0xC;
	[tilespmem:s26], [sflag:$0x1] =	stream.linear.gather [hbm4b:s24+s23], $0x300, $0x38;
	[tilespmem:$0x18200] =	vst v63  }
0x7f1: {  	s24 =	sand.u32 $0x1FFFFF80, s25  }
0x7f2: {  	s26 =	simm.s32 $0x5E00;
	s24 =	sadd.s32 s2, s24;
	s25 =	spop (v2sf)  }
0x7f3: {  	(v2sf) =	vpush v0, $0xD;
	[tilespmem:s26], [sflag:$0x1] =	stream.linear.gather [hbm4b:s24+s23], $0x300, $0x38;
	[tilespmem:$0x18200] =	vst v63  }
0x7f4: {  	s24 =	sand.u32 $0x1FFFFF80, s25  }
0x7f5: {  	s26 =	simm.s32 $0x6200;
	s24 =	sadd.s32 s2, s24  }
0x7f6: {  	[tilespmem:s26], [sflag:$0x1] =	stream.linear.gather [hbm4b:s24+s23], $0x300, $0x38;
	[tilespmem:$0x18200] =	vst v63  }
0x7f7: {  	s25 =	spop (v2sf)  }
0x7f8: {  	(v2sf) =	vpush v0, $0xE;
	s24 =	sand.u32 $0x1FFFFF80, s25  }
0x7f9: {  	s26 =	simm.s32 $0x6600;
	s25 =	spop (v2sf);
	s24 =	sadd.s32 s2, s24  }
0x7fa: {  	[tilespmem:s26], [sflag:$0x1] =	stream.linear.gather [hbm4b:s24+s23], $0x300, $0x38;
	[tilespmem:$0x18200] =	vst v63  }
0x7fb: {  	s24 =	sand.u32 $0x1FFFFF80, s25  }
0x7fc: {  	(v2sf) =	vpush v0, $0xF;
	s25 =	spop (v2sf);
	s26 =	simm.s32 $0x6A00;
	s24 =	sadd.s32 s2, s24  }
0x7fd: {  	[tilespmem:s26], [sflag:$0x1] =	stream.linear.gather [hbm4b:s24+s23], $0x300, $0x38;
	[tilespmem:$0x18200] =	vst v63  }
0x7fe: {  	s26 =	sand.u32 $0x1FFFFF80, s25  }
0x7ff: {  	s25 =	spop (v2sf);
	s24 =	sadd.s32 s2, s26;
	s26 =	simm.s32 $0x6E00  }
0x800: {  	[tilespmem:s26], [sflag:$0x1] =	stream.linear.gather [hbm4b:s24+s23], $0x300, $0x38;
	[tilespmem:$0x18200] =	vst v63  }
0x801: {  	s26 =	sand.u32 $0x1FFFFF80, s25  }
0x802: {  	s25 =	spop (v2sf);
	s24 =	sadd.s32 s2, s26;
	s26 =	simm.s32 $0x7200  }
0x803: {  	[tilespmem:s26], [sflag:$0x1] =	stream.linear.gather [hbm4b:s24+s23], $0x300, $0x38;
	[tilespmem:$0x18200] =	vst v63  }
0x804: {  	s26 =	sand.u32 $0x1FFFFF80, s25  }
0x805: {  	s24 =	sadd.s32 s2, s26;
	s26 =	simm.s32 $0x7600  }
0x806: {  	[tilespmem:s26], [sflag:$0x1] =	stream.linear.gather [hbm4b:s24+s23], $0x300, $0x38;
	[tilespmem:$0x18200] =	vst v63  }
0x807: {  	s25 =	spop (v2sf)  }
0x808: {  	s25 =	sand.u32 $0x1FFFFF80, s25  }
0x809: {  	s26 =	simm.s32 $0x7A00;
	s24 =	sadd.s32 s2, s25  }
0x80a: {  	[tilespmem:s26], [sflag:$0x1] =	stream.linear.gather [hbm4b:s24+s23], $0x300, $0x38;
	[tilespmem:$0x18200] =	vst v63  }
0x80b: {  	s26 =	spop (v2sf)  }
0x80c: {  	s24 =	sand.u32 $0x1FFFFF80, s26  }
0x80d: {  	s24 =	sadd.s32 s2, s24  }
0x80e: {  	[tilespmem:s28], [sflag:$0x1] =	stream.linear.gather [hbm4b:s24+s23], $0x300, $0x38;
	[tilespmem:$0x18200] =	vst v63  }
0x80f: {  	_ =	swait.ge [sflag:s0], $0x6000  }
0x810: {  	s25 =	simm.s32 $0x8600;
	s26 =	sadd.s32 $0x0, s18;
	[sflag:s0] =	ssyncset.done $0x0  }
0x811: {  	s23 =	simm.s32 $0x8200;
	s24 =	simm.s32 $0x80;
	[sflag:s0] =	ssyncadd.s32 $0xFFFFA000  }
.LBB2_28:
0x812: {  	[hbm4b:s26+s3] =	stream.linear.scatter [tilespmem:s23], [sflag:$0x5], $0x300, $0x38;
	[tilespmem:$0x18200] =	vst v63  }
0x813: {  	s26 =	smov.u32 s24;
	s23 =	smov.u32 s25;
	p0 =	sne.s32 s24, $0xF80  }
.Ltmp13:
0x814: {  	s24 =	sadd.s32 $0x80, s24;
	(pc) =	sbr.rel @p0 .LBB2_28-.Ltmp13, $2  }
0x815: {  	_ =	sdelay $0x2  }
0x816: {  	s25 =	sadd.s32 $0x400, s25;
	s26 =	sadd.s32 s26, s18  }
0x817: {  	[hbm4b:s26+s3] =	stream.linear.scatter [tilespmem:s23], [sflag:$0x5], $0x300, $0x38;
	[tilespmem:$0x18200] =	vst v63  }
0x818: {  	_ =	swait.ge [sflag:s4], $0x6000  }
0x819: {  	s23 =	simm.s32 $0x10200;
	s24 =	simm.s32 $0x80;
	[sflag:s4] =	ssyncset.done $0x0  }
0x81a: {  	s26 =	sadd.s32 $0x0, s19;
	s25 =	simm.s32 $0x10600;
	[sflag:s4] =	ssyncadd.s32 $0xFFFFA000  }
.LBB2_30:
0x81b: {  	[hbm4b:s26+s3] =	stream.linear.scatter [tilespmem:s23], [sflag:$0x6], $0x300, $0x38;
	[tilespmem:$0x18200] =	vst v63  }
0x81c: {  	s26 =	smov.u32 s24;
	s23 =	smov.u32 s25;
	p0 =	sne.s32 s24, $0xF80  }
.Ltmp14:
0x81d: {  	s24 =	sadd.s32 $0x80, s24;
	(pc) =	sbr.rel @p0 .LBB2_30-.Ltmp14, $2  }
0x81e: {  	_ =	sdelay $0x2  }
0x81f: {  	s25 =	sadd.s32 $0x400, s25;
	s26 =	sadd.s32 s26, s19  }
0x820: {  	[hbm4b:s26+s3] =	stream.linear.scatter [tilespmem:s23], [sflag:$0x6], $0x300, $0x38;
	[tilespmem:$0x18200] =	vst v63  }
0x821: {  	_ =	swait.ge [sflag:s29], $0x6000  }
0x822: {  	s23 =	simm.s32 $0x200;
	s24 =	simm.s32 $0x80;
	[sflag:s29] =	ssyncset.done $0x0  }
0x823: {  	s26 =	sadd.s32 $0x0, s20;
	s25 =	simm.s32 $0x600;
	[sflag:s29] =	ssyncadd.s32 $0xFFFFA000  }
.LBB2_32:
0x824: {  	[hbm4b:s26+s3] =	stream.linear.scatter [tilespmem:s23], [sflag:$0x4], $0x300, $0x38;
	[tilespmem:$0x18200] =	vst v63  }
0x825: {  	s26 =	smov.u32 s24;
	s23 =	smov.u32 s25;
	p0 =	sne.s32 s24, $0xF80  }
.Ltmp15:
0x826: {  	s24 =	sadd.s32 $0x80, s24;
	(pc) =	sbr.rel @p0 .LBB2_32-.Ltmp15, $2  }
0x827: {  	_ =	sdelay $0x2  }
0x828: {  	s25 =	sadd.s32 $0x400, s25;
	s26 =	sadd.s32 s26, s20  }
0x829: {  	[hbm4b:s26+s3] =	stream.linear.scatter [tilespmem:s23], [sflag:$0x4], $0x300, $0x38;
	[tilespmem:$0x18200] =	vst v63  }
0x82a: {  	_ =	swait.ge [sflag:s30], $0x6000  }
0x82b: {  	[sflag:s30] =	ssyncset.done $0x0  }
0x82c: {  	[sflag:s30] =	ssyncadd.s32 $0xFFFFA000  }
0x82d: {  	_ =	swait.ge [sflag:s1], $0x6000  }
0x82e: {  	[sflag:s1] =	ssyncset.done $0x0  }
0x82f: {  	[sflag:s1] =	ssyncadd.s32 $0xFFFFA000  }
0x830: {  	_ =	swait.ge [sflag:s21], $0x6000  }
0x831: {  	s22 =	sadd.s32 $0x1, s22;
	s26 =	rddreg [dreg:$0x4]  }
0x832: {  	p0 =	sne.s32 s22, s26  }
.Ltmp16:
0x833: {  	_ = 	snop;
	(pc) =	sbr.rel @p0 .LBB2_1-.Ltmp16, $3  }
0x834: {  	_ =	sdelay $0x1  }
0x835: {  	[sflag:s21] =	ssyncset.done $0x0  }
0x836: {  	[sflag:s21] =	ssyncadd.s32 $0xFFFFA000  }
0x837: {  	_ =	sfence.sel $0x180000  }
0x838: {  	[bflag:$0x0] =	sbarrier.arrive $0xFFFF  }
0x839: {  	_ =	strace $0x90000047  }
0x83a: {  	s0 =	stileid.u32;
	[bflag:$0x2] =	sbarrier.arrive $0xFFFF  }
0x83b: {  	p0 =	sne.s32 s0, $0x0;
	s0 =	rddreg [dreg:$0x2]  }
0x83c: {  	s0 =	sadd.s32 @!p0 $0x100000, s0  }
0x83d: {  	[sflag:s0] =	ssyncadd.tile.s32 @!p0 $0x1;
	_ =	shalt  }
.Lfunc_end2:
_tile_overlayer_lowered:
.L_overlay_start_2:
0x83e: {  	(tag) =	ssettag $0x2  }
0x83f: {  	s0 =	rddreg [dreg:$0x0];
	s2 =	stileid.u32  }
0x840: {  	s1 =	rddreg [dreg:$0x1];
	p0 =	sne.s32 s2, $0x0  }
0x841: {  	s3 =	rddreg [dreg:$0x2];
	[bflag:$0x3] =	sbarrier.arrive $0xFFFF;
	s2 =	simm.s32 @!p0 $0x1C07  }
0x842: {  	[timem:s3], [sflag:s2] =	dma.local @!p0 [hbm:s0], s1  }
0x843: {  	s0 =	simm.s32 @!p0 $0x7  }
0x844: {  	_ =	swait.ge @!p0 [sflag:s0], s1  }
0x845: {  	s1 =	ssub.s32 @!p0 $0x0, s1;
	[sflag:s0] =	ssyncset.done @!p0 $0x0  }
0x846: {  	[sflag:s0] =	ssyncadd.s32 @!p0 s1  }
0x847: {  	[bflag:$0x3] =	sbarrier.arrive $0xFFFF  }
0x848: {  	_ =	shalt  }

</sc_bundles>
